<compile_context>
chip_gen: v7x
topology: tpu7x:2x2x1
jax: 0.10.2.dev20260603
libtpu: 0.0.44.dev20260713+nightly
codegen_flags: <defaults>
</compile_context>

<pallas_src>
import functools

import jax
import jax.numpy as jnp
from jax import lax
from jax.experimental import pallas as pl
from jax.experimental.pallas import tpu as pltpu
from jax.experimental.pallas import tpu_sc as plsc

_NS = 16
_L = 16


def _rsqrt_newton(x):
    xi = lax.bitcast_convert_type(x, jnp.int32)
    yi = jnp.int32(0x5F3759DF) - lax.shift_right_logical(xi, 1)
    y = lax.bitcast_convert_type(yi, jnp.float32)
    half_x = 0.5 * x
    for _ in range(3):
        y = y * (1.5 - half_x * y * y)
    return y


def _sc_body(B, C, H, W, K, mshift,
             tl_hbm, bl_hbm, br_hbm, tags_hbm,
             out_hbm,
             tags_v, idx6, val6, misc_f, idx_sc, lidx, shared, sem):
    HW = H * W
    CHW = C * HW
    n_chunks = K // _L
    tag_mask = (1 << mshift) - 1

    b = lax.axis_index("s")
    item_base = b * K

    pltpu.sync_copy(tags_hbm.at[pl.ds(0, 3), pl.ds(item_base, K)], tags_v)

    base_c0 = b * CHW
    copies = []
    for r, (hbm, extract) in enumerate([
        (tl_hbm, lambda v: v & tag_mask),
        (bl_hbm, lambda v: v),
        (br_hbm, lambda v: v),
    ]):
        for j in range(n_chunks):
            sl = pl.ds(j * _L, _L)
            t = extract(tags_v[r, sl]) + base_c0
            idx6[2 * r, sl] = t
            idx6[2 * r + 1, sl] = t + HW
        copies.append(pltpu.async_copy(hbm.at[idx6.at[2 * r]],
                                       val6.at[2 * r], sem))
        copies.append(pltpu.async_copy(hbm.at[idx6.at[2 * r + 1]],
                                       val6.at[2 * r + 1], sem))
    for c in copies:
        c.wait()

    if W & (W - 1) == 0:
        w_shift = W.bit_length() - 1

        def split_xy(t):
            return (t & (W - 1)).astype(jnp.float32), \
                   lax.shift_right_logical(t, w_shift).astype(jnp.float32)
    else:
        def split_xy(t):
            return (t % W).astype(jnp.float32), (t // W).astype(jnp.float32)

    acc = jnp.zeros((_L,), jnp.float32)
    n_acc = jnp.zeros((_L,), jnp.float32)
    for j in range(n_chunks):
        sl = pl.ds(j * _L, _L)
        tlt_raw = tags_v[0, sl]
        m = lax.shift_right_logical(tlt_raw, mshift).astype(jnp.float32)
        tl_x, tl_y = split_xy(tlt_raw & tag_mask)
        bl_x, bl_y = split_xy(tags_v[1, sl])
        br_x, br_y = split_xy(tags_v[2, sl])
        tl_xs = tl_x + val6[0, sl]
        tl_ys = tl_y + val6[1, sl]
        bl_xs = bl_x + val6[2, sl]
        bl_ys = bl_y + val6[3, sl]
        br_xs = br_x + val6[4, sl]
        br_ys = br_y + val6[5, sl]
        dx1 = bl_xs - tl_xs
        dy1 = bl_ys - tl_ys
        dx2 = bl_xs - br_xs
        dy2 = bl_ys - br_ys
        w2 = dx2 * dx2 + dy2 * dy2
        h2 = dx1 * dx1 + dy1 * dy1
        ip = dx1 * dx2 + dy1 * dy2
        acc = acc + jnp.abs(ip * _rsqrt_newton(w2 * h2)) * m
        n_acc = n_acc + m

    zvec = jnp.zeros((_L,), jnp.float32)
    misc_f[pl.ds(0, _L)] = acc
    misc_f[pl.ds(_L, _L)] = n_acc
    misc_f[pl.ds(48, _L)] = zvec
    misc_f[pl.ds(64, _L)] = zvec
    misc_f[pl.ds(80, _L)] = zvec
    idx_sc[pl.ds(0, _L)] = jnp.full((_L,), b, jnp.int32)
    idx_sc[pl.ds(_L, _L)] = jnp.full((_L,), _L + b, jnp.int32)

    @pl.when(b == 0)
    def _():
        pltpu.sync_copy(misc_f.at[pl.ds(48, 48)], shared)

    plsc.subcore_barrier()
    pltpu.sync_copy(misc_f.at[pl.ds(0, 2 * _L)], shared.at[idx_sc], add=True)
    plsc.subcore_barrier()

    @pl.when(b == 0)
    def _():
        pltpu.sync_copy(shared, misc_f.at[pl.ds(96, 48)])
        s_vec = misc_f[pl.ds(96, _L)]
        n_vec = misc_f[pl.ds(112, _L)]
        misc_f[pl.ds(32, _L)] = s_vec / (n_vec + 0.0001)
        lidx[pl.ds(0, _L)] = jnp.full((_L,), 2 * _L, jnp.int32)
        lidx[pl.ds(_L, _L)] = jnp.full((_L,), 2 * _L + 8, jnp.int32)
        pltpu.sync_copy(misc_f.at[pl.ds(32, 2 * _L)], shared.at[lidx],
                        add=True)
        pltpu.sync_copy(shared.at[pl.ds(2 * _L, _L)], misc_f.at[pl.ds(144, _L)])
        pltpu.sync_copy(misc_f.at[pl.ds(144, 1)], out_hbm)


def kernel(tl_reg, bl_reg, br_reg, tl_tag, bl_tag, br_tag, mask):
    B, C, H, W = tl_reg.shape
    K = tl_tag.shape[1]
    HW = H * W
    mshift = max(HW.bit_length(), 1)

    tl_f = tl_reg.reshape(-1)
    bl_f = bl_reg.reshape(-1)
    br_f = br_reg.reshape(-1)
    tags = jnp.stack([
        tl_tag.astype(jnp.int32) | (mask.astype(jnp.int32) << mshift),
        bl_tag.astype(jnp.int32),
        br_tag.astype(jnp.int32),
    ]).reshape(3, B * K)

    mesh = plsc.VectorSubcoreMesh(core_axis_name="c", subcore_axis_name="s",
                                  num_cores=1, num_subcores=_NS)
    sc = pl.kernel(
        functools.partial(_sc_body, B, C, H, W, K, mshift),
        out_type=jax.ShapeDtypeStruct((1,), jnp.float32),
        mesh=mesh,
        scratch_types=[
            pltpu.VMEM((3, K), jnp.int32),
            pltpu.VMEM((6, K), jnp.int32),
            pltpu.VMEM((6, K), jnp.float32),
            pltpu.VMEM((160,), jnp.float32),
            pltpu.VMEM((2 * _L,), jnp.int32),
            pltpu.VMEM((2 * _L,), jnp.int32),
            pltpu.VMEM_SHARED((48,), jnp.float32),
            pltpu.SemaphoreType.DMA,
        ],
    )
    out = sc(tl_f, bl_f, br_f, tags)
    return out.reshape(())

# --- scband reference (transcript-rebuilt; emitter-appended) ---
"""Pipeline reference for scband-inner-product-loss-472446402689 (READ-ONLY COPY).

The authoritative reference and input builder live on the scoring server;
editing this copy changes nothing except your own understanding.
"""

import jax, jax.numpy as jnp
import numpy as np


def _gather_feat(feat, ind):
    # feat: [B, C, H, W], ind: [B, K] -> [B, K, C]
    B, C, H, W = feat.shape
    feat = jnp.transpose(feat, (0, 2, 3, 1)).reshape(B, H * W, C)
    idx = jnp.broadcast_to(ind[:, :, None], (B, ind.shape[1], C))
    return jnp.take_along_axis(feat, idx, axis=1)


def setup_inputs(seed: int = 0) -> dict:
    key = jax.random.key(seed)
    ks = jax.random.split(key, 7)
    B, C, H, W, K = 16, 2, 128, 128, 128
    tl_reg = jax.random.normal(ks[0], (B, C, H, W), dtype=jnp.float32)
    bl_reg = jax.random.normal(ks[1], (B, C, H, W), dtype=jnp.float32)
    br_reg = jax.random.normal(ks[2], (B, C, H, W), dtype=jnp.float32)
    tl_tag = jax.random.randint(ks[3], (B, K), 0, H * W, dtype=jnp.int64 if jax.config.jax_enable_x64 else jnp.int32)
    bl_tag = jax.random.randint(ks[4], (B, K), 0, H * W, dtype=jnp.int64 if jax.config.jax_enable_x64 else jnp.int32)
    br_tag = jax.random.randint(ks[5], (B, K), 0, H * W, dtype=jnp.int64 if jax.config.jax_enable_x64 else jnp.int32)
    mask = jax.random.randint(ks[6], (B, K), 0, 2) > 0
    return {"tl_reg": tl_reg, "bl_reg": bl_reg, "br_reg": br_reg,
            "tl_tag": tl_tag, "bl_tag": bl_tag, "br_tag": br_tag, "mask": mask}


def reference(tl_reg, bl_reg, br_reg, tl_tag, bl_tag, br_tag, mask):
    batch, _, height, width = tl_reg.shape
    tl = _gather_feat(tl_reg, tl_tag)  # [B, K, 2]
    bl = _gather_feat(bl_reg, bl_tag)
    br = _gather_feat(br_reg, br_tag)

    wh = width * height
    num = jnp.sum(mask, axis=1, keepdims=True).astype(jnp.float32)

    tl_x = ((tl_tag % wh) % width).astype(jnp.float32)
    tl_y = ((tl_tag % wh) // width).astype(jnp.float32)
    bl_x = ((bl_tag % wh) % width).astype(jnp.float32)
    bl_y = ((bl_tag % wh) // width).astype(jnp.float32)
    br_x = ((br_tag % wh) % width).astype(jnp.float32)
    br_y = ((br_tag % wh) // width).astype(jnp.float32)

    tl_xs = tl_x + tl[..., 0]
    tl_ys = tl_y + tl[..., 1]
    bl_xs = bl_x + bl[..., 0]
    bl_ys = bl_y + bl[..., 1]
    br_xs = br_x + br[..., 0]
    br_ys = br_y + br[..., 1]

    w = jnp.sqrt(jnp.power(bl_xs - br_xs, 2) + jnp.power(bl_ys - br_ys, 2))
    h = jnp.sqrt(jnp.power(bl_xs - tl_xs, 2) + jnp.power(bl_ys - tl_ys, 2))
    inner_product = (bl_xs - tl_xs) * (bl_xs - br_xs) + (bl_ys - tl_ys) * (bl_ys - br_ys)
    inner_product = inner_product / w
    inner_product = inner_product / h
    inner_product = inner_product / (num + 0.0001)
    inner_product = jnp.abs(inner_product)
    # boolean-mask select + sum == masked sum (shape-static for jit)
    ip_loss = jnp.where(mask, inner_product, 0.0).sum()
    return ip_loss

if __name__ == "__main__":
    import jax
    _d = setup_inputs()
    print(jax.jit(kernel)(*tuple(_d.values())))

</pallas_src>

<mosaic_0001>
#map = affine_map<(d0, d1) -> (0)>
#map1 = affine_map<(d0, d1) -> (0, 0)>
module attributes {stable_mosaic.version = 14 : i64} {
  func.func @_sc_body(%arg0: i32, %arg1: i32, %arg2: memref<524288xf32, #tpu.memory_space<hbm>>, %arg3: memref<524288xf32, #tpu.memory_space<hbm>>, %arg4: memref<524288xf32, #tpu.memory_space<hbm>>, %arg5: memref<3x2048xi32, #tpu.memory_space<hbm>>, %arg6: memref<1xf32, #tpu.memory_space<hbm>>, %arg7: memref<3x128xi32, #tpu.memory_space<vmem>>, %arg8: memref<6x128xi32, #tpu.memory_space<vmem>>, %arg9: memref<6x128xf32, #tpu.memory_space<vmem>>, %arg10: memref<160xf32, #tpu.memory_space<vmem>>, %arg11: memref<32xi32, #tpu.memory_space<vmem>>, %arg12: memref<32xi32, #tpu.memory_space<vmem>>, %arg13: memref<48xf32, #tpu.memory_space<vmem_shared>>, %arg14: memref<!tpu.dma_semaphore, #tpu.memory_space<semaphore_mem>>) attributes {dimension_semantics = [#tpu.dimension_semantics<core_parallel>, #tpu.dimension_semantics<subcore_parallel>], iteration_bounds = array<i64: 1, 16>, scalar_prefetch = 0 : i64, scratch_operands = 8 : i64, tpu.core_type = #tpu.core_type<sc_vector_subcore>, window_params = [{transform_indices = #map}, {transform_indices = #map}, {transform_indices = #map}, {transform_indices = #map1}, {transform_indices = #map}]} {
    %mul3A = arith.constant 128 : i32
    %mul3A_0 = arith.muli %arg1, %mul3A : i32
    "tpu.region"() ({
      %run_scoped3A = tpu.sem_alloc : memref<!tpu.dma_semaphore, #tpu.memory_space<semaphore_mem>>
      %dma_start3A_1750 = arith.constant 0 : i32
      %dma_start3A_1751 = tpu.memref_slice %arg5[%dma_start3A_1750, %mul3A_0] : memref<3x2048xi32, #tpu.memory_space<hbm>> -> memref<3x128xi32, #tpu.memory_space<hbm>>
      %dma_start3A_1752 = arith.constant 0 : i32
      %dma_start3A_1753 = tpu.memref_slice %arg5[%dma_start3A_1752, %mul3A_0] : memref<3x2048xi32, #tpu.memory_space<hbm>> -> memref<3x128xi32, #tpu.memory_space<hbm>>
      tpu.enqueue_dma source(%dma_start3A_1753 : memref<3x128xi32, #tpu.memory_space<hbm>>) target(%arg7 : memref<3x128xi32, #tpu.memory_space<vmem>>) target_semaphore(%run_scoped3A : memref<!tpu.dma_semaphore, #tpu.memory_space<semaphore_mem>>)
      %dma_wait3A_1754 = arith.constant 0 : i32
      %dma_wait3A_1755 = tpu.memref_slice %arg5[%dma_wait3A_1754, %mul3A_0] : memref<3x2048xi32, #tpu.memory_space<hbm>> -> memref<3x128xi32, #tpu.memory_space<hbm>>
      %dma_wait3A_1756 = arith.constant 0 : i32
      %dma_wait3A_1757 = tpu.memref_slice %arg5[%dma_wait3A_1756, %mul3A_0] : memref<3x2048xi32, #tpu.memory_space<hbm>> -> memref<3x128xi32, #tpu.memory_space<hbm>>
      tpu.wait_dma2 semaphore(%run_scoped3A : memref<!tpu.dma_semaphore, #tpu.memory_space<semaphore_mem>>) src(%dma_wait3A_1757 : memref<3x128xi32, #tpu.memory_space<hbm>>) dst(%arg7 : memref<3x128xi32, #tpu.memory_space<vmem>>)
      tpu.yield
    }) : () -> ()
    %mul3A_1 = arith.constant 32768 : i32
    %mul3A_2 = arith.muli %arg1, %mul3A_1 : i32
    %get3A = arith.constant 0 : i32
    %get3A_3 = arith.index_cast %get3A : i32 to index
    %get3A_4 = arith.constant 0 : index
    %get3A_5 = tpu.vector_load %arg7[%get3A_3, %get3A_4] {strides = array<i32>} : memref<3x128xi32, #tpu.memory_space<vmem>>, vector<1x16xi32>,
    %get3A_6 = vector.shape_cast %get3A_5 : vector<1x16xi32> to vector<16xi32>
    %and3A = arith.constant 32767 : i32
    %and3A_7 = vector.broadcast %and3A : i32 to vector<16xi32>
    %and3A_8 = arith.andi %get3A_6, %and3A_7 : vector<16xi32>
    %add3A = vector.broadcast %mul3A_2 : i32 to vector<16xi32>
    %add3A_9 = arith.addi %and3A_8, %add3A : vector<16xi32>
    %swap3A = arith.constant 0 : i32
    %swap3A_10 = arith.index_cast %swap3A : i32 to index
    %swap3A_11 = arith.constant 0 : index
    %swap3A_12 = tpu.vector_load %arg8[%swap3A_10, %swap3A_11] {strides = array<i32>} : memref<6x128xi32, #tpu.memory_space<vmem>>, vector<1x16xi32>,
    %swap3A_13 = vector.shape_cast %swap3A_12 : vector<1x16xi32> to vector<16xi32>
    %swap3A_14 = vector.shape_cast %add3A_9 : vector<16xi32> to vector<1x16xi32>
    tpu.vector_store %arg8[%swap3A_10, %swap3A_11], %swap3A_14 {strides = array<i32>} : memref<6x128xi32, #tpu.memory_space<vmem>>, vector<1x16xi32>,
    %add3A_15 = arith.constant 16384 : i32
    %add3A_16 = vector.broadcast %add3A_15 : i32 to vector<16xi32>
    %add3A_17 = arith.addi %add3A_9, %add3A_16 : vector<16xi32>
    %swap3A_18 = arith.constant 1 : i32
    %swap3A_19 = arith.index_cast %swap3A_18 : i32 to index
    %swap3A_20 = arith.constant 0 : index
    %swap3A_21 = tpu.vector_load %arg8[%swap3A_19, %swap3A_20] {strides = array<i32>} : memref<6x128xi32, #tpu.memory_space<vmem>>, vector<1x16xi32>,
    %swap3A_22 = vector.shape_cast %swap3A_21 : vector<1x16xi32> to vector<16xi32>
    %swap3A_23 = vector.shape_cast %add3A_17 : vector<16xi32> to vector<1x16xi32>
    tpu.vector_store %arg8[%swap3A_19, %swap3A_20], %swap3A_23 {strides = array<i32>} : memref<6x128xi32, #tpu.memory_space<vmem>>, vector<1x16xi32>,
    %get3A_24 = arith.constant 0 : i32
    %get3A_25 = arith.index_cast %get3A_24 : i32 to index
    %get3A_26 = arith.constant 16 : index
    %get3A_27 = tpu.vector_load %arg7[%get3A_25, %get3A_26] {strides = array<i32>} : memref<3x128xi32, #tpu.memory_space<vmem>>, vector<1x16xi32>,
    %get3A_28 = vector.shape_cast %get3A_27 : vector<1x16xi32> to vector<16xi32>
    %and3A_29 = arith.constant 32767 : i32
    %and3A_30 = vector.broadcast %and3A_29 : i32 to vector<16xi32>
    %and3A_31 = arith.andi %get3A_28, %and3A_30 : vector<16xi32>
    %add3A_32 = vector.broadcast %mul3A_2 : i32 to vector<16xi32>
    %add3A_33 = arith.addi %and3A_31, %add3A_32 : vector<16xi32>
    %swap3A_34 = arith.constant 0 : i32
    %swap3A_35 = arith.index_cast %swap3A_34 : i32 to index
    %swap3A_36 = arith.constant 16 : index
    %swap3A_37 = tpu.vector_load %arg8[%swap3A_35, %swap3A_36] {strides = array<i32>} : memref<6x128xi32, #tpu.memory_space<vmem>>, vector<1x16xi32>,
    %swap3A_38 = vector.shape_cast %swap3A_37 : vector<1x16xi32> to vector<16xi32>
    %swap3A_39 = vector.shape_cast %add3A_33 : vector<16xi32> to vector<1x16xi32>
    tpu.vector_store %arg8[%swap3A_35, %swap3A_36], %swap3A_39 {strides = array<i32>} : memref<6x128xi32, #tpu.memory_space<vmem>>, vector<1x16xi32>,
    %add3A_40 = arith.constant 16384 : i32
    %add3A_41 = vector.broadcast %add3A_40 : i32 to vector<16xi32>
    %add3A_42 = arith.addi %add3A_33, %add3A_41 : vector<16xi32>
    %swap3A_43 = arith.constant 1 : i32
    %swap3A_44 = arith.index_cast %swap3A_43 : i32 to index
    %swap3A_45 = arith.constant 16 : index
    %swap3A_46 = tpu.vector_load %arg8[%swap3A_44, %swap3A_45] {strides = array<i32>} : memref<6x128xi32, #tpu.memory_space<vmem>>, vector<1x16xi32>,
    %swap3A_47 = vector.shape_cast %swap3A_46 : vector<1x16xi32> to vector<16xi32>
    %swap3A_48 = vector.shape_cast %add3A_42 : vector<16xi32> to vector<1x16xi32>
    tpu.vector_store %arg8[%swap3A_44, %swap3A_45], %swap3A_48 {strides = array<i32>} : memref<6x128xi32, #tpu.memory_space<vmem>>, vector<1x16xi32>,
    %get3A_49 = arith.constant 0 : i32
    %get3A_50 = arith.index_cast %get3A_49 : i32 to index
    %get3A_51 = arith.constant 32 : index
    %get3A_52 = tpu.vector_load %arg7[%get3A_50, %get3A_51] {strides = array<i32>} : memref<3x128xi32, #tpu.memory_space<vmem>>, vector<1x16xi32>,
    %get3A_53 = vector.shape_cast %get3A_52 : vector<1x16xi32> to vector<16xi32>
    %and3A_54 = arith.constant 32767 : i32
    %and3A_55 = vector.broadcast %and3A_54 : i32 to vector<16xi32>
    %and3A_56 = arith.andi %get3A_53, %and3A_55 : vector<16xi32>
    %add3A_57 = vector.broadcast %mul3A_2 : i32 to vector<16xi32>
    %add3A_58 = arith.addi %and3A_56, %add3A_57 : vector<16xi32>
    %swap3A_59 = arith.constant 0 : i32
    %swap3A_60 = arith.index_cast %swap3A_59 : i32 to index
    %swap3A_61 = arith.constant 32 : index
    %swap3A_62 = tpu.vector_load %arg8[%swap3A_60, %swap3A_61] {strides = array<i32>} : memref<6x128xi32, #tpu.memory_space<vmem>>, vector<1x16xi32>,
    %swap3A_63 = vector.shape_cast %swap3A_62 : vector<1x16xi32> to vector<16xi32>
    %swap3A_64 = vector.shape_cast %add3A_58 : vector<16xi32> to vector<1x16xi32>
    tpu.vector_store %arg8[%swap3A_60, %swap3A_61], %swap3A_64 {strides = array<i32>} : memref<6x128xi32, #tpu.memory_space<vmem>>, vector<1x16xi32>,
    %add3A_65 = arith.constant 16384 : i32
    %add3A_66 = vector.broadcast %add3A_65 : i32 to vector<16xi32>
    %add3A_67 = arith.addi %add3A_58, %add3A_66 : vector<16xi32>
    %swap3A_68 = arith.constant 1 : i32
    %swap3A_69 = arith.index_cast %swap3A_68 : i32 to index
    %swap3A_70 = arith.constant 32 : index
    %swap3A_71 = tpu.vector_load %arg8[%swap3A_69, %swap3A_70] {strides = array<i32>} : memref<6x128xi32, #tpu.memory_space<vmem>>, vector<1x16xi32>,
    %swap3A_72 = vector.shape_cast %swap3A_71 : vector<1x16xi32> to vector<16xi32>
    %swap3A_73 = vector.shape_cast %add3A_67 : vector<16xi32> to vector<1x16xi32>
    tpu.vector_store %arg8[%swap3A_69, %swap3A_70], %swap3A_73 {strides = array<i32>} : memref<6x128xi32, #tpu.memory_space<vmem>>, vector<1x16xi32>,
    %get3A_74 = arith.constant 0 : i32
    %get3A_75 = arith.index_cast %get3A_74 : i32 to index
    %get3A_76 = arith.constant 48 : index
    %get3A_77 = tpu.vector_load %arg7[%get3A_75, %get3A_76] {strides = array<i32>} : memref<3x128xi32, #tpu.memory_space<vmem>>, vector<1x16xi32>,
    %get3A_78 = vector.shape_cast %get3A_77 : vector<1x16xi32> to vector<16xi32>
    %and3A_79 = arith.constant 32767 : i32
    %and3A_80 = vector.broadcast %and3A_79 : i32 to vector<16xi32>
    %and3A_81 = arith.andi %get3A_78, %and3A_80 : vector<16xi32>
    %add3A_82 = vector.broadcast %mul3A_2 : i32 to vector<16xi32>
    %add3A_83 = arith.addi %and3A_81, %add3A_82 : vector<16xi32>
    %swap3A_84 = arith.constant 0 : i32
    %swap3A_85 = arith.index_cast %swap3A_84 : i32 to index
    %swap3A_86 = arith.constant 48 : index
    %swap3A_87 = tpu.vector_load %arg8[%swap3A_85, %swap3A_86] {strides = array<i32>} : memref<6x128xi32, #tpu.memory_space<vmem>>, vector<1x16xi32>,
    %swap3A_88 = vector.shape_cast %swap3A_87 : vector<1x16xi32> to vector<16xi32>
    %swap3A_89 = vector.shape_cast %add3A_83 : vector<16xi32> to vector<1x16xi32>
    tpu.vector_store %arg8[%swap3A_85, %swap3A_86], %swap3A_89 {strides = array<i32>} : memref<6x128xi32, #tpu.memory_space<vmem>>, vector<1x16xi32>,
    %add3A_90 = arith.constant 16384 : i32
    %add3A_91 = vector.broadcast %add3A_90 : i32 to vector<16xi32>
    %add3A_92 = arith.addi %add3A_83, %add3A_91 : vector<16xi32>
    %swap3A_93 = arith.constant 1 : i32
    %swap3A_94 = arith.index_cast %swap3A_93 : i32 to index
    %swap3A_95 = arith.constant 48 : index
    %swap3A_96 = tpu.vector_load %arg8[%swap3A_94, %swap3A_95] {strides = array<i32>} : memref<6x128xi32, #tpu.memory_space<vmem>>, vector<1x16xi32>,
    %swap3A_97 = vector.shape_cast %swap3A_96 : vector<1x16xi32> to vector<16xi32>
    %swap3A_98 = vector.shape_cast %add3A_92 : vector<16xi32> to vector<1x16xi32>
    tpu.vector_store %arg8[%swap3A_94, %swap3A_95], %swap3A_98 {strides = array<i32>} : memref<6x128xi32, #tpu.memory_space<vmem>>, vector<1x16xi32>,
    %get3A_99 = arith.constant 0 : i32
    %get3A_100 = arith.index_cast %get3A_99 : i32 to index
    %get3A_101 = arith.constant 64 : index
    %get3A_102 = tpu.vector_load %arg7[%get3A_100, %get3A_101] {strides = array<i32>} : memref<3x128xi32, #tpu.memory_space<vmem>>, vector<1x16xi32>,
    %get3A_103 = vector.shape_cast %get3A_102 : vector<1x16xi32> to vector<16xi32>
    %and3A_104 = arith.constant 32767 : i32
    %and3A_105 = vector.broadcast %and3A_104 : i32 to vector<16xi32>
    %and3A_106 = arith.andi %get3A_103, %and3A_105 : vector<16xi32>
    %add3A_107 = vector.broadcast %mul3A_2 : i32 to vector<16xi32>
    %add3A_108 = arith.addi %and3A_106, %add3A_107 : vector<16xi32>
    %swap3A_109 = arith.constant 0 : i32
    %swap3A_110 = arith.index_cast %swap3A_109 : i32 to index
    %swap3A_111 = arith.constant 64 : index
    %swap3A_112 = tpu.vector_load %arg8[%swap3A_110, %swap3A_111] {strides = array<i32>} : memref<6x128xi32, #tpu.memory_space<vmem>>, vector<1x16xi32>,
    %swap3A_113 = vector.shape_cast %swap3A_112 : vector<1x16xi32> to vector<16xi32>
    %swap3A_114 = vector.shape_cast %add3A_108 : vector<16xi32> to vector<1x16xi32>
    tpu.vector_store %arg8[%swap3A_110, %swap3A_111], %swap3A_114 {strides = array<i32>} : memref<6x128xi32, #tpu.memory_space<vmem>>, vector<1x16xi32>,
    %add3A_115 = arith.constant 16384 : i32
    %add3A_116 = vector.broadcast %add3A_115 : i32 to vector<16xi32>
    %add3A_117 = arith.addi %add3A_108, %add3A_116 : vector<16xi32>
    %swap3A_118 = arith.constant 1 : i32
    %swap3A_119 = arith.index_cast %swap3A_118 : i32 to index
    %swap3A_120 = arith.constant 64 : index
    %swap3A_121 = tpu.vector_load %arg8[%swap3A_119, %swap3A_120] {strides = array<i32>} : memref<6x128xi32, #tpu.memory_space<vmem>>, vector<1x16xi32>,
    %swap3A_122 = vector.shape_cast %swap3A_121 : vector<1x16xi32> to vector<16xi32>
    %swap3A_123 = vector.shape_cast %add3A_117 : vector<16xi32> to vector<1x16xi32>
    tpu.vector_store %arg8[%swap3A_119, %swap3A_120], %swap3A_123 {strides = array<i32>} : memref<6x128xi32, #tpu.memory_space<vmem>>, vector<1x16xi32>,
    %get3A_124 = arith.constant 0 : i32
    %get3A_125 = arith.index_cast %get3A_124 : i32 to index
    %get3A_126 = arith.constant 80 : index
    %get3A_127 = tpu.vector_load %arg7[%get3A_125, %get3A_126] {strides = array<i32>} : memref<3x128xi32, #tpu.memory_space<vmem>>, vector<1x16xi32>,
    %get3A_128 = vector.shape_cast %get3A_127 : vector<1x16xi32> to vector<16xi32>
    %and3A_129 = arith.constant 32767 : i32
    %and3A_130 = vector.broadcast %and3A_129 : i32 to vector<16xi32>
    %and3A_131 = arith.andi %get3A_128, %and3A_130 : vector<16xi32>
    %add3A_132 = vector.broadcast %mul3A_2 : i32 to vector<16xi32>
    %add3A_133 = arith.addi %and3A_131, %add3A_132 : vector<16xi32>
    %swap3A_134 = arith.constant 0 : i32
    %swap3A_135 = arith.index_cast %swap3A_134 : i32 to index
    %swap3A_136 = arith.constant 80 : index
    %swap3A_137 = tpu.vector_load %arg8[%swap3A_135, %swap3A_136] {strides = array<i32>} : memref<6x128xi32, #tpu.memory_space<vmem>>, vector<1x16xi32>,
    %swap3A_138 = vector.shape_cast %swap3A_137 : vector<1x16xi32> to vector<16xi32>
    %swap3A_139 = vector.shape_cast %add3A_133 : vector<16xi32> to vector<1x16xi32>
    tpu.vector_store %arg8[%swap3A_135, %swap3A_136], %swap3A_139 {strides = array<i32>} : memref<6x128xi32, #tpu.memory_space<vmem>>, vector<1x16xi32>,
    %add3A_140 = arith.constant 16384 : i32
    %add3A_141 = vector.broadcast %add3A_140 : i32 to vector<16xi32>
    %add3A_142 = arith.addi %add3A_133, %add3A_141 : vector<16xi32>
    %swap3A_143 = arith.constant 1 : i32
    %swap3A_144 = arith.index_cast %swap3A_143 : i32 to index
    %swap3A_145 = arith.constant 80 : index
    %swap3A_146 = tpu.vector_load %arg8[%swap3A_144, %swap3A_145] {strides = array<i32>} : memref<6x128xi32, #tpu.memory_space<vmem>>, vector<1x16xi32>,
    %swap3A_147 = vector.shape_cast %swap3A_146 : vector<1x16xi32> to vector<16xi32>
    %swap3A_148 = vector.shape_cast %add3A_142 : vector<16xi32> to vector<1x16xi32>
    tpu.vector_store %arg8[%swap3A_144, %swap3A_145], %swap3A_148 {strides = array<i32>} : memref<6x128xi32, #tpu.memory_space<vmem>>, vector<1x16xi32>,
    %get3A_149 = arith.constant 0 : i32
    %get3A_150 = arith.index_cast %get3A_149 : i32 to index
    %get3A_151 = arith.constant 96 : index
    %get3A_152 = tpu.vector_load %arg7[%get3A_150, %get3A_151] {strides = array<i32>} : memref<3x128xi32, #tpu.memory_space<vmem>>, vector<1x16xi32>,
    %get3A_153 = vector.shape_cast %get3A_152 : vector<1x16xi32> to vector<16xi32>
    %and3A_154 = arith.constant 32767 : i32
    %and3A_155 = vector.broadcast %and3A_154 : i32 to vector<16xi32>
    %and3A_156 = arith.andi %get3A_153, %and3A_155 : vector<16xi32>
    %add3A_157 = vector.broadcast %mul3A_2 : i32 to vector<16xi32>
    %add3A_158 = arith.addi %and3A_156, %add3A_157 : vector<16xi32>
    %swap3A_159 = arith.constant 0 : i32
    %swap3A_160 = arith.index_cast %swap3A_159 : i32 to index
    %swap3A_161 = arith.constant 96 : index
    %swap3A_162 = tpu.vector_load %arg8[%swap3A_160, %swap3A_161] {strides = array<i32>} : memref<6x128xi32, #tpu.memory_space<vmem>>, vector<1x16xi32>,
    %swap3A_163 = vector.shape_cast %swap3A_162 : vector<1x16xi32> to vector<16xi32>
    %swap3A_164 = vector.shape_cast %add3A_158 : vector<16xi32> to vector<1x16xi32>
    tpu.vector_store %arg8[%swap3A_160, %swap3A_161], %swap3A_164 {strides = array<i32>} : memref<6x128xi32, #tpu.memory_space<vmem>>, vector<1x16xi32>,
    %add3A_165 = arith.constant 16384 : i32
    %add3A_166 = vector.broadcast %add3A_165 : i32 to vector<16xi32>
    %add3A_167 = arith.addi %add3A_158, %add3A_166 : vector<16xi32>
    %swap3A_168 = arith.constant 1 : i32
    %swap3A_169 = arith.index_cast %swap3A_168 : i32 to index
    %swap3A_170 = arith.constant 96 : index
    %swap3A_171 = tpu.vector_load %arg8[%swap3A_169, %swap3A_170] {strides = array<i32>} : memref<6x128xi32, #tpu.memory_space<vmem>>, vector<1x16xi32>,
    %swap3A_172 = vector.shape_cast %swap3A_171 : vector<1x16xi32> to vector<16xi32>
    %swap3A_173 = vector.shape_cast %add3A_167 : vector<16xi32> to vector<1x16xi32>
    tpu.vector_store %arg8[%swap3A_169, %swap3A_170], %swap3A_173 {strides = array<i32>} : memref<6x128xi32, #tpu.memory_space<vmem>>, vector<1x16xi32>,
    %get3A_174 = arith.constant 0 : i32
    %get3A_175 = arith.index_cast %get3A_174 : i32 to index
    %get3A_176 = arith.constant 112 : index
    %get3A_177 = tpu.vector_load %arg7[%get3A_175, %get3A_176] {strides = array<i32>} : memref<3x128xi32, #tpu.memory_space<vmem>>, vector<1x16xi32>,
    %get3A_178 = vector.shape_cast %get3A_177 : vector<1x16xi32> to vector<16xi32>
    %and3A_179 = arith.constant 32767 : i32
    %and3A_180 = vector.broadcast %and3A_179 : i32 to vector<16xi32>
    %and3A_181 = arith.andi %get3A_178, %and3A_180 : vector<16xi32>
    %add3A_182 = vector.broadcast %mul3A_2 : i32 to vector<16xi32>
    %add3A_183 = arith.addi %and3A_181, %add3A_182 : vector<16xi32>
    %swap3A_184 = arith.constant 0 : i32
    %swap3A_185 = arith.index_cast %swap3A_184 : i32 to index
    %swap3A_186 = arith.constant 112 : index
    %swap3A_187 = tpu.vector_load %arg8[%swap3A_185, %swap3A_186] {strides = array<i32>} : memref<6x128xi32, #tpu.memory_space<vmem>>, vector<1x16xi32>,
    %swap3A_188 = vector.shape_cast %swap3A_187 : vector<1x16xi32> to vector<16xi32>
    %swap3A_189 = vector.shape_cast %add3A_183 : vector<16xi32> to vector<1x16xi32>
    tpu.vector_store %arg8[%swap3A_185, %swap3A_186], %swap3A_189 {strides = array<i32>} : memref<6x128xi32, #tpu.memory_space<vmem>>, vector<1x16xi32>,
    %add3A_190 = arith.constant 16384 : i32
    %add3A_191 = vector.broadcast %add3A_190 : i32 to vector<16xi32>
    %add3A_192 = arith.addi %add3A_183, %add3A_191 : vector<16xi32>
    %swap3A_193 = arith.constant 1 : i32
    %swap3A_194 = arith.index_cast %swap3A_193 : i32 to index
    %swap3A_195 = arith.constant 112 : index
    %swap3A_196 = tpu.vector_load %arg8[%swap3A_194, %swap3A_195] {strides = array<i32>} : memref<6x128xi32, #tpu.memory_space<vmem>>, vector<1x16xi32>,
    %swap3A_197 = vector.shape_cast %swap3A_196 : vector<1x16xi32> to vector<16xi32>
    %swap3A_198 = vector.shape_cast %add3A_192 : vector<16xi32> to vector<1x16xi32>
    tpu.vector_store %arg8[%swap3A_194, %swap3A_195], %swap3A_198 {strides = array<i32>} : memref<6x128xi32, #tpu.memory_space<vmem>>, vector<1x16xi32>,
    %dma_start3A = arith.constant 0 : i32
    %dma_start3A_199 = arith.constant 0 : i32
    %dma_start3A_200 = arith.constant 0 : i32
    %dma_start3A_201 = tpu.memref_slice %arg9[%dma_start3A_199, %dma_start3A_200] : memref<6x128xf32, #tpu.memory_space<vmem>> -> memref<1x128xf32, #tpu.memory_space<vmem>>
    %dma_start3A_202 = tpu.memref_squeeze %dma_start3A_201 : memref<1x128xf32, #tpu.memory_space<vmem>> -> memref<128xf32, #tpu.memory_space<vmem>>
    %dma_start3A_203 = arith.constant 0 : i32
    %dma_start3A_204 = tpu.memref_slice %arg8[%dma_start3A, %dma_start3A_203] : memref<6x128xi32, #tpu.memory_space<vmem>> -> memref<1x128xi32, #tpu.memory_space<vmem>>
    %dma_start3A_205 = tpu.memref_squeeze %dma_start3A_204 : memref<1x128xi32, #tpu.memory_space<vmem>> -> memref<128xi32, #tpu.memory_space<vmem>>
    %dma_start3A_206 = arith.constant 0 : i32
    %dma_start3A_207 = tpu.memref_slice %arg2[%dma_start3A_206] : memref<524288xf32, #tpu.memory_space<hbm>> -> memref<524288xf32, #tpu.memory_space<hbm>>
    tpu.enqueue_indirect_dma source(%dma_start3A_207 : memref<524288xf32, #tpu.memory_space<hbm>>) target(%dma_start3A_202 : memref<128xf32, #tpu.memory_space<vmem>>) offsets(%dma_start3A_205 : memref<128xi32, #tpu.memory_space<vmem>>) semaphore(%arg14 : memref<!tpu.dma_semaphore, #tpu.memory_space<semaphore_mem>>)
    %dma_start3A_208 = arith.constant 1 : i32
    %dma_start3A_209 = arith.constant 1 : i32
    %dma_start3A_210 = arith.constant 0 : i32
    %dma_start3A_211 = tpu.memref_slice %arg9[%dma_start3A_209, %dma_start3A_210] : memref<6x128xf32, #tpu.memory_space<vmem>> -> memref<1x128xf32, #tpu.memory_space<vmem>>
    %dma_start3A_212 = tpu.memref_squeeze %dma_start3A_211 : memref<1x128xf32, #tpu.memory_space<vmem>> -> memref<128xf32, #tpu.memory_space<vmem>>
    %dma_start3A_213 = arith.constant 0 : i32
    %dma_start3A_214 = tpu.memref_slice %arg8[%dma_start3A_208, %dma_start3A_213] : memref<6x128xi32, #tpu.memory_space<vmem>> -> memref<1x128xi32, #tpu.memory_space<vmem>>
    %dma_start3A_215 = tpu.memref_squeeze %dma_start3A_214 : memref<1x128xi32, #tpu.memory_space<vmem>> -> memref<128xi32, #tpu.memory_space<vmem>>
    %dma_start3A_216 = arith.constant 0 : i32
    %dma_start3A_217 = tpu.memref_slice %arg2[%dma_start3A_216] : memref<524288xf32, #tpu.memory_space<hbm>> -> memref<524288xf32, #tpu.memory_space<hbm>>
    tpu.enqueue_indirect_dma source(%dma_start3A_217 : memref<524288xf32, #tpu.memory_space<hbm>>) target(%dma_start3A_212 : memref<128xf32, #tpu.memory_space<vmem>>) offsets(%dma_start3A_215 : memref<128xi32, #tpu.memory_space<vmem>>) semaphore(%arg14 : memref<!tpu.dma_semaphore, #tpu.memory_space<semaphore_mem>>)
    %get3A_218 = arith.constant 1 : i32
    %get3A_219 = arith.index_cast %get3A_218 : i32 to index
    %get3A_220 = arith.constant 0 : index
    %get3A_221 = tpu.vector_load %arg7[%get3A_219, %get3A_220] {strides = array<i32>} : memref<3x128xi32, #tpu.memory_space<vmem>>, vector<1x16xi32>,
    %get3A_222 = vector.shape_cast %get3A_221 : vector<1x16xi32> to vector<16xi32>
    %add3A_223 = vector.broadcast %mul3A_2 : i32 to vector<16xi32>
    %add3A_224 = arith.addi %get3A_222, %add3A_223 : vector<16xi32>
    %swap3A_225 = arith.constant 2 : i32
    %swap3A_226 = arith.index_cast %swap3A_225 : i32 to index
    %swap3A_227 = arith.constant 0 : index
    %swap3A_228 = tpu.vector_load %arg8[%swap3A_226, %swap3A_227] {strides = array<i32>} : memref<6x128xi32, #tpu.memory_space<vmem>>, vector<1x16xi32>,
    %swap3A_229 = vector.shape_cast %swap3A_228 : vector<1x16xi32> to vector<16xi32>
    %swap3A_230 = vector.shape_cast %add3A_224 : vector<16xi32> to vector<1x16xi32>
    tpu.vector_store %arg8[%swap3A_226, %swap3A_227], %swap3A_230 {strides = array<i32>} : memref<6x128xi32, #tpu.memory_space<vmem>>, vector<1x16xi32>,
    %add3A_231 = arith.constant 16384 : i32
    %add3A_232 = vector.broadcast %add3A_231 : i32 to vector<16xi32>
    %add3A_233 = arith.addi %add3A_224, %add3A_232 : vector<16xi32>
    %swap3A_234 = arith.constant 3 : i32
    %swap3A_235 = arith.index_cast %swap3A_234 : i32 to index
    %swap3A_236 = arith.constant 0 : index
    %swap3A_237 = tpu.vector_load %arg8[%swap3A_235, %swap3A_236] {strides = array<i32>} : memref<6x128xi32, #tpu.memory_space<vmem>>, vector<1x16xi32>,
    %swap3A_238 = vector.shape_cast %swap3A_237 : vector<1x16xi32> to vector<16xi32>
    %swap3A_239 = vector.shape_cast %add3A_233 : vector<16xi32> to vector<1x16xi32>
    tpu.vector_store %arg8[%swap3A_235, %swap3A_236], %swap3A_239 {strides = array<i32>} : memref<6x128xi32, #tpu.memory_space<vmem>>, vector<1x16xi32>,
    %get3A_240 = arith.constant 1 : i32
    %get3A_241 = arith.index_cast %get3A_240 : i32 to index
    %get3A_242 = arith.constant 16 : index
    %get3A_243 = tpu.vector_load %arg7[%get3A_241, %get3A_242] {strides = array<i32>} : memref<3x128xi32, #tpu.memory_space<vmem>>, vector<1x16xi32>,
    %get3A_244 = vector.shape_cast %get3A_243 : vector<1x16xi32> to vector<16xi32>
    %add3A_245 = vector.broadcast %mul3A_2 : i32 to vector<16xi32>
    %add3A_246 = arith.addi %get3A_244, %add3A_245 : vector<16xi32>
    %swap3A_247 = arith.constant 2 : i32
    %swap3A_248 = arith.index_cast %swap3A_247 : i32 to index
    %swap3A_249 = arith.constant 16 : index
    %swap3A_250 = tpu.vector_load %arg8[%swap3A_248, %swap3A_249] {strides = array<i32>} : memref<6x128xi32, #tpu.memory_space<vmem>>, vector<1x16xi32>,
    %swap3A_251 = vector.shape_cast %swap3A_250 : vector<1x16xi32> to vector<16xi32>
    %swap3A_252 = vector.shape_cast %add3A_246 : vector<16xi32> to vector<1x16xi32>
    tpu.vector_store %arg8[%swap3A_248, %swap3A_249], %swap3A_252 {strides = array<i32>} : memref<6x128xi32, #tpu.memory_space<vmem>>, vector<1x16xi32>,
    %add3A_253 = arith.constant 16384 : i32
    %add3A_254 = vector.broadcast %add3A_253 : i32 to vector<16xi32>
    %add3A_255 = arith.addi %add3A_246, %add3A_254 : vector<16xi32>
    %swap3A_256 = arith.constant 3 : i32
    %swap3A_257 = arith.index_cast %swap3A_256 : i32 to index
    %swap3A_258 = arith.constant 16 : index
    %swap3A_259 = tpu.vector_load %arg8[%swap3A_257, %swap3A_258] {strides = array<i32>} : memref<6x128xi32, #tpu.memory_space<vmem>>, vector<1x16xi32>,
    %swap3A_260 = vector.shape_cast %swap3A_259 : vector<1x16xi32> to vector<16xi32>
    %swap3A_261 = vector.shape_cast %add3A_255 : vector<16xi32> to vector<1x16xi32>
    tpu.vector_store %arg8[%swap3A_257, %swap3A_258], %swap3A_261 {strides = array<i32>} : memref<6x128xi32, #tpu.memory_space<vmem>>, vector<1x16xi32>,
    %get3A_262 = arith.constant 1 : i32
    %get3A_263 = arith.index_cast %get3A_262 : i32 to index
    %get3A_264 = arith.constant 32 : index
    %get3A_265 = tpu.vector_load %arg7[%get3A_263, %get3A_264] {strides = array<i32>} : memref<3x128xi32, #tpu.memory_space<vmem>>, vector<1x16xi32>,
    %get3A_266 = vector.shape_cast %get3A_265 : vector<1x16xi32> to vector<16xi32>
    %add3A_267 = vector.broadcast %mul3A_2 : i32 to vector<16xi32>
    %add3A_268 = arith.addi %get3A_266, %add3A_267 : vector<16xi32>
    %swap3A_269 = arith.constant 2 : i32
    %swap3A_270 = arith.index_cast %swap3A_269 : i32 to index
    %swap3A_271 = arith.constant 32 : index
    %swap3A_272 = tpu.vector_load %arg8[%swap3A_270, %swap3A_271] {strides = array<i32>} : memref<6x128xi32, #tpu.memory_space<vmem>>, vector<1x16xi32>,
    %swap3A_273 = vector.shape_cast %swap3A_272 : vector<1x16xi32> to vector<16xi32>
    %swap3A_274 = vector.shape_cast %add3A_268 : vector<16xi32> to vector<1x16xi32>
    tpu.vector_store %arg8[%swap3A_270, %swap3A_271], %swap3A_274 {strides = array<i32>} : memref<6x128xi32, #tpu.memory_space<vmem>>, vector<1x16xi32>,
    %add3A_275 = arith.constant 16384 : i32
    %add3A_276 = vector.broadcast %add3A_275 : i32 to vector<16xi32>
    %add3A_277 = arith.addi %add3A_268, %add3A_276 : vector<16xi32>
    %swap3A_278 = arith.constant 3 : i32
    %swap3A_279 = arith.index_cast %swap3A_278 : i32 to index
    %swap3A_280 = arith.constant 32 : index
    %swap3A_281 = tpu.vector_load %arg8[%swap3A_279, %swap3A_280] {strides = array<i32>} : memref<6x128xi32, #tpu.memory_space<vmem>>, vector<1x16xi32>,
    %swap3A_282 = vector.shape_cast %swap3A_281 : vector<1x16xi32> to vector<16xi32>
    %swap3A_283 = vector.shape_cast %add3A_277 : vector<16xi32> to vector<1x16xi32>
    tpu.vector_store %arg8[%swap3A_279, %swap3A_280], %swap3A_283 {strides = array<i32>} : memref<6x128xi32, #tpu.memory_space<vmem>>, vector<1x16xi32>,
    %get3A_284 = arith.constant 1 : i32
    %get3A_285 = arith.index_cast %get3A_284 : i32 to index
    %get3A_286 = arith.constant 48 : index
    %get3A_287 = tpu.vector_load %arg7[%get3A_285, %get3A_286] {strides = array<i32>} : memref<3x128xi32, #tpu.memory_space<vmem>>, vector<1x16xi32>,
    %get3A_288 = vector.shape_cast %get3A_287 : vector<1x16xi32> to vector<16xi32>
    %add3A_289 = vector.broadcast %mul3A_2 : i32 to vector<16xi32>
    %add3A_290 = arith.addi %get3A_288, %add3A_289 : vector<16xi32>
    %swap3A_291 = arith.constant 2 : i32
    %swap3A_292 = arith.index_cast %swap3A_291 : i32 to index
    %swap3A_293 = arith.constant 48 : index
    %swap3A_294 = tpu.vector_load %arg8[%swap3A_292, %swap3A_293] {strides = array<i32>} : memref<6x128xi32, #tpu.memory_space<vmem>>, vector<1x16xi32>,
    %swap3A_295 = vector.shape_cast %swap3A_294 : vector<1x16xi32> to vector<16xi32>
    %swap3A_296 = vector.shape_cast %add3A_290 : vector<16xi32> to vector<1x16xi32>
    tpu.vector_store %arg8[%swap3A_292, %swap3A_293], %swap3A_296 {strides = array<i32>} : memref<6x128xi32, #tpu.memory_space<vmem>>, vector<1x16xi32>,
    %add3A_297 = arith.constant 16384 : i32
    %add3A_298 = vector.broadcast %add3A_297 : i32 to vector<16xi32>
    %add3A_299 = arith.addi %add3A_290, %add3A_298 : vector<16xi32>
    %swap3A_300 = arith.constant 3 : i32
    %swap3A_301 = arith.index_cast %swap3A_300 : i32 to index
    %swap3A_302 = arith.constant 48 : index
    %swap3A_303 = tpu.vector_load %arg8[%swap3A_301, %swap3A_302] {strides = array<i32>} : memref<6x128xi32, #tpu.memory_space<vmem>>, vector<1x16xi32>,
    %swap3A_304 = vector.shape_cast %swap3A_303 : vector<1x16xi32> to vector<16xi32>
    %swap3A_305 = vector.shape_cast %add3A_299 : vector<16xi32> to vector<1x16xi32>
    tpu.vector_store %arg8[%swap3A_301, %swap3A_302], %swap3A_305 {strides = array<i32>} : memref<6x128xi32, #tpu.memory_space<vmem>>, vector<1x16xi32>,
    %get3A_306 = arith.constant 1 : i32
    %get3A_307 = arith.index_cast %get3A_306 : i32 to index
    %get3A_308 = arith.constant 64 : index
    %get3A_309 = tpu.vector_load %arg7[%get3A_307, %get3A_308] {strides = array<i32>} : memref<3x128xi32, #tpu.memory_space<vmem>>, vector<1x16xi32>,
    %get3A_310 = vector.shape_cast %get3A_309 : vector<1x16xi32> to vector<16xi32>
    %add3A_311 = vector.broadcast %mul3A_2 : i32 to vector<16xi32>
    %add3A_312 = arith.addi %get3A_310, %add3A_311 : vector<16xi32>
    %swap3A_313 = arith.constant 2 : i32
    %swap3A_314 = arith.index_cast %swap3A_313 : i32 to index
    %swap3A_315 = arith.constant 64 : index
    %swap3A_316 = tpu.vector_load %arg8[%swap3A_314, %swap3A_315] {strides = array<i32>} : memref<6x128xi32, #tpu.memory_space<vmem>>, vector<1x16xi32>,
    %swap3A_317 = vector.shape_cast %swap3A_316 : vector<1x16xi32> to vector<16xi32>
    %swap3A_318 = vector.shape_cast %add3A_312 : vector<16xi32> to vector<1x16xi32>
    tpu.vector_store %arg8[%swap3A_314, %swap3A_315], %swap3A_318 {strides = array<i32>} : memref<6x128xi32, #tpu.memory_space<vmem>>, vector<1x16xi32>,
    %add3A_319 = arith.constant 16384 : i32
    %add3A_320 = vector.broadcast %add3A_319 : i32 to vector<16xi32>
    %add3A_321 = arith.addi %add3A_312, %add3A_320 : vector<16xi32>
    %swap3A_322 = arith.constant 3 : i32
    %swap3A_323 = arith.index_cast %swap3A_322 : i32 to index
    %swap3A_324 = arith.constant 64 : index
    %swap3A_325 = tpu.vector_load %arg8[%swap3A_323, %swap3A_324] {strides = array<i32>} : memref<6x128xi32, #tpu.memory_space<vmem>>, vector<1x16xi32>,
    %swap3A_326 = vector.shape_cast %swap3A_325 : vector<1x16xi32> to vector<16xi32>
    %swap3A_327 = vector.shape_cast %add3A_321 : vector<16xi32> to vector<1x16xi32>
    tpu.vector_store %arg8[%swap3A_323, %swap3A_324], %swap3A_327 {strides = array<i32>} : memref<6x128xi32, #tpu.memory_space<vmem>>, vector<1x16xi32>,
    %get3A_328 = arith.constant 1 : i32
    %get3A_329 = arith.index_cast %get3A_328 : i32 to index
    %get3A_330 = arith.constant 80 : index
    %get3A_331 = tpu.vector_load %arg7[%get3A_329, %get3A_330] {strides = array<i32>} : memref<3x128xi32, #tpu.memory_space<vmem>>, vector<1x16xi32>,
    %get3A_332 = vector.shape_cast %get3A_331 : vector<1x16xi32> to vector<16xi32>
    %add3A_333 = vector.broadcast %mul3A_2 : i32 to vector<16xi32>
    %add3A_334 = arith.addi %get3A_332, %add3A_333 : vector<16xi32>
    %swap3A_335 = arith.constant 2 : i32
    %swap3A_336 = arith.index_cast %swap3A_335 : i32 to index
    %swap3A_337 = arith.constant 80 : index
    %swap3A_338 = tpu.vector_load %arg8[%swap3A_336, %swap3A_337] {strides = array<i32>} : memref<6x128xi32, #tpu.memory_space<vmem>>, vector<1x16xi32>,
    %swap3A_339 = vector.shape_cast %swap3A_338 : vector<1x16xi32> to vector<16xi32>
    %swap3A_340 = vector.shape_cast %add3A_334 : vector<16xi32> to vector<1x16xi32>
    tpu.vector_store %arg8[%swap3A_336, %swap3A_337], %swap3A_340 {strides = array<i32>} : memref<6x128xi32, #tpu.memory_space<vmem>>, vector<1x16xi32>,
    %add3A_341 = arith.constant 16384 : i32
    %add3A_342 = vector.broadcast %add3A_341 : i32 to vector<16xi32>
    %add3A_343 = arith.addi %add3A_334, %add3A_342 : vector<16xi32>
    %swap3A_344 = arith.constant 3 : i32
    %swap3A_345 = arith.index_cast %swap3A_344 : i32 to index
    %swap3A_346 = arith.constant 80 : index
    %swap3A_347 = tpu.vector_load %arg8[%swap3A_345, %swap3A_346] {strides = array<i32>} : memref<6x128xi32, #tpu.memory_space<vmem>>, vector<1x16xi32>,
    %swap3A_348 = vector.shape_cast %swap3A_347 : vector<1x16xi32> to vector<16xi32>
    %swap3A_349 = vector.shape_cast %add3A_343 : vector<16xi32> to vector<1x16xi32>
    tpu.vector_store %arg8[%swap3A_345, %swap3A_346], %swap3A_349 {strides = array<i32>} : memref<6x128xi32, #tpu.memory_space<vmem>>, vector<1x16xi32>,
    %get3A_350 = arith.constant 1 : i32
    %get3A_351 = arith.index_cast %get3A_350 : i32 to index
    %get3A_352 = arith.constant 96 : index
    %get3A_353 = tpu.vector_load %arg7[%get3A_351, %get3A_352] {strides = array<i32>} : memref<3x128xi32, #tpu.memory_space<vmem>>, vector<1x16xi32>,
    %get3A_354 = vector.shape_cast %get3A_353 : vector<1x16xi32> to vector<16xi32>
    %add3A_355 = vector.broadcast %mul3A_2 : i32 to vector<16xi32>
    %add3A_356 = arith.addi %get3A_354, %add3A_355 : vector<16xi32>
    %swap3A_357 = arith.constant 2 : i32
    %swap3A_358 = arith.index_cast %swap3A_357 : i32 to index
    %swap3A_359 = arith.constant 96 : index
    %swap3A_360 = tpu.vector_load %arg8[%swap3A_358, %swap3A_359] {strides = array<i32>} : memref<6x128xi32, #tpu.memory_space<vmem>>, vector<1x16xi32>,
    %swap3A_361 = vector.shape_cast %swap3A_360 : vector<1x16xi32> to vector<16xi32>
    %swap3A_362 = vector.shape_cast %add3A_356 : vector<16xi32> to vector<1x16xi32>
    tpu.vector_store %arg8[%swap3A_358, %swap3A_359], %swap3A_362 {strides = array<i32>} : memref<6x128xi32, #tpu.memory_space<vmem>>, vector<1x16xi32>,
    %add3A_363 = arith.constant 16384 : i32
    %add3A_364 = vector.broadcast %add3A_363 : i32 to vector<16xi32>
    %add3A_365 = arith.addi %add3A_356, %add3A_364 : vector<16xi32>
    %swap3A_366 = arith.constant 3 : i32
    %swap3A_367 = arith.index_cast %swap3A_366 : i32 to index
    %swap3A_368 = arith.constant 96 : index
    %swap3A_369 = tpu.vector_load %arg8[%swap3A_367, %swap3A_368] {strides = array<i32>} : memref<6x128xi32, #tpu.memory_space<vmem>>, vector<1x16xi32>,
    %swap3A_370 = vector.shape_cast %swap3A_369 : vector<1x16xi32> to vector<16xi32>
    %swap3A_371 = vector.shape_cast %add3A_365 : vector<16xi32> to vector<1x16xi32>
    tpu.vector_store %arg8[%swap3A_367, %swap3A_368], %swap3A_371 {strides = array<i32>} : memref<6x128xi32, #tpu.memory_space<vmem>>, vector<1x16xi32>,
    %get3A_372 = arith.constant 1 : i32
    %get3A_373 = arith.index_cast %get3A_372 : i32 to index
    %get3A_374 = arith.constant 112 : index
    %get3A_375 = tpu.vector_load %arg7[%get3A_373, %get3A_374] {strides = array<i32>} : memref<3x128xi32, #tpu.memory_space<vmem>>, vector<1x16xi32>,
    %get3A_376 = vector.shape_cast %get3A_375 : vector<1x16xi32> to vector<16xi32>
    %add3A_377 = vector.broadcast %mul3A_2 : i32 to vector<16xi32>
    %add3A_378 = arith.addi %get3A_376, %add3A_377 : vector<16xi32>
    %swap3A_379 = arith.constant 2 : i32
    %swap3A_380 = arith.index_cast %swap3A_379 : i32 to index
    %swap3A_381 = arith.constant 112 : index
    %swap3A_382 = tpu.vector_load %arg8[%swap3A_380, %swap3A_381] {strides = array<i32>} : memref<6x128xi32, #tpu.memory_space<vmem>>, vector<1x16xi32>,
    %swap3A_383 = vector.shape_cast %swap3A_382 : vector<1x16xi32> to vector<16xi32>
    %swap3A_384 = vector.shape_cast %add3A_378 : vector<16xi32> to vector<1x16xi32>
    tpu.vector_store %arg8[%swap3A_380, %swap3A_381], %swap3A_384 {strides = array<i32>} : memref<6x128xi32, #tpu.memory_space<vmem>>, vector<1x16xi32>,
    %add3A_385 = arith.constant 16384 : i32
    %add3A_386 = vector.broadcast %add3A_385 : i32 to vector<16xi32>
    %add3A_387 = arith.addi %add3A_378, %add3A_386 : vector<16xi32>
    %swap3A_388 = arith.constant 3 : i32
    %swap3A_389 = arith.index_cast %swap3A_388 : i32 to index
    %swap3A_390 = arith.constant 112 : index
    %swap3A_391 = tpu.vector_load %arg8[%swap3A_389, %swap3A_390] {strides = array<i32>} : memref<6x128xi32, #tpu.memory_space<vmem>>, vector<1x16xi32>,
    %swap3A_392 = vector.shape_cast %swap3A_391 : vector<1x16xi32> to vector<16xi32>
    %swap3A_393 = vector.shape_cast %add3A_387 : vector<16xi32> to vector<1x16xi32>
    tpu.vector_store %arg8[%swap3A_389, %swap3A_390], %swap3A_393 {strides = array<i32>} : memref<6x128xi32, #tpu.memory_space<vmem>>, vector<1x16xi32>,
    %dma_start3A_394 = arith.constant 2 : i32
    %dma_start3A_395 = arith.constant 2 : i32
    %dma_start3A_396 = arith.constant 0 : i32
    %dma_start3A_397 = tpu.memref_slice %arg9[%dma_start3A_395, %dma_start3A_396] : memref<6x128xf32, #tpu.memory_space<vmem>> -> memref<1x128xf32, #tpu.memory_space<vmem>>
    %dma_start3A_398 = tpu.memref_squeeze %dma_start3A_397 : memref<1x128xf32, #tpu.memory_space<vmem>> -> memref<128xf32, #tpu.memory_space<vmem>>
    %dma_start3A_399 = arith.constant 0 : i32
    %dma_start3A_400 = tpu.memref_slice %arg8[%dma_start3A_394, %dma_start3A_399] : memref<6x128xi32, #tpu.memory_space<vmem>> -> memref<1x128xi32, #tpu.memory_space<vmem>>
    %dma_start3A_401 = tpu.memref_squeeze %dma_start3A_400 : memref<1x128xi32, #tpu.memory_space<vmem>> -> memref<128xi32, #tpu.memory_space<vmem>>
    %dma_start3A_402 = arith.constant 0 : i32
    %dma_start3A_403 = tpu.memref_slice %arg3[%dma_start3A_402] : memref<524288xf32, #tpu.memory_space<hbm>> -> memref<524288xf32, #tpu.memory_space<hbm>>
    tpu.enqueue_indirect_dma source(%dma_start3A_403 : memref<524288xf32, #tpu.memory_space<hbm>>) target(%dma_start3A_398 : memref<128xf32, #tpu.memory_space<vmem>>) offsets(%dma_start3A_401 : memref<128xi32, #tpu.memory_space<vmem>>) semaphore(%arg14 : memref<!tpu.dma_semaphore, #tpu.memory_space<semaphore_mem>>)
    %dma_start3A_404 = arith.constant 3 : i32
    %dma_start3A_405 = arith.constant 3 : i32
    %dma_start3A_406 = arith.constant 0 : i32
    %dma_start3A_407 = tpu.memref_slice %arg9[%dma_start3A_405, %dma_start3A_406] : memref<6x128xf32, #tpu.memory_space<vmem>> -> memref<1x128xf32, #tpu.memory_space<vmem>>
    %dma_start3A_408 = tpu.memref_squeeze %dma_start3A_407 : memref<1x128xf32, #tpu.memory_space<vmem>> -> memref<128xf32, #tpu.memory_space<vmem>>
    %dma_start3A_409 = arith.constant 0 : i32
    %dma_start3A_410 = tpu.memref_slice %arg8[%dma_start3A_404, %dma_start3A_409] : memref<6x128xi32, #tpu.memory_space<vmem>> -> memref<1x128xi32, #tpu.memory_space<vmem>>
    %dma_start3A_411 = tpu.memref_squeeze %dma_start3A_410 : memref<1x128xi32, #tpu.memory_space<vmem>> -> memref<128xi32, #tpu.memory_space<vmem>>
    %dma_start3A_412 = arith.constant 0 : i32
    %dma_start3A_413 = tpu.memref_slice %arg3[%dma_start3A_412] : memref<524288xf32, #tpu.memory_space<hbm>> -> memref<524288xf32, #tpu.memory_space<hbm>>
    tpu.enqueue_indirect_dma source(%dma_start3A_413 : memref<524288xf32, #tpu.memory_space<hbm>>) target(%dma_start3A_408 : memref<128xf32, #tpu.memory_space<vmem>>) offsets(%dma_start3A_411 : memref<128xi32, #tpu.memory_space<vmem>>) semaphore(%arg14 : memref<!tpu.dma_semaphore, #tpu.memory_space<semaphore_mem>>)
    %get3A_414 = arith.constant 2 : i32
    %get3A_415 = arith.index_cast %get3A_414 : i32 to index
    %get3A_416 = arith.constant 0 : index
    %get3A_417 = tpu.vector_load %arg7[%get3A_415, %get3A_416] {strides = array<i32>} : memref<3x128xi32, #tpu.memory_space<vmem>>, vector<1x16xi32>,
    %get3A_418 = vector.shape_cast %get3A_417 : vector<1x16xi32> to vector<16xi32>
    %add3A_419 = vector.broadcast %mul3A_2 : i32 to vector<16xi32>
    %add3A_420 = arith.addi %get3A_418, %add3A_419 : vector<16xi32>
    %swap3A_421 = arith.constant 4 : i32
    %swap3A_422 = arith.index_cast %swap3A_421 : i32 to index
    %swap3A_423 = arith.constant 0 : index
    %swap3A_424 = tpu.vector_load %arg8[%swap3A_422, %swap3A_423] {strides = array<i32>} : memref<6x128xi32, #tpu.memory_space<vmem>>, vector<1x16xi32>,
    %swap3A_425 = vector.shape_cast %swap3A_424 : vector<1x16xi32> to vector<16xi32>
    %swap3A_426 = vector.shape_cast %add3A_420 : vector<16xi32> to vector<1x16xi32>
    tpu.vector_store %arg8[%swap3A_422, %swap3A_423], %swap3A_426 {strides = array<i32>} : memref<6x128xi32, #tpu.memory_space<vmem>>, vector<1x16xi32>,
    %add3A_427 = arith.constant 16384 : i32
    %add3A_428 = vector.broadcast %add3A_427 : i32 to vector<16xi32>
    %add3A_429 = arith.addi %add3A_420, %add3A_428 : vector<16xi32>
    %swap3A_430 = arith.constant 5 : i32
    %swap3A_431 = arith.index_cast %swap3A_430 : i32 to index
    %swap3A_432 = arith.constant 0 : index
    %swap3A_433 = tpu.vector_load %arg8[%swap3A_431, %swap3A_432] {strides = array<i32>} : memref<6x128xi32, #tpu.memory_space<vmem>>, vector<1x16xi32>,
    %swap3A_434 = vector.shape_cast %swap3A_433 : vector<1x16xi32> to vector<16xi32>
    %swap3A_435 = vector.shape_cast %add3A_429 : vector<16xi32> to vector<1x16xi32>
    tpu.vector_store %arg8[%swap3A_431, %swap3A_432], %swap3A_435 {strides = array<i32>} : memref<6x128xi32, #tpu.memory_space<vmem>>, vector<1x16xi32>,
    %get3A_436 = arith.constant 2 : i32
    %get3A_437 = arith.index_cast %get3A_436 : i32 to index
    %get3A_438 = arith.constant 16 : index
    %get3A_439 = tpu.vector_load %arg7[%get3A_437, %get3A_438] {strides = array<i32>} : memref<3x128xi32, #tpu.memory_space<vmem>>, vector<1x16xi32>,
    %get3A_440 = vector.shape_cast %get3A_439 : vector<1x16xi32> to vector<16xi32>
    %add3A_441 = vector.broadcast %mul3A_2 : i32 to vector<16xi32>
    %add3A_442 = arith.addi %get3A_440, %add3A_441 : vector<16xi32>
    %swap3A_443 = arith.constant 4 : i32
    %swap3A_444 = arith.index_cast %swap3A_443 : i32 to index
    %swap3A_445 = arith.constant 16 : index
    %swap3A_446 = tpu.vector_load %arg8[%swap3A_444, %swap3A_445] {strides = array<i32>} : memref<6x128xi32, #tpu.memory_space<vmem>>, vector<1x16xi32>,
    %swap3A_447 = vector.shape_cast %swap3A_446 : vector<1x16xi32> to vector<16xi32>
    %swap3A_448 = vector.shape_cast %add3A_442 : vector<16xi32> to vector<1x16xi32>
    tpu.vector_store %arg8[%swap3A_444, %swap3A_445], %swap3A_448 {strides = array<i32>} : memref<6x128xi32, #tpu.memory_space<vmem>>, vector<1x16xi32>,
    %add3A_449 = arith.constant 16384 : i32
    %add3A_450 = vector.broadcast %add3A_449 : i32 to vector<16xi32>
    %add3A_451 = arith.addi %add3A_442, %add3A_450 : vector<16xi32>
    %swap3A_452 = arith.constant 5 : i32
    %swap3A_453 = arith.index_cast %swap3A_452 : i32 to index
    %swap3A_454 = arith.constant 16 : index
    %swap3A_455 = tpu.vector_load %arg8[%swap3A_453, %swap3A_454] {strides = array<i32>} : memref<6x128xi32, #tpu.memory_space<vmem>>, vector<1x16xi32>,
    %swap3A_456 = vector.shape_cast %swap3A_455 : vector<1x16xi32> to vector<16xi32>
    %swap3A_457 = vector.shape_cast %add3A_451 : vector<16xi32> to vector<1x16xi32>
    tpu.vector_store %arg8[%swap3A_453, %swap3A_454], %swap3A_457 {strides = array<i32>} : memref<6x128xi32, #tpu.memory_space<vmem>>, vector<1x16xi32>,
    %get3A_458 = arith.constant 2 : i32
    %get3A_459 = arith.index_cast %get3A_458 : i32 to index
    %get3A_460 = arith.constant 32 : index
    %get3A_461 = tpu.vector_load %arg7[%get3A_459, %get3A_460] {strides = array<i32>} : memref<3x128xi32, #tpu.memory_space<vmem>>, vector<1x16xi32>,
    %get3A_462 = vector.shape_cast %get3A_461 : vector<1x16xi32> to vector<16xi32>
    %add3A_463 = vector.broadcast %mul3A_2 : i32 to vector<16xi32>
    %add3A_464 = arith.addi %get3A_462, %add3A_463 : vector<16xi32>
    %swap3A_465 = arith.constant 4 : i32
    %swap3A_466 = arith.index_cast %swap3A_465 : i32 to index
    %swap3A_467 = arith.constant 32 : index
    %swap3A_468 = tpu.vector_load %arg8[%swap3A_466, %swap3A_467] {strides = array<i32>} : memref<6x128xi32, #tpu.memory_space<vmem>>, vector<1x16xi32>,
    %swap3A_469 = vector.shape_cast %swap3A_468 : vector<1x16xi32> to vector<16xi32>
    %swap3A_470 = vector.shape_cast %add3A_464 : vector<16xi32> to vector<1x16xi32>
    tpu.vector_store %arg8[%swap3A_466, %swap3A_467], %swap3A_470 {strides = array<i32>} : memref<6x128xi32, #tpu.memory_space<vmem>>, vector<1x16xi32>,
    %add3A_471 = arith.constant 16384 : i32
    %add3A_472 = vector.broadcast %add3A_471 : i32 to vector<16xi32>
    %add3A_473 = arith.addi %add3A_464, %add3A_472 : vector<16xi32>
    %swap3A_474 = arith.constant 5 : i32
    %swap3A_475 = arith.index_cast %swap3A_474 : i32 to index
    %swap3A_476 = arith.constant 32 : index
    %swap3A_477 = tpu.vector_load %arg8[%swap3A_475, %swap3A_476] {strides = array<i32>} : memref<6x128xi32, #tpu.memory_space<vmem>>, vector<1x16xi32>,
    %swap3A_478 = vector.shape_cast %swap3A_477 : vector<1x16xi32> to vector<16xi32>
    %swap3A_479 = vector.shape_cast %add3A_473 : vector<16xi32> to vector<1x16xi32>
    tpu.vector_store %arg8[%swap3A_475, %swap3A_476], %swap3A_479 {strides = array<i32>} : memref<6x128xi32, #tpu.memory_space<vmem>>, vector<1x16xi32>,
    %get3A_480 = arith.constant 2 : i32
    %get3A_481 = arith.index_cast %get3A_480 : i32 to index
    %get3A_482 = arith.constant 48 : index
    %get3A_483 = tpu.vector_load %arg7[%get3A_481, %get3A_482] {strides = array<i32>} : memref<3x128xi32, #tpu.memory_space<vmem>>, vector<1x16xi32>,
    %get3A_484 = vector.shape_cast %get3A_483 : vector<1x16xi32> to vector<16xi32>
    %add3A_485 = vector.broadcast %mul3A_2 : i32 to vector<16xi32>
    %add3A_486 = arith.addi %get3A_484, %add3A_485 : vector<16xi32>
    %swap3A_487 = arith.constant 4 : i32
    %swap3A_488 = arith.index_cast %swap3A_487 : i32 to index
    %swap3A_489 = arith.constant 48 : index
    %swap3A_490 = tpu.vector_load %arg8[%swap3A_488, %swap3A_489] {strides = array<i32>} : memref<6x128xi32, #tpu.memory_space<vmem>>, vector<1x16xi32>,
    %swap3A_491 = vector.shape_cast %swap3A_490 : vector<1x16xi32> to vector<16xi32>
    %swap3A_492 = vector.shape_cast %add3A_486 : vector<16xi32> to vector<1x16xi32>
    tpu.vector_store %arg8[%swap3A_488, %swap3A_489], %swap3A_492 {strides = array<i32>} : memref<6x128xi32, #tpu.memory_space<vmem>>, vector<1x16xi32>,
    %add3A_493 = arith.constant 16384 : i32
    %add3A_494 = vector.broadcast %add3A_493 : i32 to vector<16xi32>
    %add3A_495 = arith.addi %add3A_486, %add3A_494 : vector<16xi32>
    %swap3A_496 = arith.constant 5 : i32
    %swap3A_497 = arith.index_cast %swap3A_496 : i32 to index
    %swap3A_498 = arith.constant 48 : index
    %swap3A_499 = tpu.vector_load %arg8[%swap3A_497, %swap3A_498] {strides = array<i32>} : memref<6x128xi32, #tpu.memory_space<vmem>>, vector<1x16xi32>,
    %swap3A_500 = vector.shape_cast %swap3A_499 : vector<1x16xi32> to vector<16xi32>
    %swap3A_501 = vector.shape_cast %add3A_495 : vector<16xi32> to vector<1x16xi32>
    tpu.vector_store %arg8[%swap3A_497, %swap3A_498], %swap3A_501 {strides = array<i32>} : memref<6x128xi32, #tpu.memory_space<vmem>>, vector<1x16xi32>,
    %get3A_502 = arith.constant 2 : i32
    %get3A_503 = arith.index_cast %get3A_502 : i32 to index
    %get3A_504 = arith.constant 64 : index
    %get3A_505 = tpu.vector_load %arg7[%get3A_503, %get3A_504] {strides = array<i32>} : memref<3x128xi32, #tpu.memory_space<vmem>>, vector<1x16xi32>,
    %get3A_506 = vector.shape_cast %get3A_505 : vector<1x16xi32> to vector<16xi32>
    %add3A_507 = vector.broadcast %mul3A_2 : i32 to vector<16xi32>
    %add3A_508 = arith.addi %get3A_506, %add3A_507 : vector<16xi32>
    %swap3A_509 = arith.constant 4 : i32
    %swap3A_510 = arith.index_cast %swap3A_509 : i32 to index
    %swap3A_511 = arith.constant 64 : index
    %swap3A_512 = tpu.vector_load %arg8[%swap3A_510, %swap3A_511] {strides = array<i32>} : memref<6x128xi32, #tpu.memory_space<vmem>>, vector<1x16xi32>,
    %swap3A_513 = vector.shape_cast %swap3A_512 : vector<1x16xi32> to vector<16xi32>
    %swap3A_514 = vector.shape_cast %add3A_508 : vector<16xi32> to vector<1x16xi32>
    tpu.vector_store %arg8[%swap3A_510, %swap3A_511], %swap3A_514 {strides = array<i32>} : memref<6x128xi32, #tpu.memory_space<vmem>>, vector<1x16xi32>,
    %add3A_515 = arith.constant 16384 : i32
    %add3A_516 = vector.broadcast %add3A_515 : i32 to vector<16xi32>
    %add3A_517 = arith.addi %add3A_508, %add3A_516 : vector<16xi32>
    %swap3A_518 = arith.constant 5 : i32
    %swap3A_519 = arith.index_cast %swap3A_518 : i32 to index
    %swap3A_520 = arith.constant 64 : index
    %swap3A_521 = tpu.vector_load %arg8[%swap3A_519, %swap3A_520] {strides = array<i32>} : memref<6x128xi32, #tpu.memory_space<vmem>>, vector<1x16xi32>,
    %swap3A_522 = vector.shape_cast %swap3A_521 : vector<1x16xi32> to vector<16xi32>
    %swap3A_523 = vector.shape_cast %add3A_517 : vector<16xi32> to vector<1x16xi32>
    tpu.vector_store %arg8[%swap3A_519, %swap3A_520], %swap3A_523 {strides = array<i32>} : memref<6x128xi32, #tpu.memory_space<vmem>>, vector<1x16xi32>,
    %get3A_524 = arith.constant 2 : i32
    %get3A_525 = arith.index_cast %get3A_524 : i32 to index
    %get3A_526 = arith.constant 80 : index
    %get3A_527 = tpu.vector_load %arg7[%get3A_525, %get3A_526] {strides = array<i32>} : memref<3x128xi32, #tpu.memory_space<vmem>>, vector<1x16xi32>,
    %get3A_528 = vector.shape_cast %get3A_527 : vector<1x16xi32> to vector<16xi32>
    %add3A_529 = vector.broadcast %mul3A_2 : i32 to vector<16xi32>
    %add3A_530 = arith.addi %get3A_528, %add3A_529 : vector<16xi32>
    %swap3A_531 = arith.constant 4 : i32
    %swap3A_532 = arith.index_cast %swap3A_531 : i32 to index
    %swap3A_533 = arith.constant 80 : index
    %swap3A_534 = tpu.vector_load %arg8[%swap3A_532, %swap3A_533] {strides = array<i32>} : memref<6x128xi32, #tpu.memory_space<vmem>>, vector<1x16xi32>,
    %swap3A_535 = vector.shape_cast %swap3A_534 : vector<1x16xi32> to vector<16xi32>
    %swap3A_536 = vector.shape_cast %add3A_530 : vector<16xi32> to vector<1x16xi32>
    tpu.vector_store %arg8[%swap3A_532, %swap3A_533], %swap3A_536 {strides = array<i32>} : memref<6x128xi32, #tpu.memory_space<vmem>>, vector<1x16xi32>,
    %add3A_537 = arith.constant 16384 : i32
    %add3A_538 = vector.broadcast %add3A_537 : i32 to vector<16xi32>
    %add3A_539 = arith.addi %add3A_530, %add3A_538 : vector<16xi32>
    %swap3A_540 = arith.constant 5 : i32
    %swap3A_541 = arith.index_cast %swap3A_540 : i32 to index
    %swap3A_542 = arith.constant 80 : index
    %swap3A_543 = tpu.vector_load %arg8[%swap3A_541, %swap3A_542] {strides = array<i32>} : memref<6x128xi32, #tpu.memory_space<vmem>>, vector<1x16xi32>,
    %swap3A_544 = vector.shape_cast %swap3A_543 : vector<1x16xi32> to vector<16xi32>
    %swap3A_545 = vector.shape_cast %add3A_539 : vector<16xi32> to vector<1x16xi32>
    tpu.vector_store %arg8[%swap3A_541, %swap3A_542], %swap3A_545 {strides = array<i32>} : memref<6x128xi32, #tpu.memory_space<vmem>>, vector<1x16xi32>,
    %get3A_546 = arith.constant 2 : i32
    %get3A_547 = arith.index_cast %get3A_546 : i32 to index
    %get3A_548 = arith.constant 96 : index
    %get3A_549 = tpu.vector_load %arg7[%get3A_547, %get3A_548] {strides = array<i32>} : memref<3x128xi32, #tpu.memory_space<vmem>>, vector<1x16xi32>,
    %get3A_550 = vector.shape_cast %get3A_549 : vector<1x16xi32> to vector<16xi32>
    %add3A_551 = vector.broadcast %mul3A_2 : i32 to vector<16xi32>
    %add3A_552 = arith.addi %get3A_550, %add3A_551 : vector<16xi32>
    %swap3A_553 = arith.constant 4 : i32
    %swap3A_554 = arith.index_cast %swap3A_553 : i32 to index
    %swap3A_555 = arith.constant 96 : index
    %swap3A_556 = tpu.vector_load %arg8[%swap3A_554, %swap3A_555] {strides = array<i32>} : memref<6x128xi32, #tpu.memory_space<vmem>>, vector<1x16xi32>,
    %swap3A_557 = vector.shape_cast %swap3A_556 : vector<1x16xi32> to vector<16xi32>
    %swap3A_558 = vector.shape_cast %add3A_552 : vector<16xi32> to vector<1x16xi32>
    tpu.vector_store %arg8[%swap3A_554, %swap3A_555], %swap3A_558 {strides = array<i32>} : memref<6x128xi32, #tpu.memory_space<vmem>>, vector<1x16xi32>,
    %add3A_559 = arith.constant 16384 : i32
    %add3A_560 = vector.broadcast %add3A_559 : i32 to vector<16xi32>
    %add3A_561 = arith.addi %add3A_552, %add3A_560 : vector<16xi32>
    %swap3A_562 = arith.constant 5 : i32
    %swap3A_563 = arith.index_cast %swap3A_562 : i32 to index
    %swap3A_564 = arith.constant 96 : index
    %swap3A_565 = tpu.vector_load %arg8[%swap3A_563, %swap3A_564] {strides = array<i32>} : memref<6x128xi32, #tpu.memory_space<vmem>>, vector<1x16xi32>,
    %swap3A_566 = vector.shape_cast %swap3A_565 : vector<1x16xi32> to vector<16xi32>
    %swap3A_567 = vector.shape_cast %add3A_561 : vector<16xi32> to vector<1x16xi32>
    tpu.vector_store %arg8[%swap3A_563, %swap3A_564], %swap3A_567 {strides = array<i32>} : memref<6x128xi32, #tpu.memory_space<vmem>>, vector<1x16xi32>,
    %get3A_568 = arith.constant 2 : i32
    %get3A_569 = arith.index_cast %get3A_568 : i32 to index
    %get3A_570 = arith.constant 112 : index
    %get3A_571 = tpu.vector_load %arg7[%get3A_569, %get3A_570] {strides = array<i32>} : memref<3x128xi32, #tpu.memory_space<vmem>>, vector<1x16xi32>,
    %get3A_572 = vector.shape_cast %get3A_571 : vector<1x16xi32> to vector<16xi32>
    %add3A_573 = vector.broadcast %mul3A_2 : i32 to vector<16xi32>
    %add3A_574 = arith.addi %get3A_572, %add3A_573 : vector<16xi32>
    %swap3A_575 = arith.constant 4 : i32
    %swap3A_576 = arith.index_cast %swap3A_575 : i32 to index
    %swap3A_577 = arith.constant 112 : index
    %swap3A_578 = tpu.vector_load %arg8[%swap3A_576, %swap3A_577] {strides = array<i32>} : memref<6x128xi32, #tpu.memory_space<vmem>>, vector<1x16xi32>,
    %swap3A_579 = vector.shape_cast %swap3A_578 : vector<1x16xi32> to vector<16xi32>
    %swap3A_580 = vector.shape_cast %add3A_574 : vector<16xi32> to vector<1x16xi32>
    tpu.vector_store %arg8[%swap3A_576, %swap3A_577], %swap3A_580 {strides = array<i32>} : memref<6x128xi32, #tpu.memory_space<vmem>>, vector<1x16xi32>,
    %add3A_581 = arith.constant 16384 : i32
    %add3A_582 = vector.broadcast %add3A_581 : i32 to vector<16xi32>
    %add3A_583 = arith.addi %add3A_574, %add3A_582 : vector<16xi32>
    %swap3A_584 = arith.constant 5 : i32
    %swap3A_585 = arith.index_cast %swap3A_584 : i32 to index
    %swap3A_586 = arith.constant 112 : index
    %swap3A_587 = tpu.vector_load %arg8[%swap3A_585, %swap3A_586] {strides = array<i32>} : memref<6x128xi32, #tpu.memory_space<vmem>>, vector<1x16xi32>,
    %swap3A_588 = vector.shape_cast %swap3A_587 : vector<1x16xi32> to vector<16xi32>
    %swap3A_589 = vector.shape_cast %add3A_583 : vector<16xi32> to vector<1x16xi32>
    tpu.vector_store %arg8[%swap3A_585, %swap3A_586], %swap3A_589 {strides = array<i32>} : memref<6x128xi32, #tpu.memory_space<vmem>>, vector<1x16xi32>,
    %dma_start3A_590 = arith.constant 4 : i32
    %dma_start3A_591 = arith.constant 4 : i32
    %dma_start3A_592 = arith.constant 0 : i32
    %dma_start3A_593 = tpu.memref_slice %arg9[%dma_start3A_591, %dma_start3A_592] : memref<6x128xf32, #tpu.memory_space<vmem>> -> memref<1x128xf32, #tpu.memory_space<vmem>>
    %dma_start3A_594 = tpu.memref_squeeze %dma_start3A_593 : memref<1x128xf32, #tpu.memory_space<vmem>> -> memref<128xf32, #tpu.memory_space<vmem>>
    %dma_start3A_595 = arith.constant 0 : i32
    %dma_start3A_596 = tpu.memref_slice %arg8[%dma_start3A_590, %dma_start3A_595] : memref<6x128xi32, #tpu.memory_space<vmem>> -> memref<1x128xi32, #tpu.memory_space<vmem>>
    %dma_start3A_597 = tpu.memref_squeeze %dma_start3A_596 : memref<1x128xi32, #tpu.memory_space<vmem>> -> memref<128xi32, #tpu.memory_space<vmem>>
    %dma_start3A_598 = arith.constant 0 : i32
    %dma_start3A_599 = tpu.memref_slice %arg4[%dma_start3A_598] : memref<524288xf32, #tpu.memory_space<hbm>> -> memref<524288xf32, #tpu.memory_space<hbm>>
    tpu.enqueue_indirect_dma source(%dma_start3A_599 : memref<524288xf32, #tpu.memory_space<hbm>>) target(%dma_start3A_594 : memref<128xf32, #tpu.memory_space<vmem>>) offsets(%dma_start3A_597 : memref<128xi32, #tpu.memory_space<vmem>>) semaphore(%arg14 : memref<!tpu.dma_semaphore, #tpu.memory_space<semaphore_mem>>)
    %dma_start3A_600 = arith.constant 5 : i32
    %dma_start3A_601 = arith.constant 5 : i32
    %dma_start3A_602 = arith.constant 0 : i32
    %dma_start3A_603 = tpu.memref_slice %arg9[%dma_start3A_601, %dma_start3A_602] : memref<6x128xf32, #tpu.memory_space<vmem>> -> memref<1x128xf32, #tpu.memory_space<vmem>>
    %dma_start3A_604 = tpu.memref_squeeze %dma_start3A_603 : memref<1x128xf32, #tpu.memory_space<vmem>> -> memref<128xf32, #tpu.memory_space<vmem>>
    %dma_start3A_605 = arith.constant 0 : i32
    %dma_start3A_606 = tpu.memref_slice %arg8[%dma_start3A_600, %dma_start3A_605] : memref<6x128xi32, #tpu.memory_space<vmem>> -> memref<1x128xi32, #tpu.memory_space<vmem>>
    %dma_start3A_607 = tpu.memref_squeeze %dma_start3A_606 : memref<1x128xi32, #tpu.memory_space<vmem>> -> memref<128xi32, #tpu.memory_space<vmem>>
    %dma_start3A_608 = arith.constant 0 : i32
    %dma_start3A_609 = tpu.memref_slice %arg4[%dma_start3A_608] : memref<524288xf32, #tpu.memory_space<hbm>> -> memref<524288xf32, #tpu.memory_space<hbm>>
    tpu.enqueue_indirect_dma source(%dma_start3A_609 : memref<524288xf32, #tpu.memory_space<hbm>>) target(%dma_start3A_604 : memref<128xf32, #tpu.memory_space<vmem>>) offsets(%dma_start3A_607 : memref<128xi32, #tpu.memory_space<vmem>>) semaphore(%arg14 : memref<!tpu.dma_semaphore, #tpu.memory_space<semaphore_mem>>)
    %dma_wait3A = arith.constant 0 : i32
    %dma_wait3A_610 = arith.constant 0 : i32
    %dma_wait3A_611 = arith.constant 0 : i32
    %dma_wait3A_612 = tpu.memref_slice %arg9[%dma_wait3A_610, %dma_wait3A_611] : memref<6x128xf32, #tpu.memory_space<vmem>> -> memref<1x128xf32, #tpu.memory_space<vmem>>
    %dma_wait3A_613 = tpu.memref_squeeze %dma_wait3A_612 : memref<1x128xf32, #tpu.memory_space<vmem>> -> memref<128xf32, #tpu.memory_space<vmem>>
    %dma_wait3A_614 = arith.constant 0 : i32
    %dma_wait3A_615 = tpu.memref_slice %arg8[%dma_wait3A, %dma_wait3A_614] : memref<6x128xi32, #tpu.memory_space<vmem>> -> memref<1x128xi32, #tpu.memory_space<vmem>>
    %dma_wait3A_616 = tpu.memref_squeeze %dma_wait3A_615 : memref<1x128xi32, #tpu.memory_space<vmem>> -> memref<128xi32, #tpu.memory_space<vmem>>
    %dma_wait3A_617 = arith.constant 0 : i32
    %dma_wait3A_618 = tpu.memref_slice %arg2[%dma_wait3A_617] : memref<524288xf32, #tpu.memory_space<hbm>> -> memref<524288xf32, #tpu.memory_space<hbm>>
    tpu.wait_indirect_dma semaphore(%arg14 : memref<!tpu.dma_semaphore, #tpu.memory_space<semaphore_mem>>) src(%dma_wait3A_618 : memref<524288xf32, #tpu.memory_space<hbm>>) dst(%dma_wait3A_613 : memref<128xf32, #tpu.memory_space<vmem>>)
    %dma_wait3A_619 = arith.constant 1 : i32
    %dma_wait3A_620 = arith.constant 1 : i32
    %dma_wait3A_621 = arith.constant 0 : i32
    %dma_wait3A_622 = tpu.memref_slice %arg9[%dma_wait3A_620, %dma_wait3A_621] : memref<6x128xf32, #tpu.memory_space<vmem>> -> memref<1x128xf32, #tpu.memory_space<vmem>>
    %dma_wait3A_623 = tpu.memref_squeeze %dma_wait3A_622 : memref<1x128xf32, #tpu.memory_space<vmem>> -> memref<128xf32, #tpu.memory_space<vmem>>
    %dma_wait3A_624 = arith.constant 0 : i32
    %dma_wait3A_625 = tpu.memref_slice %arg8[%dma_wait3A_619, %dma_wait3A_624] : memref<6x128xi32, #tpu.memory_space<vmem>> -> memref<1x128xi32, #tpu.memory_space<vmem>>
    %dma_wait3A_626 = tpu.memref_squeeze %dma_wait3A_625 : memref<1x128xi32, #tpu.memory_space<vmem>> -> memref<128xi32, #tpu.memory_space<vmem>>
    %dma_wait3A_627 = arith.constant 0 : i32
    %dma_wait3A_628 = tpu.memref_slice %arg2[%dma_wait3A_627] : memref<524288xf32, #tpu.memory_space<hbm>> -> memref<524288xf32, #tpu.memory_space<hbm>>
    tpu.wait_indirect_dma semaphore(%arg14 : memref<!tpu.dma_semaphore, #tpu.memory_space<semaphore_mem>>) src(%dma_wait3A_628 : memref<524288xf32, #tpu.memory_space<hbm>>) dst(%dma_wait3A_623 : memref<128xf32, #tpu.memory_space<vmem>>)
    %dma_wait3A_629 = arith.constant 2 : i32
    %dma_wait3A_630 = arith.constant 2 : i32
    %dma_wait3A_631 = arith.constant 0 : i32
    %dma_wait3A_632 = tpu.memref_slice %arg9[%dma_wait3A_630, %dma_wait3A_631] : memref<6x128xf32, #tpu.memory_space<vmem>> -> memref<1x128xf32, #tpu.memory_space<vmem>>
    %dma_wait3A_633 = tpu.memref_squeeze %dma_wait3A_632 : memref<1x128xf32, #tpu.memory_space<vmem>> -> memref<128xf32, #tpu.memory_space<vmem>>
    %dma_wait3A_634 = arith.constant 0 : i32
    %dma_wait3A_635 = tpu.memref_slice %arg8[%dma_wait3A_629, %dma_wait3A_634] : memref<6x128xi32, #tpu.memory_space<vmem>> -> memref<1x128xi32, #tpu.memory_space<vmem>>
    %dma_wait3A_636 = tpu.memref_squeeze %dma_wait3A_635 : memref<1x128xi32, #tpu.memory_space<vmem>> -> memref<128xi32, #tpu.memory_space<vmem>>
    %dma_wait3A_637 = arith.constant 0 : i32
    %dma_wait3A_638 = tpu.memref_slice %arg3[%dma_wait3A_637] : memref<524288xf32, #tpu.memory_space<hbm>> -> memref<524288xf32, #tpu.memory_space<hbm>>
    tpu.wait_indirect_dma semaphore(%arg14 : memref<!tpu.dma_semaphore, #tpu.memory_space<semaphore_mem>>) src(%dma_wait3A_638 : memref<524288xf32, #tpu.memory_space<hbm>>) dst(%dma_wait3A_633 : memref<128xf32, #tpu.memory_space<vmem>>)
    %dma_wait3A_639 = arith.constant 3 : i32
    %dma_wait3A_640 = arith.constant 3 : i32
    %dma_wait3A_641 = arith.constant 0 : i32
    %dma_wait3A_642 = tpu.memref_slice %arg9[%dma_wait3A_640, %dma_wait3A_641] : memref<6x128xf32, #tpu.memory_space<vmem>> -> memref<1x128xf32, #tpu.memory_space<vmem>>
    %dma_wait3A_643 = tpu.memref_squeeze %dma_wait3A_642 : memref<1x128xf32, #tpu.memory_space<vmem>> -> memref<128xf32, #tpu.memory_space<vmem>>
    %dma_wait3A_644 = arith.constant 0 : i32
    %dma_wait3A_645 = tpu.memref_slice %arg8[%dma_wait3A_639, %dma_wait3A_644] : memref<6x128xi32, #tpu.memory_space<vmem>> -> memref<1x128xi32, #tpu.memory_space<vmem>>
    %dma_wait3A_646 = tpu.memref_squeeze %dma_wait3A_645 : memref<1x128xi32, #tpu.memory_space<vmem>> -> memref<128xi32, #tpu.memory_space<vmem>>
    %dma_wait3A_647 = arith.constant 0 : i32
    %dma_wait3A_648 = tpu.memref_slice %arg3[%dma_wait3A_647] : memref<524288xf32, #tpu.memory_space<hbm>> -> memref<524288xf32, #tpu.memory_space<hbm>>
    tpu.wait_indirect_dma semaphore(%arg14 : memref<!tpu.dma_semaphore, #tpu.memory_space<semaphore_mem>>) src(%dma_wait3A_648 : memref<524288xf32, #tpu.memory_space<hbm>>) dst(%dma_wait3A_643 : memref<128xf32, #tpu.memory_space<vmem>>)
    %dma_wait3A_649 = arith.constant 4 : i32
    %dma_wait3A_650 = arith.constant 4 : i32
    %dma_wait3A_651 = arith.constant 0 : i32
    %dma_wait3A_652 = tpu.memref_slice %arg9[%dma_wait3A_650, %dma_wait3A_651] : memref<6x128xf32, #tpu.memory_space<vmem>> -> memref<1x128xf32, #tpu.memory_space<vmem>>
    %dma_wait3A_653 = tpu.memref_squeeze %dma_wait3A_652 : memref<1x128xf32, #tpu.memory_space<vmem>> -> memref<128xf32, #tpu.memory_space<vmem>>
    %dma_wait3A_654 = arith.constant 0 : i32
    %dma_wait3A_655 = tpu.memref_slice %arg8[%dma_wait3A_649, %dma_wait3A_654] : memref<6x128xi32, #tpu.memory_space<vmem>> -> memref<1x128xi32, #tpu.memory_space<vmem>>
    %dma_wait3A_656 = tpu.memref_squeeze %dma_wait3A_655 : memref<1x128xi32, #tpu.memory_space<vmem>> -> memref<128xi32, #tpu.memory_space<vmem>>
    %dma_wait3A_657 = arith.constant 0 : i32
    %dma_wait3A_658 = tpu.memref_slice %arg4[%dma_wait3A_657] : memref<524288xf32, #tpu.memory_space<hbm>> -> memref<524288xf32, #tpu.memory_space<hbm>>
    tpu.wait_indirect_dma semaphore(%arg14 : memref<!tpu.dma_semaphore, #tpu.memory_space<semaphore_mem>>) src(%dma_wait3A_658 : memref<524288xf32, #tpu.memory_space<hbm>>) dst(%dma_wait3A_653 : memref<128xf32, #tpu.memory_space<vmem>>)
    %dma_wait3A_659 = arith.constant 5 : i32
    %dma_wait3A_660 = arith.constant 5 : i32
    %dma_wait3A_661 = arith.constant 0 : i32
    %dma_wait3A_662 = tpu.memref_slice %arg9[%dma_wait3A_660, %dma_wait3A_661] : memref<6x128xf32, #tpu.memory_space<vmem>> -> memref<1x128xf32, #tpu.memory_space<vmem>>
    %dma_wait3A_663 = tpu.memref_squeeze %dma_wait3A_662 : memref<1x128xf32, #tpu.memory_space<vmem>> -> memref<128xf32, #tpu.memory_space<vmem>>
    %dma_wait3A_664 = arith.constant 0 : i32
    %dma_wait3A_665 = tpu.memref_slice %arg8[%dma_wait3A_659, %dma_wait3A_664] : memref<6x128xi32, #tpu.memory_space<vmem>> -> memref<1x128xi32, #tpu.memory_space<vmem>>
    %dma_wait3A_666 = tpu.memref_squeeze %dma_wait3A_665 : memref<1x128xi32, #tpu.memory_space<vmem>> -> memref<128xi32, #tpu.memory_space<vmem>>
    %dma_wait3A_667 = arith.constant 0 : i32
    %dma_wait3A_668 = tpu.memref_slice %arg4[%dma_wait3A_667] : memref<524288xf32, #tpu.memory_space<hbm>> -> memref<524288xf32, #tpu.memory_space<hbm>>
    tpu.wait_indirect_dma semaphore(%arg14 : memref<!tpu.dma_semaphore, #tpu.memory_space<semaphore_mem>>) src(%dma_wait3A_668 : memref<524288xf32, #tpu.memory_space<hbm>>) dst(%dma_wait3A_663 : memref<128xf32, #tpu.memory_space<vmem>>)
    %broadcast_in_dim3A = arith.constant 0.000000e+00 : f32
    %broadcast_in_dim3A_669 = vector.broadcast %broadcast_in_dim3A : f32 to vector<16xf32>
    %broadcast_in_dim3A_670 = arith.constant 0.000000e+00 : f32
    %broadcast_in_dim3A_671 = vector.broadcast %broadcast_in_dim3A_670 : f32 to vector<16xf32>
    %get3A_672 = arith.constant 0 : i32
    %get3A_673 = arith.index_cast %get3A_672 : i32 to index
    %get3A_674 = arith.constant 0 : index
    %get3A_675 = tpu.vector_load %arg7[%get3A_673, %get3A_674] {strides = array<i32>} : memref<3x128xi32, #tpu.memory_space<vmem>>, vector<1x16xi32>,
    %get3A_676 = vector.shape_cast %get3A_675 : vector<1x16xi32> to vector<16xi32>
    %shift_right_logical3A = arith.constant 15 : i32
    %shift_right_logical3A_677 = vector.broadcast %shift_right_logical3A : i32 to vector<16xi32>
    %shift_right_logical3A_678 = arith.shrui %get3A_676, %shift_right_logical3A_677 : vector<16xi32>
    %convert_element_type3A = arith.sitofp %shift_right_logical3A_678 : vector<16xi32> to vector<16xf32>
    %and3A_679 = arith.constant 32767 : i32
    %and3A_680 = vector.broadcast %and3A_679 : i32 to vector<16xi32>
    %and3A_681 = arith.andi %get3A_676, %and3A_680 : vector<16xi32>
    %and3A_682 = arith.constant 127 : i32
    %and3A_683 = vector.broadcast %and3A_682 : i32 to vector<16xi32>
    %and3A_684 = arith.andi %and3A_681, %and3A_683 : vector<16xi32>
    %convert_element_type3A_685 = arith.sitofp %and3A_684 : vector<16xi32> to vector<16xf32>
    %shift_right_logical3A_686 = arith.constant 7 : i32
    %shift_right_logical3A_687 = vector.broadcast %shift_right_logical3A_686 : i32 to vector<16xi32>
    %shift_right_logical3A_688 = arith.shrui %and3A_681, %shift_right_logical3A_687 : vector<16xi32>
    %convert_element_type3A_689 = arith.sitofp %shift_right_logical3A_688 : vector<16xi32> to vector<16xf32>
    %get3A_690 = arith.constant 1 : i32
    %get3A_691 = arith.index_cast %get3A_690 : i32 to index
    %get3A_692 = arith.constant 0 : index
    %get3A_693 = tpu.vector_load %arg7[%get3A_691, %get3A_692] {strides = array<i32>} : memref<3x128xi32, #tpu.memory_space<vmem>>, vector<1x16xi32>,
    %get3A_694 = vector.shape_cast %get3A_693 : vector<1x16xi32> to vector<16xi32>
    %and3A_695 = arith.constant 127 : i32
    %and3A_696 = vector.broadcast %and3A_695 : i32 to vector<16xi32>
    %and3A_697 = arith.andi %get3A_694, %and3A_696 : vector<16xi32>
    %convert_element_type3A_698 = arith.sitofp %and3A_697 : vector<16xi32> to vector<16xf32>
    %shift_right_logical3A_699 = arith.constant 7 : i32
    %shift_right_logical3A_700 = vector.broadcast %shift_right_logical3A_699 : i32 to vector<16xi32>
    %shift_right_logical3A_701 = arith.shrui %get3A_694, %shift_right_logical3A_700 : vector<16xi32>
    %convert_element_type3A_702 = arith.sitofp %shift_right_logical3A_701 : vector<16xi32> to vector<16xf32>
    %get3A_703 = arith.constant 2 : i32
    %get3A_704 = arith.index_cast %get3A_703 : i32 to index
    %get3A_705 = arith.constant 0 : index
    %get3A_706 = tpu.vector_load %arg7[%get3A_704, %get3A_705] {strides = array<i32>} : memref<3x128xi32, #tpu.memory_space<vmem>>, vector<1x16xi32>,
    %get3A_707 = vector.shape_cast %get3A_706 : vector<1x16xi32> to vector<16xi32>
    %and3A_708 = arith.constant 127 : i32
    %and3A_709 = vector.broadcast %and3A_708 : i32 to vector<16xi32>
    %and3A_710 = arith.andi %get3A_707, %and3A_709 : vector<16xi32>
    %convert_element_type3A_711 = arith.sitofp %and3A_710 : vector<16xi32> to vector<16xf32>
    %shift_right_logical3A_712 = arith.constant 7 : i32
    %shift_right_logical3A_713 = vector.broadcast %shift_right_logical3A_712 : i32 to vector<16xi32>
    %shift_right_logical3A_714 = arith.shrui %get3A_707, %shift_right_logical3A_713 : vector<16xi32>
    %convert_element_type3A_715 = arith.sitofp %shift_right_logical3A_714 : vector<16xi32> to vector<16xf32>
    %get3A_716 = arith.constant 0 : i32
    %get3A_717 = arith.index_cast %get3A_716 : i32 to index
    %get3A_718 = arith.constant 0 : index
    %get3A_719 = tpu.vector_load %arg9[%get3A_717, %get3A_718] {strides = array<i32>} : memref<6x128xf32, #tpu.memory_space<vmem>>, vector<1x16xf32>,
    %get3A_720 = vector.shape_cast %get3A_719 : vector<1x16xf32> to vector<16xf32>
    %add3A_721 = arith.addf %convert_element_type3A_685, %get3A_720 : vector<16xf32>
    %get3A_722 = arith.constant 1 : i32
    %get3A_723 = arith.index_cast %get3A_722 : i32 to index
    %get3A_724 = arith.constant 0 : index
    %get3A_725 = tpu.vector_load %arg9[%get3A_723, %get3A_724] {strides = array<i32>} : memref<6x128xf32, #tpu.memory_space<vmem>>, vector<1x16xf32>,
    %get3A_726 = vector.shape_cast %get3A_725 : vector<1x16xf32> to vector<16xf32>
    %add3A_727 = arith.addf %convert_element_type3A_689, %get3A_726 : vector<16xf32>
    %get3A_728 = arith.constant 2 : i32
    %get3A_729 = arith.index_cast %get3A_728 : i32 to index
    %get3A_730 = arith.constant 0 : index
    %get3A_731 = tpu.vector_load %arg9[%get3A_729, %get3A_730] {strides = array<i32>} : memref<6x128xf32, #tpu.memory_space<vmem>>, vector<1x16xf32>,
    %get3A_732 = vector.shape_cast %get3A_731 : vector<1x16xf32> to vector<16xf32>
    %add3A_733 = arith.addf %convert_element_type3A_698, %get3A_732 : vector<16xf32>
    %get3A_734 = arith.constant 3 : i32
    %get3A_735 = arith.index_cast %get3A_734 : i32 to index
    %get3A_736 = arith.constant 0 : index
    %get3A_737 = tpu.vector_load %arg9[%get3A_735, %get3A_736] {strides = array<i32>} : memref<6x128xf32, #tpu.memory_space<vmem>>, vector<1x16xf32>,
    %get3A_738 = vector.shape_cast %get3A_737 : vector<1x16xf32> to vector<16xf32>
    %add3A_739 = arith.addf %convert_element_type3A_702, %get3A_738 : vector<16xf32>
    %get3A_740 = arith.constant 4 : i32
    %get3A_741 = arith.index_cast %get3A_740 : i32 to index
    %get3A_742 = arith.constant 0 : index
    %get3A_743 = tpu.vector_load %arg9[%get3A_741, %get3A_742] {strides = array<i32>} : memref<6x128xf32, #tpu.memory_space<vmem>>, vector<1x16xf32>,
    %get3A_744 = vector.shape_cast %get3A_743 : vector<1x16xf32> to vector<16xf32>
    %add3A_745 = arith.addf %convert_element_type3A_711, %get3A_744 : vector<16xf32>
    %get3A_746 = arith.constant 5 : i32
    %get3A_747 = arith.index_cast %get3A_746 : i32 to index
    %get3A_748 = arith.constant 0 : index
    %get3A_749 = tpu.vector_load %arg9[%get3A_747, %get3A_748] {strides = array<i32>} : memref<6x128xf32, #tpu.memory_space<vmem>>, vector<1x16xf32>,
    %get3A_750 = vector.shape_cast %get3A_749 : vector<1x16xf32> to vector<16xf32>
    %add3A_751 = arith.addf %convert_element_type3A_715, %get3A_750 : vector<16xf32>
    %sub3A = arith.subf %add3A_733, %add3A_721 : vector<16xf32>
    %sub3A_752 = arith.subf %add3A_739, %add3A_727 : vector<16xf32>
    %sub3A_753 = arith.subf %add3A_733, %add3A_745 : vector<16xf32>
    %sub3A_754 = arith.subf %add3A_739, %add3A_751 : vector<16xf32>
    %mul3A_755 = arith.mulf %sub3A_753, %sub3A_753 : vector<16xf32>
    %mul3A_756 = arith.mulf %sub3A_754, %sub3A_754 : vector<16xf32>
    %add3A_757 = arith.addf %mul3A_755, %mul3A_756 : vector<16xf32>
    %mul3A_758 = arith.mulf %sub3A, %sub3A : vector<16xf32>
    %mul3A_759 = arith.mulf %sub3A_752, %sub3A_752 : vector<16xf32>
    %add3A_760 = arith.addf %mul3A_758, %mul3A_759 : vector<16xf32>
    %mul3A_761 = arith.mulf %sub3A, %sub3A_753 : vector<16xf32>
    %mul3A_762 = arith.mulf %sub3A_752, %sub3A_754 : vector<16xf32>
    %add3A_763 = arith.addf %mul3A_761, %mul3A_762 : vector<16xf32>
    %mul3A_764 = arith.mulf %add3A_757, %add3A_760 : vector<16xf32>
    %bitcast_convert_type3A = tpu.bitcast %mul3A_764 : vector<16xf32> -> vector<16xi32>
    %shift_right_logical3A_765 = arith.constant 1 : i32
    %shift_right_logical3A_766 = vector.broadcast %shift_right_logical3A_765 : i32 to vector<16xi32>
    %shift_right_logical3A_767 = arith.shrui %bitcast_convert_type3A, %shift_right_logical3A_766 : vector<16xi32>
    %sub3A_768 = arith.constant 1597463007 : i32
    %sub3A_769 = vector.broadcast %sub3A_768 : i32 to vector<16xi32>
    %sub3A_770 = arith.subi %sub3A_769, %shift_right_logical3A_767 : vector<16xi32>
    %bitcast_convert_type3A_771 = tpu.bitcast %sub3A_770 : vector<16xi32> -> vector<16xf32>
    %mul3A_772 = arith.constant 5.000000e-01 : f32
    %mul3A_773 = vector.broadcast %mul3A_772 : f32 to vector<16xf32>
    %mul3A_774 = arith.mulf %mul3A_773, %mul3A_764 : vector<16xf32>
    %mul3A_775 = arith.mulf %mul3A_774, %bitcast_convert_type3A_771 : vector<16xf32>
    %mul3A_776 = arith.mulf %mul3A_775, %bitcast_convert_type3A_771 : vector<16xf32>
    %sub3A_777 = arith.constant 1.500000e+00 : f32
    %sub3A_778 = vector.broadcast %sub3A_777 : f32 to vector<16xf32>
    %sub3A_779 = arith.subf %sub3A_778, %mul3A_776 : vector<16xf32>
    %mul3A_780 = arith.mulf %bitcast_convert_type3A_771, %sub3A_779 : vector<16xf32>
    %mul3A_781 = arith.mulf %mul3A_774, %mul3A_780 : vector<16xf32>
    %mul3A_782 = arith.mulf %mul3A_781, %mul3A_780 : vector<16xf32>
    %sub3A_783 = arith.constant 1.500000e+00 : f32
    %sub3A_784 = vector.broadcast %sub3A_783 : f32 to vector<16xf32>
    %sub3A_785 = arith.subf %sub3A_784, %mul3A_782 : vector<16xf32>
    %mul3A_786 = arith.mulf %mul3A_780, %sub3A_785 : vector<16xf32>
    %mul3A_787 = arith.mulf %mul3A_774, %mul3A_786 : vector<16xf32>
    %mul3A_788 = arith.mulf %mul3A_787, %mul3A_786 : vector<16xf32>
    %sub3A_789 = arith.constant 1.500000e+00 : f32
    %sub3A_790 = vector.broadcast %sub3A_789 : f32 to vector<16xf32>
    %sub3A_791 = arith.subf %sub3A_790, %mul3A_788 : vector<16xf32>
    %mul3A_792 = arith.mulf %mul3A_786, %sub3A_791 : vector<16xf32>
    %mul3A_793 = arith.mulf %add3A_763, %mul3A_792 : vector<16xf32>
    %abs3A = math.absf %mul3A_793 : vector<16xf32>
    %mul3A_794 = arith.mulf %abs3A, %convert_element_type3A : vector<16xf32>
    %add3A_795 = arith.addf %broadcast_in_dim3A_669, %mul3A_794 : vector<16xf32>
    %add3A_796 = arith.addf %broadcast_in_dim3A_671, %convert_element_type3A : vector<16xf32>
    %get3A_797 = arith.constant 0 : i32
    %get3A_798 = arith.index_cast %get3A_797 : i32 to index
    %get3A_799 = arith.constant 16 : index
    %get3A_800 = tpu.vector_load %arg7[%get3A_798, %get3A_799] {strides = array<i32>} : memref<3x128xi32, #tpu.memory_space<vmem>>, vector<1x16xi32>,
    %get3A_801 = vector.shape_cast %get3A_800 : vector<1x16xi32> to vector<16xi32>
    %shift_right_logical3A_802 = arith.constant 15 : i32
    %shift_right_logical3A_803 = vector.broadcast %shift_right_logical3A_802 : i32 to vector<16xi32>
    %shift_right_logical3A_804 = arith.shrui %get3A_801, %shift_right_logical3A_803 : vector<16xi32>
    %convert_element_type3A_805 = arith.sitofp %shift_right_logical3A_804 : vector<16xi32> to vector<16xf32>
    %and3A_806 = arith.constant 32767 : i32
    %and3A_807 = vector.broadcast %and3A_806 : i32 to vector<16xi32>
    %and3A_808 = arith.andi %get3A_801, %and3A_807 : vector<16xi32>
    %and3A_809 = arith.constant 127 : i32
    %and3A_810 = vector.broadcast %and3A_809 : i32 to vector<16xi32>
    %and3A_811 = arith.andi %and3A_808, %and3A_810 : vector<16xi32>
    %convert_element_type3A_812 = arith.sitofp %and3A_811 : vector<16xi32> to vector<16xf32>
    %shift_right_logical3A_813 = arith.constant 7 : i32
    %shift_right_logical3A_814 = vector.broadcast %shift_right_logical3A_813 : i32 to vector<16xi32>
    %shift_right_logical3A_815 = arith.shrui %and3A_808, %shift_right_logical3A_814 : vector<16xi32>
    %convert_element_type3A_816 = arith.sitofp %shift_right_logical3A_815 : vector<16xi32> to vector<16xf32>
    %get3A_817 = arith.constant 1 : i32
    %get3A_818 = arith.index_cast %get3A_817 : i32 to index
    %get3A_819 = arith.constant 16 : index
    %get3A_820 = tpu.vector_load %arg7[%get3A_818, %get3A_819] {strides = array<i32>} : memref<3x128xi32, #tpu.memory_space<vmem>>, vector<1x16xi32>,
    %get3A_821 = vector.shape_cast %get3A_820 : vector<1x16xi32> to vector<16xi32>
    %and3A_822 = arith.constant 127 : i32
    %and3A_823 = vector.broadcast %and3A_822 : i32 to vector<16xi32>
    %and3A_824 = arith.andi %get3A_821, %and3A_823 : vector<16xi32>
    %convert_element_type3A_825 = arith.sitofp %and3A_824 : vector<16xi32> to vector<16xf32>
    %shift_right_logical3A_826 = arith.constant 7 : i32
    %shift_right_logical3A_827 = vector.broadcast %shift_right_logical3A_826 : i32 to vector<16xi32>
    %shift_right_logical3A_828 = arith.shrui %get3A_821, %shift_right_logical3A_827 : vector<16xi32>
    %convert_element_type3A_829 = arith.sitofp %shift_right_logical3A_828 : vector<16xi32> to vector<16xf32>
    %get3A_830 = arith.constant 2 : i32
    %get3A_831 = arith.index_cast %get3A_830 : i32 to index
    %get3A_832 = arith.constant 16 : index
    %get3A_833 = tpu.vector_load %arg7[%get3A_831, %get3A_832] {strides = array<i32>} : memref<3x128xi32, #tpu.memory_space<vmem>>, vector<1x16xi32>,
    %get3A_834 = vector.shape_cast %get3A_833 : vector<1x16xi32> to vector<16xi32>
    %and3A_835 = arith.constant 127 : i32
    %and3A_836 = vector.broadcast %and3A_835 : i32 to vector<16xi32>
    %and3A_837 = arith.andi %get3A_834, %and3A_836 : vector<16xi32>
    %convert_element_type3A_838 = arith.sitofp %and3A_837 : vector<16xi32> to vector<16xf32>
    %shift_right_logical3A_839 = arith.constant 7 : i32
    %shift_right_logical3A_840 = vector.broadcast %shift_right_logical3A_839 : i32 to vector<16xi32>
    %shift_right_logical3A_841 = arith.shrui %get3A_834, %shift_right_logical3A_840 : vector<16xi32>
    %convert_element_type3A_842 = arith.sitofp %shift_right_logical3A_841 : vector<16xi32> to vector<16xf32>
    %get3A_843 = arith.constant 0 : i32
    %get3A_844 = arith.index_cast %get3A_843 : i32 to index
    %get3A_845 = arith.constant 16 : index
    %get3A_846 = tpu.vector_load %arg9[%get3A_844, %get3A_845] {strides = array<i32>} : memref<6x128xf32, #tpu.memory_space<vmem>>, vector<1x16xf32>,
    %get3A_847 = vector.shape_cast %get3A_846 : vector<1x16xf32> to vector<16xf32>
    %add3A_848 = arith.addf %convert_element_type3A_812, %get3A_847 : vector<16xf32>
    %get3A_849 = arith.constant 1 : i32
    %get3A_850 = arith.index_cast %get3A_849 : i32 to index
    %get3A_851 = arith.constant 16 : index
    %get3A_852 = tpu.vector_load %arg9[%get3A_850, %get3A_851] {strides = array<i32>} : memref<6x128xf32, #tpu.memory_space<vmem>>, vector<1x16xf32>,
    %get3A_853 = vector.shape_cast %get3A_852 : vector<1x16xf32> to vector<16xf32>
    %add3A_854 = arith.addf %convert_element_type3A_816, %get3A_853 : vector<16xf32>
    %get3A_855 = arith.constant 2 : i32
    %get3A_856 = arith.index_cast %get3A_855 : i32 to index
    %get3A_857 = arith.constant 16 : index
    %get3A_858 = tpu.vector_load %arg9[%get3A_856, %get3A_857] {strides = array<i32>} : memref<6x128xf32, #tpu.memory_space<vmem>>, vector<1x16xf32>,
    %get3A_859 = vector.shape_cast %get3A_858 : vector<1x16xf32> to vector<16xf32>
    %add3A_860 = arith.addf %convert_element_type3A_825, %get3A_859 : vector<16xf32>
    %get3A_861 = arith.constant 3 : i32
    %get3A_862 = arith.index_cast %get3A_861 : i32 to index
    %get3A_863 = arith.constant 16 : index
    %get3A_864 = tpu.vector_load %arg9[%get3A_862, %get3A_863] {strides = array<i32>} : memref<6x128xf32, #tpu.memory_space<vmem>>, vector<1x16xf32>,
    %get3A_865 = vector.shape_cast %get3A_864 : vector<1x16xf32> to vector<16xf32>
    %add3A_866 = arith.addf %convert_element_type3A_829, %get3A_865 : vector<16xf32>
    %get3A_867 = arith.constant 4 : i32
    %get3A_868 = arith.index_cast %get3A_867 : i32 to index
    %get3A_869 = arith.constant 16 : index
    %get3A_870 = tpu.vector_load %arg9[%get3A_868, %get3A_869] {strides = array<i32>} : memref<6x128xf32, #tpu.memory_space<vmem>>, vector<1x16xf32>,
    %get3A_871 = vector.shape_cast %get3A_870 : vector<1x16xf32> to vector<16xf32>
    %add3A_872 = arith.addf %convert_element_type3A_838, %get3A_871 : vector<16xf32>
    %get3A_873 = arith.constant 5 : i32
    %get3A_874 = arith.index_cast %get3A_873 : i32 to index
    %get3A_875 = arith.constant 16 : index
    %get3A_876 = tpu.vector_load %arg9[%get3A_874, %get3A_875] {strides = array<i32>} : memref<6x128xf32, #tpu.memory_space<vmem>>, vector<1x16xf32>,
    %get3A_877 = vector.shape_cast %get3A_876 : vector<1x16xf32> to vector<16xf32>
    %add3A_878 = arith.addf %convert_element_type3A_842, %get3A_877 : vector<16xf32>
    %sub3A_879 = arith.subf %add3A_860, %add3A_848 : vector<16xf32>
    %sub3A_880 = arith.subf %add3A_866, %add3A_854 : vector<16xf32>
    %sub3A_881 = arith.subf %add3A_860, %add3A_872 : vector<16xf32>
    %sub3A_882 = arith.subf %add3A_866, %add3A_878 : vector<16xf32>
    %mul3A_883 = arith.mulf %sub3A_881, %sub3A_881 : vector<16xf32>
    %mul3A_884 = arith.mulf %sub3A_882, %sub3A_882 : vector<16xf32>
    %add3A_885 = arith.addf %mul3A_883, %mul3A_884 : vector<16xf32>
    %mul3A_886 = arith.mulf %sub3A_879, %sub3A_879 : vector<16xf32>
    %mul3A_887 = arith.mulf %sub3A_880, %sub3A_880 : vector<16xf32>
    %add3A_888 = arith.addf %mul3A_886, %mul3A_887 : vector<16xf32>
    %mul3A_889 = arith.mulf %sub3A_879, %sub3A_881 : vector<16xf32>
    %mul3A_890 = arith.mulf %sub3A_880, %sub3A_882 : vector<16xf32>
    %add3A_891 = arith.addf %mul3A_889, %mul3A_890 : vector<16xf32>
    %mul3A_892 = arith.mulf %add3A_885, %add3A_888 : vector<16xf32>
    %bitcast_convert_type3A_893 = tpu.bitcast %mul3A_892 : vector<16xf32> -> vector<16xi32>
    %shift_right_logical3A_894 = arith.constant 1 : i32
    %shift_right_logical3A_895 = vector.broadcast %shift_right_logical3A_894 : i32 to vector<16xi32>
    %shift_right_logical3A_896 = arith.shrui %bitcast_convert_type3A_893, %shift_right_logical3A_895 : vector<16xi32>
    %sub3A_897 = arith.constant 1597463007 : i32
    %sub3A_898 = vector.broadcast %sub3A_897 : i32 to vector<16xi32>
    %sub3A_899 = arith.subi %sub3A_898, %shift_right_logical3A_896 : vector<16xi32>
    %bitcast_convert_type3A_900 = tpu.bitcast %sub3A_899 : vector<16xi32> -> vector<16xf32>
    %mul3A_901 = arith.constant 5.000000e-01 : f32
    %mul3A_902 = vector.broadcast %mul3A_901 : f32 to vector<16xf32>
    %mul3A_903 = arith.mulf %mul3A_902, %mul3A_892 : vector<16xf32>
    %mul3A_904 = arith.mulf %mul3A_903, %bitcast_convert_type3A_900 : vector<16xf32>
    %mul3A_905 = arith.mulf %mul3A_904, %bitcast_convert_type3A_900 : vector<16xf32>
    %sub3A_906 = arith.constant 1.500000e+00 : f32
    %sub3A_907 = vector.broadcast %sub3A_906 : f32 to vector<16xf32>
    %sub3A_908 = arith.subf %sub3A_907, %mul3A_905 : vector<16xf32>
    %mul3A_909 = arith.mulf %bitcast_convert_type3A_900, %sub3A_908 : vector<16xf32>
    %mul3A_910 = arith.mulf %mul3A_903, %mul3A_909 : vector<16xf32>
    %mul3A_911 = arith.mulf %mul3A_910, %mul3A_909 : vector<16xf32>
    %sub3A_912 = arith.constant 1.500000e+00 : f32
    %sub3A_913 = vector.broadcast %sub3A_912 : f32 to vector<16xf32>
    %sub3A_914 = arith.subf %sub3A_913, %mul3A_911 : vector<16xf32>
    %mul3A_915 = arith.mulf %mul3A_909, %sub3A_914 : vector<16xf32>
    %mul3A_916 = arith.mulf %mul3A_903, %mul3A_915 : vector<16xf32>
    %mul3A_917 = arith.mulf %mul3A_916, %mul3A_915 : vector<16xf32>
    %sub3A_918 = arith.constant 1.500000e+00 : f32
    %sub3A_919 = vector.broadcast %sub3A_918 : f32 to vector<16xf32>
    %sub3A_920 = arith.subf %sub3A_919, %mul3A_917 : vector<16xf32>
    %mul3A_921 = arith.mulf %mul3A_915, %sub3A_920 : vector<16xf32>
    %mul3A_922 = arith.mulf %add3A_891, %mul3A_921 : vector<16xf32>
    %abs3A_923 = math.absf %mul3A_922 : vector<16xf32>
    %mul3A_924 = arith.mulf %abs3A_923, %convert_element_type3A_805 : vector<16xf32>
    %add3A_925 = arith.addf %add3A_795, %mul3A_924 : vector<16xf32>
    %add3A_926 = arith.addf %add3A_796, %convert_element_type3A_805 : vector<16xf32>
    %get3A_927 = arith.constant 0 : i32
    %get3A_928 = arith.index_cast %get3A_927 : i32 to index
    %get3A_929 = arith.constant 32 : index
    %get3A_930 = tpu.vector_load %arg7[%get3A_928, %get3A_929] {strides = array<i32>} : memref<3x128xi32, #tpu.memory_space<vmem>>, vector<1x16xi32>,
    %get3A_931 = vector.shape_cast %get3A_930 : vector<1x16xi32> to vector<16xi32>
    %shift_right_logical3A_932 = arith.constant 15 : i32
    %shift_right_logical3A_933 = vector.broadcast %shift_right_logical3A_932 : i32 to vector<16xi32>
    %shift_right_logical3A_934 = arith.shrui %get3A_931, %shift_right_logical3A_933 : vector<16xi32>
    %convert_element_type3A_935 = arith.sitofp %shift_right_logical3A_934 : vector<16xi32> to vector<16xf32>
    %and3A_936 = arith.constant 32767 : i32
    %and3A_937 = vector.broadcast %and3A_936 : i32 to vector<16xi32>
    %and3A_938 = arith.andi %get3A_931, %and3A_937 : vector<16xi32>
    %and3A_939 = arith.constant 127 : i32
    %and3A_940 = vector.broadcast %and3A_939 : i32 to vector<16xi32>
    %and3A_941 = arith.andi %and3A_938, %and3A_940 : vector<16xi32>
    %convert_element_type3A_942 = arith.sitofp %and3A_941 : vector<16xi32> to vector<16xf32>
    %shift_right_logical3A_943 = arith.constant 7 : i32
    %shift_right_logical3A_944 = vector.broadcast %shift_right_logical3A_943 : i32 to vector<16xi32>
    %shift_right_logical3A_945 = arith.shrui %and3A_938, %shift_right_logical3A_944 : vector<16xi32>
    %convert_element_type3A_946 = arith.sitofp %shift_right_logical3A_945 : vector<16xi32> to vector<16xf32>
    %get3A_947 = arith.constant 1 : i32
    %get3A_948 = arith.index_cast %get3A_947 : i32 to index
    %get3A_949 = arith.constant 32 : index
    %get3A_950 = tpu.vector_load %arg7[%get3A_948, %get3A_949] {strides = array<i32>} : memref<3x128xi32, #tpu.memory_space<vmem>>, vector<1x16xi32>,
    %get3A_951 = vector.shape_cast %get3A_950 : vector<1x16xi32> to vector<16xi32>
    %and3A_952 = arith.constant 127 : i32
    %and3A_953 = vector.broadcast %and3A_952 : i32 to vector<16xi32>
    %and3A_954 = arith.andi %get3A_951, %and3A_953 : vector<16xi32>
    %convert_element_type3A_955 = arith.sitofp %and3A_954 : vector<16xi32> to vector<16xf32>
    %shift_right_logical3A_956 = arith.constant 7 : i32
    %shift_right_logical3A_957 = vector.broadcast %shift_right_logical3A_956 : i32 to vector<16xi32>
    %shift_right_logical3A_958 = arith.shrui %get3A_951, %shift_right_logical3A_957 : vector<16xi32>
    %convert_element_type3A_959 = arith.sitofp %shift_right_logical3A_958 : vector<16xi32> to vector<16xf32>
    %get3A_960 = arith.constant 2 : i32
    %get3A_961 = arith.index_cast %get3A_960 : i32 to index
    %get3A_962 = arith.constant 32 : index
    %get3A_963 = tpu.vector_load %arg7[%get3A_961, %get3A_962] {strides = array<i32>} : memref<3x128xi32, #tpu.memory_space<vmem>>, vector<1x16xi32>,
    %get3A_964 = vector.shape_cast %get3A_963 : vector<1x16xi32> to vector<16xi32>
    %and3A_965 = arith.constant 127 : i32
    %and3A_966 = vector.broadcast %and3A_965 : i32 to vector<16xi32>
    %and3A_967 = arith.andi %get3A_964, %and3A_966 : vector<16xi32>
    %convert_element_type3A_968 = arith.sitofp %and3A_967 : vector<16xi32> to vector<16xf32>
    %shift_right_logical3A_969 = arith.constant 7 : i32
    %shift_right_logical3A_970 = vector.broadcast %shift_right_logical3A_969 : i32 to vector<16xi32>
    %shift_right_logical3A_971 = arith.shrui %get3A_964, %shift_right_logical3A_970 : vector<16xi32>
    %convert_element_type3A_972 = arith.sitofp %shift_right_logical3A_971 : vector<16xi32> to vector<16xf32>
    %get3A_973 = arith.constant 0 : i32
    %get3A_974 = arith.index_cast %get3A_973 : i32 to index
    %get3A_975 = arith.constant 32 : index
    %get3A_976 = tpu.vector_load %arg9[%get3A_974, %get3A_975] {strides = array<i32>} : memref<6x128xf32, #tpu.memory_space<vmem>>, vector<1x16xf32>,
    %get3A_977 = vector.shape_cast %get3A_976 : vector<1x16xf32> to vector<16xf32>
    %add3A_978 = arith.addf %convert_element_type3A_942, %get3A_977 : vector<16xf32>
    %get3A_979 = arith.constant 1 : i32
    %get3A_980 = arith.index_cast %get3A_979 : i32 to index
    %get3A_981 = arith.constant 32 : index
    %get3A_982 = tpu.vector_load %arg9[%get3A_980, %get3A_981] {strides = array<i32>} : memref<6x128xf32, #tpu.memory_space<vmem>>, vector<1x16xf32>,
    %get3A_983 = vector.shape_cast %get3A_982 : vector<1x16xf32> to vector<16xf32>
    %add3A_984 = arith.addf %convert_element_type3A_946, %get3A_983 : vector<16xf32>
    %get3A_985 = arith.constant 2 : i32
    %get3A_986 = arith.index_cast %get3A_985 : i32 to index
    %get3A_987 = arith.constant 32 : index
    %get3A_988 = tpu.vector_load %arg9[%get3A_986, %get3A_987] {strides = array<i32>} : memref<6x128xf32, #tpu.memory_space<vmem>>, vector<1x16xf32>,
    %get3A_989 = vector.shape_cast %get3A_988 : vector<1x16xf32> to vector<16xf32>
    %add3A_990 = arith.addf %convert_element_type3A_955, %get3A_989 : vector<16xf32>
    %get3A_991 = arith.constant 3 : i32
    %get3A_992 = arith.index_cast %get3A_991 : i32 to index
    %get3A_993 = arith.constant 32 : index
    %get3A_994 = tpu.vector_load %arg9[%get3A_992, %get3A_993] {strides = array<i32>} : memref<6x128xf32, #tpu.memory_space<vmem>>, vector<1x16xf32>,
    %get3A_995 = vector.shape_cast %get3A_994 : vector<1x16xf32> to vector<16xf32>
    %add3A_996 = arith.addf %convert_element_type3A_959, %get3A_995 : vector<16xf32>
    %get3A_997 = arith.constant 4 : i32
    %get3A_998 = arith.index_cast %get3A_997 : i32 to index
    %get3A_999 = arith.constant 32 : index
    %get3A_1000 = tpu.vector_load %arg9[%get3A_998, %get3A_999] {strides = array<i32>} : memref<6x128xf32, #tpu.memory_space<vmem>>, vector<1x16xf32>,
    %get3A_1001 = vector.shape_cast %get3A_1000 : vector<1x16xf32> to vector<16xf32>
    %add3A_1002 = arith.addf %convert_element_type3A_968, %get3A_1001 : vector<16xf32>
    %get3A_1003 = arith.constant 5 : i32
    %get3A_1004 = arith.index_cast %get3A_1003 : i32 to index
    %get3A_1005 = arith.constant 32 : index
    %get3A_1006 = tpu.vector_load %arg9[%get3A_1004, %get3A_1005] {strides = array<i32>} : memref<6x128xf32, #tpu.memory_space<vmem>>, vector<1x16xf32>,
    %get3A_1007 = vector.shape_cast %get3A_1006 : vector<1x16xf32> to vector<16xf32>
    %add3A_1008 = arith.addf %convert_element_type3A_972, %get3A_1007 : vector<16xf32>
    %sub3A_1009 = arith.subf %add3A_990, %add3A_978 : vector<16xf32>
    %sub3A_1010 = arith.subf %add3A_996, %add3A_984 : vector<16xf32>
    %sub3A_1011 = arith.subf %add3A_990, %add3A_1002 : vector<16xf32>
    %sub3A_1012 = arith.subf %add3A_996, %add3A_1008 : vector<16xf32>
    %mul3A_1013 = arith.mulf %sub3A_1011, %sub3A_1011 : vector<16xf32>
    %mul3A_1014 = arith.mulf %sub3A_1012, %sub3A_1012 : vector<16xf32>
    %add3A_1015 = arith.addf %mul3A_1013, %mul3A_1014 : vector<16xf32>
    %mul3A_1016 = arith.mulf %sub3A_1009, %sub3A_1009 : vector<16xf32>
    %mul3A_1017 = arith.mulf %sub3A_1010, %sub3A_1010 : vector<16xf32>
    %add3A_1018 = arith.addf %mul3A_1016, %mul3A_1017 : vector<16xf32>
    %mul3A_1019 = arith.mulf %sub3A_1009, %sub3A_1011 : vector<16xf32>
    %mul3A_1020 = arith.mulf %sub3A_1010, %sub3A_1012 : vector<16xf32>
    %add3A_1021 = arith.addf %mul3A_1019, %mul3A_1020 : vector<16xf32>
    %mul3A_1022 = arith.mulf %add3A_1015, %add3A_1018 : vector<16xf32>
    %bitcast_convert_type3A_1023 = tpu.bitcast %mul3A_1022 : vector<16xf32> -> vector<16xi32>
    %shift_right_logical3A_1024 = arith.constant 1 : i32
    %shift_right_logical3A_1025 = vector.broadcast %shift_right_logical3A_1024 : i32 to vector<16xi32>
    %shift_right_logical3A_1026 = arith.shrui %bitcast_convert_type3A_1023, %shift_right_logical3A_1025 : vector<16xi32>
    %sub3A_1027 = arith.constant 1597463007 : i32
    %sub3A_1028 = vector.broadcast %sub3A_1027 : i32 to vector<16xi32>
    %sub3A_1029 = arith.subi %sub3A_1028, %shift_right_logical3A_1026 : vector<16xi32>
    %bitcast_convert_type3A_1030 = tpu.bitcast %sub3A_1029 : vector<16xi32> -> vector<16xf32>
    %mul3A_1031 = arith.constant 5.000000e-01 : f32
    %mul3A_1032 = vector.broadcast %mul3A_1031 : f32 to vector<16xf32>
    %mul3A_1033 = arith.mulf %mul3A_1032, %mul3A_1022 : vector<16xf32>
    %mul3A_1034 = arith.mulf %mul3A_1033, %bitcast_convert_type3A_1030 : vector<16xf32>
    %mul3A_1035 = arith.mulf %mul3A_1034, %bitcast_convert_type3A_1030 : vector<16xf32>
    %sub3A_1036 = arith.constant 1.500000e+00 : f32
    %sub3A_1037 = vector.broadcast %sub3A_1036 : f32 to vector<16xf32>
    %sub3A_1038 = arith.subf %sub3A_1037, %mul3A_1035 : vector<16xf32>
    %mul3A_1039 = arith.mulf %bitcast_convert_type3A_1030, %sub3A_1038 : vector<16xf32>
    %mul3A_1040 = arith.mulf %mul3A_1033, %mul3A_1039 : vector<16xf32>
    %mul3A_1041 = arith.mulf %mul3A_1040, %mul3A_1039 : vector<16xf32>
    %sub3A_1042 = arith.constant 1.500000e+00 : f32
    %sub3A_1043 = vector.broadcast %sub3A_1042 : f32 to vector<16xf32>
    %sub3A_1044 = arith.subf %sub3A_1043, %mul3A_1041 : vector<16xf32>
    %mul3A_1045 = arith.mulf %mul3A_1039, %sub3A_1044 : vector<16xf32>
    %mul3A_1046 = arith.mulf %mul3A_1033, %mul3A_1045 : vector<16xf32>
    %mul3A_1047 = arith.mulf %mul3A_1046, %mul3A_1045 : vector<16xf32>
    %sub3A_1048 = arith.constant 1.500000e+00 : f32
    %sub3A_1049 = vector.broadcast %sub3A_1048 : f32 to vector<16xf32>
    %sub3A_1050 = arith.subf %sub3A_1049, %mul3A_1047 : vector<16xf32>
    %mul3A_1051 = arith.mulf %mul3A_1045, %sub3A_1050 : vector<16xf32>
    %mul3A_1052 = arith.mulf %add3A_1021, %mul3A_1051 : vector<16xf32>
    %abs3A_1053 = math.absf %mul3A_1052 : vector<16xf32>
    %mul3A_1054 = arith.mulf %abs3A_1053, %convert_element_type3A_935 : vector<16xf32>
    %add3A_1055 = arith.addf %add3A_925, %mul3A_1054 : vector<16xf32>
    %add3A_1056 = arith.addf %add3A_926, %convert_element_type3A_935 : vector<16xf32>
    %get3A_1057 = arith.constant 0 : i32
    %get3A_1058 = arith.index_cast %get3A_1057 : i32 to index
    %get3A_1059 = arith.constant 48 : index
    %get3A_1060 = tpu.vector_load %arg7[%get3A_1058, %get3A_1059] {strides = array<i32>} : memref<3x128xi32, #tpu.memory_space<vmem>>, vector<1x16xi32>,
    %get3A_1061 = vector.shape_cast %get3A_1060 : vector<1x16xi32> to vector<16xi32>
    %shift_right_logical3A_1062 = arith.constant 15 : i32
    %shift_right_logical3A_1063 = vector.broadcast %shift_right_logical3A_1062 : i32 to vector<16xi32>
    %shift_right_logical3A_1064 = arith.shrui %get3A_1061, %shift_right_logical3A_1063 : vector<16xi32>
    %convert_element_type3A_1065 = arith.sitofp %shift_right_logical3A_1064 : vector<16xi32> to vector<16xf32>
    %and3A_1066 = arith.constant 32767 : i32
    %and3A_1067 = vector.broadcast %and3A_1066 : i32 to vector<16xi32>
    %and3A_1068 = arith.andi %get3A_1061, %and3A_1067 : vector<16xi32>
    %and3A_1069 = arith.constant 127 : i32
    %and3A_1070 = vector.broadcast %and3A_1069 : i32 to vector<16xi32>
    %and3A_1071 = arith.andi %and3A_1068, %and3A_1070 : vector<16xi32>
    %convert_element_type3A_1072 = arith.sitofp %and3A_1071 : vector<16xi32> to vector<16xf32>
    %shift_right_logical3A_1073 = arith.constant 7 : i32
    %shift_right_logical3A_1074 = vector.broadcast %shift_right_logical3A_1073 : i32 to vector<16xi32>
    %shift_right_logical3A_1075 = arith.shrui %and3A_1068, %shift_right_logical3A_1074 : vector<16xi32>
    %convert_element_type3A_1076 = arith.sitofp %shift_right_logical3A_1075 : vector<16xi32> to vector<16xf32>
    %get3A_1077 = arith.constant 1 : i32
    %get3A_1078 = arith.index_cast %get3A_1077 : i32 to index
    %get3A_1079 = arith.constant 48 : index
    %get3A_1080 = tpu.vector_load %arg7[%get3A_1078, %get3A_1079] {strides = array<i32>} : memref<3x128xi32, #tpu.memory_space<vmem>>, vector<1x16xi32>,
    %get3A_1081 = vector.shape_cast %get3A_1080 : vector<1x16xi32> to vector<16xi32>
    %and3A_1082 = arith.constant 127 : i32
    %and3A_1083 = vector.broadcast %and3A_1082 : i32 to vector<16xi32>
    %and3A_1084 = arith.andi %get3A_1081, %and3A_1083 : vector<16xi32>
    %convert_element_type3A_1085 = arith.sitofp %and3A_1084 : vector<16xi32> to vector<16xf32>
    %shift_right_logical3A_1086 = arith.constant 7 : i32
    %shift_right_logical3A_1087 = vector.broadcast %shift_right_logical3A_1086 : i32 to vector<16xi32>
    %shift_right_logical3A_1088 = arith.shrui %get3A_1081, %shift_right_logical3A_1087 : vector<16xi32>
    %convert_element_type3A_1089 = arith.sitofp %shift_right_logical3A_1088 : vector<16xi32> to vector<16xf32>
    %get3A_1090 = arith.constant 2 : i32
    %get3A_1091 = arith.index_cast %get3A_1090 : i32 to index
    %get3A_1092 = arith.constant 48 : index
    %get3A_1093 = tpu.vector_load %arg7[%get3A_1091, %get3A_1092] {strides = array<i32>} : memref<3x128xi32, #tpu.memory_space<vmem>>, vector<1x16xi32>,
    %get3A_1094 = vector.shape_cast %get3A_1093 : vector<1x16xi32> to vector<16xi32>
    %and3A_1095 = arith.constant 127 : i32
    %and3A_1096 = vector.broadcast %and3A_1095 : i32 to vector<16xi32>
    %and3A_1097 = arith.andi %get3A_1094, %and3A_1096 : vector<16xi32>
    %convert_element_type3A_1098 = arith.sitofp %and3A_1097 : vector<16xi32> to vector<16xf32>
    %shift_right_logical3A_1099 = arith.constant 7 : i32
    %shift_right_logical3A_1100 = vector.broadcast %shift_right_logical3A_1099 : i32 to vector<16xi32>
    %shift_right_logical3A_1101 = arith.shrui %get3A_1094, %shift_right_logical3A_1100 : vector<16xi32>
    %convert_element_type3A_1102 = arith.sitofp %shift_right_logical3A_1101 : vector<16xi32> to vector<16xf32>
    %get3A_1103 = arith.constant 0 : i32
    %get3A_1104 = arith.index_cast %get3A_1103 : i32 to index
    %get3A_1105 = arith.constant 48 : index
    %get3A_1106 = tpu.vector_load %arg9[%get3A_1104, %get3A_1105] {strides = array<i32>} : memref<6x128xf32, #tpu.memory_space<vmem>>, vector<1x16xf32>,
    %get3A_1107 = vector.shape_cast %get3A_1106 : vector<1x16xf32> to vector<16xf32>
    %add3A_1108 = arith.addf %convert_element_type3A_1072, %get3A_1107 : vector<16xf32>
    %get3A_1109 = arith.constant 1 : i32
    %get3A_1110 = arith.index_cast %get3A_1109 : i32 to index
    %get3A_1111 = arith.constant 48 : index
    %get3A_1112 = tpu.vector_load %arg9[%get3A_1110, %get3A_1111] {strides = array<i32>} : memref<6x128xf32, #tpu.memory_space<vmem>>, vector<1x16xf32>,
    %get3A_1113 = vector.shape_cast %get3A_1112 : vector<1x16xf32> to vector<16xf32>
    %add3A_1114 = arith.addf %convert_element_type3A_1076, %get3A_1113 : vector<16xf32>
    %get3A_1115 = arith.constant 2 : i32
    %get3A_1116 = arith.index_cast %get3A_1115 : i32 to index
    %get3A_1117 = arith.constant 48 : index
    %get3A_1118 = tpu.vector_load %arg9[%get3A_1116, %get3A_1117] {strides = array<i32>} : memref<6x128xf32, #tpu.memory_space<vmem>>, vector<1x16xf32>,
    %get3A_1119 = vector.shape_cast %get3A_1118 : vector<1x16xf32> to vector<16xf32>
    %add3A_1120 = arith.addf %convert_element_type3A_1085, %get3A_1119 : vector<16xf32>
    %get3A_1121 = arith.constant 3 : i32
    %get3A_1122 = arith.index_cast %get3A_1121 : i32 to index
    %get3A_1123 = arith.constant 48 : index
    %get3A_1124 = tpu.vector_load %arg9[%get3A_1122, %get3A_1123] {strides = array<i32>} : memref<6x128xf32, #tpu.memory_space<vmem>>, vector<1x16xf32>,
    %get3A_1125 = vector.shape_cast %get3A_1124 : vector<1x16xf32> to vector<16xf32>
    %add3A_1126 = arith.addf %convert_element_type3A_1089, %get3A_1125 : vector<16xf32>
    %get3A_1127 = arith.constant 4 : i32
    %get3A_1128 = arith.index_cast %get3A_1127 : i32 to index
    %get3A_1129 = arith.constant 48 : index
    %get3A_1130 = tpu.vector_load %arg9[%get3A_1128, %get3A_1129] {strides = array<i32>} : memref<6x128xf32, #tpu.memory_space<vmem>>, vector<1x16xf32>,
    %get3A_1131 = vector.shape_cast %get3A_1130 : vector<1x16xf32> to vector<16xf32>
    %add3A_1132 = arith.addf %convert_element_type3A_1098, %get3A_1131 : vector<16xf32>
    %get3A_1133 = arith.constant 5 : i32
    %get3A_1134 = arith.index_cast %get3A_1133 : i32 to index
    %get3A_1135 = arith.constant 48 : index
    %get3A_1136 = tpu.vector_load %arg9[%get3A_1134, %get3A_1135] {strides = array<i32>} : memref<6x128xf32, #tpu.memory_space<vmem>>, vector<1x16xf32>,
    %get3A_1137 = vector.shape_cast %get3A_1136 : vector<1x16xf32> to vector<16xf32>
    %add3A_1138 = arith.addf %convert_element_type3A_1102, %get3A_1137 : vector<16xf32>
    %sub3A_1139 = arith.subf %add3A_1120, %add3A_1108 : vector<16xf32>
    %sub3A_1140 = arith.subf %add3A_1126, %add3A_1114 : vector<16xf32>
    %sub3A_1141 = arith.subf %add3A_1120, %add3A_1132 : vector<16xf32>
    %sub3A_1142 = arith.subf %add3A_1126, %add3A_1138 : vector<16xf32>
    %mul3A_1143 = arith.mulf %sub3A_1141, %sub3A_1141 : vector<16xf32>
    %mul3A_1144 = arith.mulf %sub3A_1142, %sub3A_1142 : vector<16xf32>
    %add3A_1145 = arith.addf %mul3A_1143, %mul3A_1144 : vector<16xf32>
    %mul3A_1146 = arith.mulf %sub3A_1139, %sub3A_1139 : vector<16xf32>
    %mul3A_1147 = arith.mulf %sub3A_1140, %sub3A_1140 : vector<16xf32>
    %add3A_1148 = arith.addf %mul3A_1146, %mul3A_1147 : vector<16xf32>
    %mul3A_1149 = arith.mulf %sub3A_1139, %sub3A_1141 : vector<16xf32>
    %mul3A_1150 = arith.mulf %sub3A_1140, %sub3A_1142 : vector<16xf32>
    %add3A_1151 = arith.addf %mul3A_1149, %mul3A_1150 : vector<16xf32>
    %mul3A_1152 = arith.mulf %add3A_1145, %add3A_1148 : vector<16xf32>
    %bitcast_convert_type3A_1153 = tpu.bitcast %mul3A_1152 : vector<16xf32> -> vector<16xi32>
    %shift_right_logical3A_1154 = arith.constant 1 : i32
    %shift_right_logical3A_1155 = vector.broadcast %shift_right_logical3A_1154 : i32 to vector<16xi32>
    %shift_right_logical3A_1156 = arith.shrui %bitcast_convert_type3A_1153, %shift_right_logical3A_1155 : vector<16xi32>
    %sub3A_1157 = arith.constant 1597463007 : i32
    %sub3A_1158 = vector.broadcast %sub3A_1157 : i32 to vector<16xi32>
    %sub3A_1159 = arith.subi %sub3A_1158, %shift_right_logical3A_1156 : vector<16xi32>
    %bitcast_convert_type3A_1160 = tpu.bitcast %sub3A_1159 : vector<16xi32> -> vector<16xf32>
    %mul3A_1161 = arith.constant 5.000000e-01 : f32
    %mul3A_1162 = vector.broadcast %mul3A_1161 : f32 to vector<16xf32>
    %mul3A_1163 = arith.mulf %mul3A_1162, %mul3A_1152 : vector<16xf32>
    %mul3A_1164 = arith.mulf %mul3A_1163, %bitcast_convert_type3A_1160 : vector<16xf32>
    %mul3A_1165 = arith.mulf %mul3A_1164, %bitcast_convert_type3A_1160 : vector<16xf32>
    %sub3A_1166 = arith.constant 1.500000e+00 : f32
    %sub3A_1167 = vector.broadcast %sub3A_1166 : f32 to vector<16xf32>
    %sub3A_1168 = arith.subf %sub3A_1167, %mul3A_1165 : vector<16xf32>
    %mul3A_1169 = arith.mulf %bitcast_convert_type3A_1160, %sub3A_1168 : vector<16xf32>
    %mul3A_1170 = arith.mulf %mul3A_1163, %mul3A_1169 : vector<16xf32>
    %mul3A_1171 = arith.mulf %mul3A_1170, %mul3A_1169 : vector<16xf32>
    %sub3A_1172 = arith.constant 1.500000e+00 : f32
    %sub3A_1173 = vector.broadcast %sub3A_1172 : f32 to vector<16xf32>
    %sub3A_1174 = arith.subf %sub3A_1173, %mul3A_1171 : vector<16xf32>
    %mul3A_1175 = arith.mulf %mul3A_1169, %sub3A_1174 : vector<16xf32>
    %mul3A_1176 = arith.mulf %mul3A_1163, %mul3A_1175 : vector<16xf32>
    %mul3A_1177 = arith.mulf %mul3A_1176, %mul3A_1175 : vector<16xf32>
    %sub3A_1178 = arith.constant 1.500000e+00 : f32
    %sub3A_1179 = vector.broadcast %sub3A_1178 : f32 to vector<16xf32>
    %sub3A_1180 = arith.subf %sub3A_1179, %mul3A_1177 : vector<16xf32>
    %mul3A_1181 = arith.mulf %mul3A_1175, %sub3A_1180 : vector<16xf32>
    %mul3A_1182 = arith.mulf %add3A_1151, %mul3A_1181 : vector<16xf32>
    %abs3A_1183 = math.absf %mul3A_1182 : vector<16xf32>
    %mul3A_1184 = arith.mulf %abs3A_1183, %convert_element_type3A_1065 : vector<16xf32>
    %add3A_1185 = arith.addf %add3A_1055, %mul3A_1184 : vector<16xf32>
    %add3A_1186 = arith.addf %add3A_1056, %convert_element_type3A_1065 : vector<16xf32>
    %get3A_1187 = arith.constant 0 : i32
    %get3A_1188 = arith.index_cast %get3A_1187 : i32 to index
    %get3A_1189 = arith.constant 64 : index
    %get3A_1190 = tpu.vector_load %arg7[%get3A_1188, %get3A_1189] {strides = array<i32>} : memref<3x128xi32, #tpu.memory_space<vmem>>, vector<1x16xi32>,
    %get3A_1191 = vector.shape_cast %get3A_1190 : vector<1x16xi32> to vector<16xi32>
    %shift_right_logical3A_1192 = arith.constant 15 : i32
    %shift_right_logical3A_1193 = vector.broadcast %shift_right_logical3A_1192 : i32 to vector<16xi32>
    %shift_right_logical3A_1194 = arith.shrui %get3A_1191, %shift_right_logical3A_1193 : vector<16xi32>
    %convert_element_type3A_1195 = arith.sitofp %shift_right_logical3A_1194 : vector<16xi32> to vector<16xf32>
    %and3A_1196 = arith.constant 32767 : i32
    %and3A_1197 = vector.broadcast %and3A_1196 : i32 to vector<16xi32>
    %and3A_1198 = arith.andi %get3A_1191, %and3A_1197 : vector<16xi32>
    %and3A_1199 = arith.constant 127 : i32
    %and3A_1200 = vector.broadcast %and3A_1199 : i32 to vector<16xi32>
    %and3A_1201 = arith.andi %and3A_1198, %and3A_1200 : vector<16xi32>
    %convert_element_type3A_1202 = arith.sitofp %and3A_1201 : vector<16xi32> to vector<16xf32>
    %shift_right_logical3A_1203 = arith.constant 7 : i32
    %shift_right_logical3A_1204 = vector.broadcast %shift_right_logical3A_1203 : i32 to vector<16xi32>
    %shift_right_logical3A_1205 = arith.shrui %and3A_1198, %shift_right_logical3A_1204 : vector<16xi32>
    %convert_element_type3A_1206 = arith.sitofp %shift_right_logical3A_1205 : vector<16xi32> to vector<16xf32>
    %get3A_1207 = arith.constant 1 : i32
    %get3A_1208 = arith.index_cast %get3A_1207 : i32 to index
    %get3A_1209 = arith.constant 64 : index
    %get3A_1210 = tpu.vector_load %arg7[%get3A_1208, %get3A_1209] {strides = array<i32>} : memref<3x128xi32, #tpu.memory_space<vmem>>, vector<1x16xi32>,
    %get3A_1211 = vector.shape_cast %get3A_1210 : vector<1x16xi32> to vector<16xi32>
    %and3A_1212 = arith.constant 127 : i32
    %and3A_1213 = vector.broadcast %and3A_1212 : i32 to vector<16xi32>
    %and3A_1214 = arith.andi %get3A_1211, %and3A_1213 : vector<16xi32>
    %convert_element_type3A_1215 = arith.sitofp %and3A_1214 : vector<16xi32> to vector<16xf32>
    %shift_right_logical3A_1216 = arith.constant 7 : i32
    %shift_right_logical3A_1217 = vector.broadcast %shift_right_logical3A_1216 : i32 to vector<16xi32>
    %shift_right_logical3A_1218 = arith.shrui %get3A_1211, %shift_right_logical3A_1217 : vector<16xi32>
    %convert_element_type3A_1219 = arith.sitofp %shift_right_logical3A_1218 : vector<16xi32> to vector<16xf32>
    %get3A_1220 = arith.constant 2 : i32
    %get3A_1221 = arith.index_cast %get3A_1220 : i32 to index
    %get3A_1222 = arith.constant 64 : index
    %get3A_1223 = tpu.vector_load %arg7[%get3A_1221, %get3A_1222] {strides = array<i32>} : memref<3x128xi32, #tpu.memory_space<vmem>>, vector<1x16xi32>,
    %get3A_1224 = vector.shape_cast %get3A_1223 : vector<1x16xi32> to vector<16xi32>
    %and3A_1225 = arith.constant 127 : i32
    %and3A_1226 = vector.broadcast %and3A_1225 : i32 to vector<16xi32>
    %and3A_1227 = arith.andi %get3A_1224, %and3A_1226 : vector<16xi32>
    %convert_element_type3A_1228 = arith.sitofp %and3A_1227 : vector<16xi32> to vector<16xf32>
    %shift_right_logical3A_1229 = arith.constant 7 : i32
    %shift_right_logical3A_1230 = vector.broadcast %shift_right_logical3A_1229 : i32 to vector<16xi32>
    %shift_right_logical3A_1231 = arith.shrui %get3A_1224, %shift_right_logical3A_1230 : vector<16xi32>
    %convert_element_type3A_1232 = arith.sitofp %shift_right_logical3A_1231 : vector<16xi32> to vector<16xf32>
    %get3A_1233 = arith.constant 0 : i32
    %get3A_1234 = arith.index_cast %get3A_1233 : i32 to index
    %get3A_1235 = arith.constant 64 : index
    %get3A_1236 = tpu.vector_load %arg9[%get3A_1234, %get3A_1235] {strides = array<i32>} : memref<6x128xf32, #tpu.memory_space<vmem>>, vector<1x16xf32>,
    %get3A_1237 = vector.shape_cast %get3A_1236 : vector<1x16xf32> to vector<16xf32>
    %add3A_1238 = arith.addf %convert_element_type3A_1202, %get3A_1237 : vector<16xf32>
    %get3A_1239 = arith.constant 1 : i32
    %get3A_1240 = arith.index_cast %get3A_1239 : i32 to index
    %get3A_1241 = arith.constant 64 : index
    %get3A_1242 = tpu.vector_load %arg9[%get3A_1240, %get3A_1241] {strides = array<i32>} : memref<6x128xf32, #tpu.memory_space<vmem>>, vector<1x16xf32>,
    %get3A_1243 = vector.shape_cast %get3A_1242 : vector<1x16xf32> to vector<16xf32>
    %add3A_1244 = arith.addf %convert_element_type3A_1206, %get3A_1243 : vector<16xf32>
    %get3A_1245 = arith.constant 2 : i32
    %get3A_1246 = arith.index_cast %get3A_1245 : i32 to index
    %get3A_1247 = arith.constant 64 : index
    %get3A_1248 = tpu.vector_load %arg9[%get3A_1246, %get3A_1247] {strides = array<i32>} : memref<6x128xf32, #tpu.memory_space<vmem>>, vector<1x16xf32>,
    %get3A_1249 = vector.shape_cast %get3A_1248 : vector<1x16xf32> to vector<16xf32>
    %add3A_1250 = arith.addf %convert_element_type3A_1215, %get3A_1249 : vector<16xf32>
    %get3A_1251 = arith.constant 3 : i32
    %get3A_1252 = arith.index_cast %get3A_1251 : i32 to index
    %get3A_1253 = arith.constant 64 : index
    %get3A_1254 = tpu.vector_load %arg9[%get3A_1252, %get3A_1253] {strides = array<i32>} : memref<6x128xf32, #tpu.memory_space<vmem>>, vector<1x16xf32>,
    %get3A_1255 = vector.shape_cast %get3A_1254 : vector<1x16xf32> to vector<16xf32>
    %add3A_1256 = arith.addf %convert_element_type3A_1219, %get3A_1255 : vector<16xf32>
    %get3A_1257 = arith.constant 4 : i32
    %get3A_1258 = arith.index_cast %get3A_1257 : i32 to index
    %get3A_1259 = arith.constant 64 : index
    %get3A_1260 = tpu.vector_load %arg9[%get3A_1258, %get3A_1259] {strides = array<i32>} : memref<6x128xf32, #tpu.memory_space<vmem>>, vector<1x16xf32>,
    %get3A_1261 = vector.shape_cast %get3A_1260 : vector<1x16xf32> to vector<16xf32>
    %add3A_1262 = arith.addf %convert_element_type3A_1228, %get3A_1261 : vector<16xf32>
    %get3A_1263 = arith.constant 5 : i32
    %get3A_1264 = arith.index_cast %get3A_1263 : i32 to index
    %get3A_1265 = arith.constant 64 : index
    %get3A_1266 = tpu.vector_load %arg9[%get3A_1264, %get3A_1265] {strides = array<i32>} : memref<6x128xf32, #tpu.memory_space<vmem>>, vector<1x16xf32>,
    %get3A_1267 = vector.shape_cast %get3A_1266 : vector<1x16xf32> to vector<16xf32>
    %add3A_1268 = arith.addf %convert_element_type3A_1232, %get3A_1267 : vector<16xf32>
    %sub3A_1269 = arith.subf %add3A_1250, %add3A_1238 : vector<16xf32>
    %sub3A_1270 = arith.subf %add3A_1256, %add3A_1244 : vector<16xf32>
    %sub3A_1271 = arith.subf %add3A_1250, %add3A_1262 : vector<16xf32>
    %sub3A_1272 = arith.subf %add3A_1256, %add3A_1268 : vector<16xf32>
    %mul3A_1273 = arith.mulf %sub3A_1271, %sub3A_1271 : vector<16xf32>
    %mul3A_1274 = arith.mulf %sub3A_1272, %sub3A_1272 : vector<16xf32>
    %add3A_1275 = arith.addf %mul3A_1273, %mul3A_1274 : vector<16xf32>
    %mul3A_1276 = arith.mulf %sub3A_1269, %sub3A_1269 : vector<16xf32>
    %mul3A_1277 = arith.mulf %sub3A_1270, %sub3A_1270 : vector<16xf32>
    %add3A_1278 = arith.addf %mul3A_1276, %mul3A_1277 : vector<16xf32>
    %mul3A_1279 = arith.mulf %sub3A_1269, %sub3A_1271 : vector<16xf32>
    %mul3A_1280 = arith.mulf %sub3A_1270, %sub3A_1272 : vector<16xf32>
    %add3A_1281 = arith.addf %mul3A_1279, %mul3A_1280 : vector<16xf32>
    %mul3A_1282 = arith.mulf %add3A_1275, %add3A_1278 : vector<16xf32>
    %bitcast_convert_type3A_1283 = tpu.bitcast %mul3A_1282 : vector<16xf32> -> vector<16xi32>
    %shift_right_logical3A_1284 = arith.constant 1 : i32
    %shift_right_logical3A_1285 = vector.broadcast %shift_right_logical3A_1284 : i32 to vector<16xi32>
    %shift_right_logical3A_1286 = arith.shrui %bitcast_convert_type3A_1283, %shift_right_logical3A_1285 : vector<16xi32>
    %sub3A_1287 = arith.constant 1597463007 : i32
    %sub3A_1288 = vector.broadcast %sub3A_1287 : i32 to vector<16xi32>
    %sub3A_1289 = arith.subi %sub3A_1288, %shift_right_logical3A_1286 : vector<16xi32>
    %bitcast_convert_type3A_1290 = tpu.bitcast %sub3A_1289 : vector<16xi32> -> vector<16xf32>
    %mul3A_1291 = arith.constant 5.000000e-01 : f32
    %mul3A_1292 = vector.broadcast %mul3A_1291 : f32 to vector<16xf32>
    %mul3A_1293 = arith.mulf %mul3A_1292, %mul3A_1282 : vector<16xf32>
    %mul3A_1294 = arith.mulf %mul3A_1293, %bitcast_convert_type3A_1290 : vector<16xf32>
    %mul3A_1295 = arith.mulf %mul3A_1294, %bitcast_convert_type3A_1290 : vector<16xf32>
    %sub3A_1296 = arith.constant 1.500000e+00 : f32
    %sub3A_1297 = vector.broadcast %sub3A_1296 : f32 to vector<16xf32>
    %sub3A_1298 = arith.subf %sub3A_1297, %mul3A_1295 : vector<16xf32>
    %mul3A_1299 = arith.mulf %bitcast_convert_type3A_1290, %sub3A_1298 : vector<16xf32>
    %mul3A_1300 = arith.mulf %mul3A_1293, %mul3A_1299 : vector<16xf32>
    %mul3A_1301 = arith.mulf %mul3A_1300, %mul3A_1299 : vector<16xf32>
    %sub3A_1302 = arith.constant 1.500000e+00 : f32
    %sub3A_1303 = vector.broadcast %sub3A_1302 : f32 to vector<16xf32>
    %sub3A_1304 = arith.subf %sub3A_1303, %mul3A_1301 : vector<16xf32>
    %mul3A_1305 = arith.mulf %mul3A_1299, %sub3A_1304 : vector<16xf32>
    %mul3A_1306 = arith.mulf %mul3A_1293, %mul3A_1305 : vector<16xf32>
    %mul3A_1307 = arith.mulf %mul3A_1306, %mul3A_1305 : vector<16xf32>
    %sub3A_1308 = arith.constant 1.500000e+00 : f32
    %sub3A_1309 = vector.broadcast %sub3A_1308 : f32 to vector<16xf32>
    %sub3A_1310 = arith.subf %sub3A_1309, %mul3A_1307 : vector<16xf32>
    %mul3A_1311 = arith.mulf %mul3A_1305, %sub3A_1310 : vector<16xf32>
    %mul3A_1312 = arith.mulf %add3A_1281, %mul3A_1311 : vector<16xf32>
    %abs3A_1313 = math.absf %mul3A_1312 : vector<16xf32>
    %mul3A_1314 = arith.mulf %abs3A_1313, %convert_element_type3A_1195 : vector<16xf32>
    %add3A_1315 = arith.addf %add3A_1185, %mul3A_1314 : vector<16xf32>
    %add3A_1316 = arith.addf %add3A_1186, %convert_element_type3A_1195 : vector<16xf32>
    %get3A_1317 = arith.constant 0 : i32
    %get3A_1318 = arith.index_cast %get3A_1317 : i32 to index
    %get3A_1319 = arith.constant 80 : index
    %get3A_1320 = tpu.vector_load %arg7[%get3A_1318, %get3A_1319] {strides = array<i32>} : memref<3x128xi32, #tpu.memory_space<vmem>>, vector<1x16xi32>,
    %get3A_1321 = vector.shape_cast %get3A_1320 : vector<1x16xi32> to vector<16xi32>
    %shift_right_logical3A_1322 = arith.constant 15 : i32
    %shift_right_logical3A_1323 = vector.broadcast %shift_right_logical3A_1322 : i32 to vector<16xi32>
    %shift_right_logical3A_1324 = arith.shrui %get3A_1321, %shift_right_logical3A_1323 : vector<16xi32>
    %convert_element_type3A_1325 = arith.sitofp %shift_right_logical3A_1324 : vector<16xi32> to vector<16xf32>
    %and3A_1326 = arith.constant 32767 : i32
    %and3A_1327 = vector.broadcast %and3A_1326 : i32 to vector<16xi32>
    %and3A_1328 = arith.andi %get3A_1321, %and3A_1327 : vector<16xi32>
    %and3A_1329 = arith.constant 127 : i32
    %and3A_1330 = vector.broadcast %and3A_1329 : i32 to vector<16xi32>
    %and3A_1331 = arith.andi %and3A_1328, %and3A_1330 : vector<16xi32>
    %convert_element_type3A_1332 = arith.sitofp %and3A_1331 : vector<16xi32> to vector<16xf32>
    %shift_right_logical3A_1333 = arith.constant 7 : i32
    %shift_right_logical3A_1334 = vector.broadcast %shift_right_logical3A_1333 : i32 to vector<16xi32>
    %shift_right_logical3A_1335 = arith.shrui %and3A_1328, %shift_right_logical3A_1334 : vector<16xi32>
    %convert_element_type3A_1336 = arith.sitofp %shift_right_logical3A_1335 : vector<16xi32> to vector<16xf32>
    %get3A_1337 = arith.constant 1 : i32
    %get3A_1338 = arith.index_cast %get3A_1337 : i32 to index
    %get3A_1339 = arith.constant 80 : index
    %get3A_1340 = tpu.vector_load %arg7[%get3A_1338, %get3A_1339] {strides = array<i32>} : memref<3x128xi32, #tpu.memory_space<vmem>>, vector<1x16xi32>,
    %get3A_1341 = vector.shape_cast %get3A_1340 : vector<1x16xi32> to vector<16xi32>
    %and3A_1342 = arith.constant 127 : i32
    %and3A_1343 = vector.broadcast %and3A_1342 : i32 to vector<16xi32>
    %and3A_1344 = arith.andi %get3A_1341, %and3A_1343 : vector<16xi32>
    %convert_element_type3A_1345 = arith.sitofp %and3A_1344 : vector<16xi32> to vector<16xf32>
    %shift_right_logical3A_1346 = arith.constant 7 : i32
    %shift_right_logical3A_1347 = vector.broadcast %shift_right_logical3A_1346 : i32 to vector<16xi32>
    %shift_right_logical3A_1348 = arith.shrui %get3A_1341, %shift_right_logical3A_1347 : vector<16xi32>
    %convert_element_type3A_1349 = arith.sitofp %shift_right_logical3A_1348 : vector<16xi32> to vector<16xf32>
    %get3A_1350 = arith.constant 2 : i32
    %get3A_1351 = arith.index_cast %get3A_1350 : i32 to index
    %get3A_1352 = arith.constant 80 : index
    %get3A_1353 = tpu.vector_load %arg7[%get3A_1351, %get3A_1352] {strides = array<i32>} : memref<3x128xi32, #tpu.memory_space<vmem>>, vector<1x16xi32>,
    %get3A_1354 = vector.shape_cast %get3A_1353 : vector<1x16xi32> to vector<16xi32>
    %and3A_1355 = arith.constant 127 : i32
    %and3A_1356 = vector.broadcast %and3A_1355 : i32 to vector<16xi32>
    %and3A_1357 = arith.andi %get3A_1354, %and3A_1356 : vector<16xi32>
    %convert_element_type3A_1358 = arith.sitofp %and3A_1357 : vector<16xi32> to vector<16xf32>
    %shift_right_logical3A_1359 = arith.constant 7 : i32
    %shift_right_logical3A_1360 = vector.broadcast %shift_right_logical3A_1359 : i32 to vector<16xi32>
    %shift_right_logical3A_1361 = arith.shrui %get3A_1354, %shift_right_logical3A_1360 : vector<16xi32>
    %convert_element_type3A_1362 = arith.sitofp %shift_right_logical3A_1361 : vector<16xi32> to vector<16xf32>
    %get3A_1363 = arith.constant 0 : i32
    %get3A_1364 = arith.index_cast %get3A_1363 : i32 to index
    %get3A_1365 = arith.constant 80 : index
    %get3A_1366 = tpu.vector_load %arg9[%get3A_1364, %get3A_1365] {strides = array<i32>} : memref<6x128xf32, #tpu.memory_space<vmem>>, vector<1x16xf32>,
    %get3A_1367 = vector.shape_cast %get3A_1366 : vector<1x16xf32> to vector<16xf32>
    %add3A_1368 = arith.addf %convert_element_type3A_1332, %get3A_1367 : vector<16xf32>
    %get3A_1369 = arith.constant 1 : i32
    %get3A_1370 = arith.index_cast %get3A_1369 : i32 to index
    %get3A_1371 = arith.constant 80 : index
    %get3A_1372 = tpu.vector_load %arg9[%get3A_1370, %get3A_1371] {strides = array<i32>} : memref<6x128xf32, #tpu.memory_space<vmem>>, vector<1x16xf32>,
    %get3A_1373 = vector.shape_cast %get3A_1372 : vector<1x16xf32> to vector<16xf32>
    %add3A_1374 = arith.addf %convert_element_type3A_1336, %get3A_1373 : vector<16xf32>
    %get3A_1375 = arith.constant 2 : i32
    %get3A_1376 = arith.index_cast %get3A_1375 : i32 to index
    %get3A_1377 = arith.constant 80 : index
    %get3A_1378 = tpu.vector_load %arg9[%get3A_1376, %get3A_1377] {strides = array<i32>} : memref<6x128xf32, #tpu.memory_space<vmem>>, vector<1x16xf32>,
    %get3A_1379 = vector.shape_cast %get3A_1378 : vector<1x16xf32> to vector<16xf32>
    %add3A_1380 = arith.addf %convert_element_type3A_1345, %get3A_1379 : vector<16xf32>
    %get3A_1381 = arith.constant 3 : i32
    %get3A_1382 = arith.index_cast %get3A_1381 : i32 to index
    %get3A_1383 = arith.constant 80 : index
    %get3A_1384 = tpu.vector_load %arg9[%get3A_1382, %get3A_1383] {strides = array<i32>} : memref<6x128xf32, #tpu.memory_space<vmem>>, vector<1x16xf32>,
    %get3A_1385 = vector.shape_cast %get3A_1384 : vector<1x16xf32> to vector<16xf32>
    %add3A_1386 = arith.addf %convert_element_type3A_1349, %get3A_1385 : vector<16xf32>
    %get3A_1387 = arith.constant 4 : i32
    %get3A_1388 = arith.index_cast %get3A_1387 : i32 to index
    %get3A_1389 = arith.constant 80 : index
    %get3A_1390 = tpu.vector_load %arg9[%get3A_1388, %get3A_1389] {strides = array<i32>} : memref<6x128xf32, #tpu.memory_space<vmem>>, vector<1x16xf32>,
    %get3A_1391 = vector.shape_cast %get3A_1390 : vector<1x16xf32> to vector<16xf32>
    %add3A_1392 = arith.addf %convert_element_type3A_1358, %get3A_1391 : vector<16xf32>
    %get3A_1393 = arith.constant 5 : i32
    %get3A_1394 = arith.index_cast %get3A_1393 : i32 to index
    %get3A_1395 = arith.constant 80 : index
    %get3A_1396 = tpu.vector_load %arg9[%get3A_1394, %get3A_1395] {strides = array<i32>} : memref<6x128xf32, #tpu.memory_space<vmem>>, vector<1x16xf32>,
    %get3A_1397 = vector.shape_cast %get3A_1396 : vector<1x16xf32> to vector<16xf32>
    %add3A_1398 = arith.addf %convert_element_type3A_1362, %get3A_1397 : vector<16xf32>
    %sub3A_1399 = arith.subf %add3A_1380, %add3A_1368 : vector<16xf32>
    %sub3A_1400 = arith.subf %add3A_1386, %add3A_1374 : vector<16xf32>
    %sub3A_1401 = arith.subf %add3A_1380, %add3A_1392 : vector<16xf32>
    %sub3A_1402 = arith.subf %add3A_1386, %add3A_1398 : vector<16xf32>
    %mul3A_1403 = arith.mulf %sub3A_1401, %sub3A_1401 : vector<16xf32>
    %mul3A_1404 = arith.mulf %sub3A_1402, %sub3A_1402 : vector<16xf32>
    %add3A_1405 = arith.addf %mul3A_1403, %mul3A_1404 : vector<16xf32>
    %mul3A_1406 = arith.mulf %sub3A_1399, %sub3A_1399 : vector<16xf32>
    %mul3A_1407 = arith.mulf %sub3A_1400, %sub3A_1400 : vector<16xf32>
    %add3A_1408 = arith.addf %mul3A_1406, %mul3A_1407 : vector<16xf32>
    %mul3A_1409 = arith.mulf %sub3A_1399, %sub3A_1401 : vector<16xf32>
    %mul3A_1410 = arith.mulf %sub3A_1400, %sub3A_1402 : vector<16xf32>
    %add3A_1411 = arith.addf %mul3A_1409, %mul3A_1410 : vector<16xf32>
    %mul3A_1412 = arith.mulf %add3A_1405, %add3A_1408 : vector<16xf32>
    %bitcast_convert_type3A_1413 = tpu.bitcast %mul3A_1412 : vector<16xf32> -> vector<16xi32>
    %shift_right_logical3A_1414 = arith.constant 1 : i32
    %shift_right_logical3A_1415 = vector.broadcast %shift_right_logical3A_1414 : i32 to vector<16xi32>
    %shift_right_logical3A_1416 = arith.shrui %bitcast_convert_type3A_1413, %shift_right_logical3A_1415 : vector<16xi32>
    %sub3A_1417 = arith.constant 1597463007 : i32
    %sub3A_1418 = vector.broadcast %sub3A_1417 : i32 to vector<16xi32>
    %sub3A_1419 = arith.subi %sub3A_1418, %shift_right_logical3A_1416 : vector<16xi32>
    %bitcast_convert_type3A_1420 = tpu.bitcast %sub3A_1419 : vector<16xi32> -> vector<16xf32>
    %mul3A_1421 = arith.constant 5.000000e-01 : f32
    %mul3A_1422 = vector.broadcast %mul3A_1421 : f32 to vector<16xf32>
    %mul3A_1423 = arith.mulf %mul3A_1422, %mul3A_1412 : vector<16xf32>
    %mul3A_1424 = arith.mulf %mul3A_1423, %bitcast_convert_type3A_1420 : vector<16xf32>
    %mul3A_1425 = arith.mulf %mul3A_1424, %bitcast_convert_type3A_1420 : vector<16xf32>
    %sub3A_1426 = arith.constant 1.500000e+00 : f32
    %sub3A_1427 = vector.broadcast %sub3A_1426 : f32 to vector<16xf32>
    %sub3A_1428 = arith.subf %sub3A_1427, %mul3A_1425 : vector<16xf32>
    %mul3A_1429 = arith.mulf %bitcast_convert_type3A_1420, %sub3A_1428 : vector<16xf32>
    %mul3A_1430 = arith.mulf %mul3A_1423, %mul3A_1429 : vector<16xf32>
    %mul3A_1431 = arith.mulf %mul3A_1430, %mul3A_1429 : vector<16xf32>
    %sub3A_1432 = arith.constant 1.500000e+00 : f32
    %sub3A_1433 = vector.broadcast %sub3A_1432 : f32 to vector<16xf32>
    %sub3A_1434 = arith.subf %sub3A_1433, %mul3A_1431 : vector<16xf32>
    %mul3A_1435 = arith.mulf %mul3A_1429, %sub3A_1434 : vector<16xf32>
    %mul3A_1436 = arith.mulf %mul3A_1423, %mul3A_1435 : vector<16xf32>
    %mul3A_1437 = arith.mulf %mul3A_1436, %mul3A_1435 : vector<16xf32>
    %sub3A_1438 = arith.constant 1.500000e+00 : f32
    %sub3A_1439 = vector.broadcast %sub3A_1438 : f32 to vector<16xf32>
    %sub3A_1440 = arith.subf %sub3A_1439, %mul3A_1437 : vector<16xf32>
    %mul3A_1441 = arith.mulf %mul3A_1435, %sub3A_1440 : vector<16xf32>
    %mul3A_1442 = arith.mulf %add3A_1411, %mul3A_1441 : vector<16xf32>
    %abs3A_1443 = math.absf %mul3A_1442 : vector<16xf32>
    %mul3A_1444 = arith.mulf %abs3A_1443, %convert_element_type3A_1325 : vector<16xf32>
    %add3A_1445 = arith.addf %add3A_1315, %mul3A_1444 : vector<16xf32>
    %add3A_1446 = arith.addf %add3A_1316, %convert_element_type3A_1325 : vector<16xf32>
    %get3A_1447 = arith.constant 0 : i32
    %get3A_1448 = arith.index_cast %get3A_1447 : i32 to index
    %get3A_1449 = arith.constant 96 : index
    %get3A_1450 = tpu.vector_load %arg7[%get3A_1448, %get3A_1449] {strides = array<i32>} : memref<3x128xi32, #tpu.memory_space<vmem>>, vector<1x16xi32>,
    %get3A_1451 = vector.shape_cast %get3A_1450 : vector<1x16xi32> to vector<16xi32>
    %shift_right_logical3A_1452 = arith.constant 15 : i32
    %shift_right_logical3A_1453 = vector.broadcast %shift_right_logical3A_1452 : i32 to vector<16xi32>
    %shift_right_logical3A_1454 = arith.shrui %get3A_1451, %shift_right_logical3A_1453 : vector<16xi32>
    %convert_element_type3A_1455 = arith.sitofp %shift_right_logical3A_1454 : vector<16xi32> to vector<16xf32>
    %and3A_1456 = arith.constant 32767 : i32
    %and3A_1457 = vector.broadcast %and3A_1456 : i32 to vector<16xi32>
    %and3A_1458 = arith.andi %get3A_1451, %and3A_1457 : vector<16xi32>
    %and3A_1459 = arith.constant 127 : i32
    %and3A_1460 = vector.broadcast %and3A_1459 : i32 to vector<16xi32>
    %and3A_1461 = arith.andi %and3A_1458, %and3A_1460 : vector<16xi32>
    %convert_element_type3A_1462 = arith.sitofp %and3A_1461 : vector<16xi32> to vector<16xf32>
    %shift_right_logical3A_1463 = arith.constant 7 : i32
    %shift_right_logical3A_1464 = vector.broadcast %shift_right_logical3A_1463 : i32 to vector<16xi32>
    %shift_right_logical3A_1465 = arith.shrui %and3A_1458, %shift_right_logical3A_1464 : vector<16xi32>
    %convert_element_type3A_1466 = arith.sitofp %shift_right_logical3A_1465 : vector<16xi32> to vector<16xf32>
    %get3A_1467 = arith.constant 1 : i32
    %get3A_1468 = arith.index_cast %get3A_1467 : i32 to index
    %get3A_1469 = arith.constant 96 : index
    %get3A_1470 = tpu.vector_load %arg7[%get3A_1468, %get3A_1469] {strides = array<i32>} : memref<3x128xi32, #tpu.memory_space<vmem>>, vector<1x16xi32>,
    %get3A_1471 = vector.shape_cast %get3A_1470 : vector<1x16xi32> to vector<16xi32>
    %and3A_1472 = arith.constant 127 : i32
    %and3A_1473 = vector.broadcast %and3A_1472 : i32 to vector<16xi32>
    %and3A_1474 = arith.andi %get3A_1471, %and3A_1473 : vector<16xi32>
    %convert_element_type3A_1475 = arith.sitofp %and3A_1474 : vector<16xi32> to vector<16xf32>
    %shift_right_logical3A_1476 = arith.constant 7 : i32
    %shift_right_logical3A_1477 = vector.broadcast %shift_right_logical3A_1476 : i32 to vector<16xi32>
    %shift_right_logical3A_1478 = arith.shrui %get3A_1471, %shift_right_logical3A_1477 : vector<16xi32>
    %convert_element_type3A_1479 = arith.sitofp %shift_right_logical3A_1478 : vector<16xi32> to vector<16xf32>
    %get3A_1480 = arith.constant 2 : i32
    %get3A_1481 = arith.index_cast %get3A_1480 : i32 to index
    %get3A_1482 = arith.constant 96 : index
    %get3A_1483 = tpu.vector_load %arg7[%get3A_1481, %get3A_1482] {strides = array<i32>} : memref<3x128xi32, #tpu.memory_space<vmem>>, vector<1x16xi32>,
    %get3A_1484 = vector.shape_cast %get3A_1483 : vector<1x16xi32> to vector<16xi32>
    %and3A_1485 = arith.constant 127 : i32
    %and3A_1486 = vector.broadcast %and3A_1485 : i32 to vector<16xi32>
    %and3A_1487 = arith.andi %get3A_1484, %and3A_1486 : vector<16xi32>
    %convert_element_type3A_1488 = arith.sitofp %and3A_1487 : vector<16xi32> to vector<16xf32>
    %shift_right_logical3A_1489 = arith.constant 7 : i32
    %shift_right_logical3A_1490 = vector.broadcast %shift_right_logical3A_1489 : i32 to vector<16xi32>
    %shift_right_logical3A_1491 = arith.shrui %get3A_1484, %shift_right_logical3A_1490 : vector<16xi32>
    %convert_element_type3A_1492 = arith.sitofp %shift_right_logical3A_1491 : vector<16xi32> to vector<16xf32>
    %get3A_1493 = arith.constant 0 : i32
    %get3A_1494 = arith.index_cast %get3A_1493 : i32 to index
    %get3A_1495 = arith.constant 96 : index
    %get3A_1496 = tpu.vector_load %arg9[%get3A_1494, %get3A_1495] {strides = array<i32>} : memref<6x128xf32, #tpu.memory_space<vmem>>, vector<1x16xf32>,
    %get3A_1497 = vector.shape_cast %get3A_1496 : vector<1x16xf32> to vector<16xf32>
    %add3A_1498 = arith.addf %convert_element_type3A_1462, %get3A_1497 : vector<16xf32>
    %get3A_1499 = arith.constant 1 : i32
    %get3A_1500 = arith.index_cast %get3A_1499 : i32 to index
    %get3A_1501 = arith.constant 96 : index
    %get3A_1502 = tpu.vector_load %arg9[%get3A_1500, %get3A_1501] {strides = array<i32>} : memref<6x128xf32, #tpu.memory_space<vmem>>, vector<1x16xf32>,
    %get3A_1503 = vector.shape_cast %get3A_1502 : vector<1x16xf32> to vector<16xf32>
    %add3A_1504 = arith.addf %convert_element_type3A_1466, %get3A_1503 : vector<16xf32>
    %get3A_1505 = arith.constant 2 : i32
    %get3A_1506 = arith.index_cast %get3A_1505 : i32 to index
    %get3A_1507 = arith.constant 96 : index
    %get3A_1508 = tpu.vector_load %arg9[%get3A_1506, %get3A_1507] {strides = array<i32>} : memref<6x128xf32, #tpu.memory_space<vmem>>, vector<1x16xf32>,
    %get3A_1509 = vector.shape_cast %get3A_1508 : vector<1x16xf32> to vector<16xf32>
    %add3A_1510 = arith.addf %convert_element_type3A_1475, %get3A_1509 : vector<16xf32>
    %get3A_1511 = arith.constant 3 : i32
    %get3A_1512 = arith.index_cast %get3A_1511 : i32 to index
    %get3A_1513 = arith.constant 96 : index
    %get3A_1514 = tpu.vector_load %arg9[%get3A_1512, %get3A_1513] {strides = array<i32>} : memref<6x128xf32, #tpu.memory_space<vmem>>, vector<1x16xf32>,
    %get3A_1515 = vector.shape_cast %get3A_1514 : vector<1x16xf32> to vector<16xf32>
    %add3A_1516 = arith.addf %convert_element_type3A_1479, %get3A_1515 : vector<16xf32>
    %get3A_1517 = arith.constant 4 : i32
    %get3A_1518 = arith.index_cast %get3A_1517 : i32 to index
    %get3A_1519 = arith.constant 96 : index
    %get3A_1520 = tpu.vector_load %arg9[%get3A_1518, %get3A_1519] {strides = array<i32>} : memref<6x128xf32, #tpu.memory_space<vmem>>, vector<1x16xf32>,
    %get3A_1521 = vector.shape_cast %get3A_1520 : vector<1x16xf32> to vector<16xf32>
    %add3A_1522 = arith.addf %convert_element_type3A_1488, %get3A_1521 : vector<16xf32>
    %get3A_1523 = arith.constant 5 : i32
    %get3A_1524 = arith.index_cast %get3A_1523 : i32 to index
    %get3A_1525 = arith.constant 96 : index
    %get3A_1526 = tpu.vector_load %arg9[%get3A_1524, %get3A_1525] {strides = array<i32>} : memref<6x128xf32, #tpu.memory_space<vmem>>, vector<1x16xf32>,
    %get3A_1527 = vector.shape_cast %get3A_1526 : vector<1x16xf32> to vector<16xf32>
    %add3A_1528 = arith.addf %convert_element_type3A_1492, %get3A_1527 : vector<16xf32>
    %sub3A_1529 = arith.subf %add3A_1510, %add3A_1498 : vector<16xf32>
    %sub3A_1530 = arith.subf %add3A_1516, %add3A_1504 : vector<16xf32>
    %sub3A_1531 = arith.subf %add3A_1510, %add3A_1522 : vector<16xf32>
    %sub3A_1532 = arith.subf %add3A_1516, %add3A_1528 : vector<16xf32>
    %mul3A_1533 = arith.mulf %sub3A_1531, %sub3A_1531 : vector<16xf32>
    %mul3A_1534 = arith.mulf %sub3A_1532, %sub3A_1532 : vector<16xf32>
    %add3A_1535 = arith.addf %mul3A_1533, %mul3A_1534 : vector<16xf32>
    %mul3A_1536 = arith.mulf %sub3A_1529, %sub3A_1529 : vector<16xf32>
    %mul3A_1537 = arith.mulf %sub3A_1530, %sub3A_1530 : vector<16xf32>
    %add3A_1538 = arith.addf %mul3A_1536, %mul3A_1537 : vector<16xf32>
    %mul3A_1539 = arith.mulf %sub3A_1529, %sub3A_1531 : vector<16xf32>
    %mul3A_1540 = arith.mulf %sub3A_1530, %sub3A_1532 : vector<16xf32>
    %add3A_1541 = arith.addf %mul3A_1539, %mul3A_1540 : vector<16xf32>
    %mul3A_1542 = arith.mulf %add3A_1535, %add3A_1538 : vector<16xf32>
    %bitcast_convert_type3A_1543 = tpu.bitcast %mul3A_1542 : vector<16xf32> -> vector<16xi32>
    %shift_right_logical3A_1544 = arith.constant 1 : i32
    %shift_right_logical3A_1545 = vector.broadcast %shift_right_logical3A_1544 : i32 to vector<16xi32>
    %shift_right_logical3A_1546 = arith.shrui %bitcast_convert_type3A_1543, %shift_right_logical3A_1545 : vector<16xi32>
    %sub3A_1547 = arith.constant 1597463007 : i32
    %sub3A_1548 = vector.broadcast %sub3A_1547 : i32 to vector<16xi32>
    %sub3A_1549 = arith.subi %sub3A_1548, %shift_right_logical3A_1546 : vector<16xi32>
    %bitcast_convert_type3A_1550 = tpu.bitcast %sub3A_1549 : vector<16xi32> -> vector<16xf32>
    %mul3A_1551 = arith.constant 5.000000e-01 : f32
    %mul3A_1552 = vector.broadcast %mul3A_1551 : f32 to vector<16xf32>
    %mul3A_1553 = arith.mulf %mul3A_1552, %mul3A_1542 : vector<16xf32>
    %mul3A_1554 = arith.mulf %mul3A_1553, %bitcast_convert_type3A_1550 : vector<16xf32>
    %mul3A_1555 = arith.mulf %mul3A_1554, %bitcast_convert_type3A_1550 : vector<16xf32>
    %sub3A_1556 = arith.constant 1.500000e+00 : f32
    %sub3A_1557 = vector.broadcast %sub3A_1556 : f32 to vector<16xf32>
    %sub3A_1558 = arith.subf %sub3A_1557, %mul3A_1555 : vector<16xf32>
    %mul3A_1559 = arith.mulf %bitcast_convert_type3A_1550, %sub3A_1558 : vector<16xf32>
    %mul3A_1560 = arith.mulf %mul3A_1553, %mul3A_1559 : vector<16xf32>
    %mul3A_1561 = arith.mulf %mul3A_1560, %mul3A_1559 : vector<16xf32>
    %sub3A_1562 = arith.constant 1.500000e+00 : f32
    %sub3A_1563 = vector.broadcast %sub3A_1562 : f32 to vector<16xf32>
    %sub3A_1564 = arith.subf %sub3A_1563, %mul3A_1561 : vector<16xf32>
    %mul3A_1565 = arith.mulf %mul3A_1559, %sub3A_1564 : vector<16xf32>
    %mul3A_1566 = arith.mulf %mul3A_1553, %mul3A_1565 : vector<16xf32>
    %mul3A_1567 = arith.mulf %mul3A_1566, %mul3A_1565 : vector<16xf32>
    %sub3A_1568 = arith.constant 1.500000e+00 : f32
    %sub3A_1569 = vector.broadcast %sub3A_1568 : f32 to vector<16xf32>
    %sub3A_1570 = arith.subf %sub3A_1569, %mul3A_1567 : vector<16xf32>
    %mul3A_1571 = arith.mulf %mul3A_1565, %sub3A_1570 : vector<16xf32>
    %mul3A_1572 = arith.mulf %add3A_1541, %mul3A_1571 : vector<16xf32>
    %abs3A_1573 = math.absf %mul3A_1572 : vector<16xf32>
    %mul3A_1574 = arith.mulf %abs3A_1573, %convert_element_type3A_1455 : vector<16xf32>
    %add3A_1575 = arith.addf %add3A_1445, %mul3A_1574 : vector<16xf32>
    %add3A_1576 = arith.addf %add3A_1446, %convert_element_type3A_1455 : vector<16xf32>
    %get3A_1577 = arith.constant 0 : i32
    %get3A_1578 = arith.index_cast %get3A_1577 : i32 to index
    %get3A_1579 = arith.constant 112 : index
    %get3A_1580 = tpu.vector_load %arg7[%get3A_1578, %get3A_1579] {strides = array<i32>} : memref<3x128xi32, #tpu.memory_space<vmem>>, vector<1x16xi32>,
    %get3A_1581 = vector.shape_cast %get3A_1580 : vector<1x16xi32> to vector<16xi32>
    %shift_right_logical3A_1582 = arith.constant 15 : i32
    %shift_right_logical3A_1583 = vector.broadcast %shift_right_logical3A_1582 : i32 to vector<16xi32>
    %shift_right_logical3A_1584 = arith.shrui %get3A_1581, %shift_right_logical3A_1583 : vector<16xi32>
    %convert_element_type3A_1585 = arith.sitofp %shift_right_logical3A_1584 : vector<16xi32> to vector<16xf32>
    %and3A_1586 = arith.constant 32767 : i32
    %and3A_1587 = vector.broadcast %and3A_1586 : i32 to vector<16xi32>
    %and3A_1588 = arith.andi %get3A_1581, %and3A_1587 : vector<16xi32>
    %and3A_1589 = arith.constant 127 : i32
    %and3A_1590 = vector.broadcast %and3A_1589 : i32 to vector<16xi32>
    %and3A_1591 = arith.andi %and3A_1588, %and3A_1590 : vector<16xi32>
    %convert_element_type3A_1592 = arith.sitofp %and3A_1591 : vector<16xi32> to vector<16xf32>
    %shift_right_logical3A_1593 = arith.constant 7 : i32
    %shift_right_logical3A_1594 = vector.broadcast %shift_right_logical3A_1593 : i32 to vector<16xi32>
    %shift_right_logical3A_1595 = arith.shrui %and3A_1588, %shift_right_logical3A_1594 : vector<16xi32>
    %convert_element_type3A_1596 = arith.sitofp %shift_right_logical3A_1595 : vector<16xi32> to vector<16xf32>
    %get3A_1597 = arith.constant 1 : i32
    %get3A_1598 = arith.index_cast %get3A_1597 : i32 to index
    %get3A_1599 = arith.constant 112 : index
    %get3A_1600 = tpu.vector_load %arg7[%get3A_1598, %get3A_1599] {strides = array<i32>} : memref<3x128xi32, #tpu.memory_space<vmem>>, vector<1x16xi32>,
    %get3A_1601 = vector.shape_cast %get3A_1600 : vector<1x16xi32> to vector<16xi32>
    %and3A_1602 = arith.constant 127 : i32
    %and3A_1603 = vector.broadcast %and3A_1602 : i32 to vector<16xi32>
    %and3A_1604 = arith.andi %get3A_1601, %and3A_1603 : vector<16xi32>
    %convert_element_type3A_1605 = arith.sitofp %and3A_1604 : vector<16xi32> to vector<16xf32>
    %shift_right_logical3A_1606 = arith.constant 7 : i32
    %shift_right_logical3A_1607 = vector.broadcast %shift_right_logical3A_1606 : i32 to vector<16xi32>
    %shift_right_logical3A_1608 = arith.shrui %get3A_1601, %shift_right_logical3A_1607 : vector<16xi32>
    %convert_element_type3A_1609 = arith.sitofp %shift_right_logical3A_1608 : vector<16xi32> to vector<16xf32>
    %get3A_1610 = arith.constant 2 : i32
    %get3A_1611 = arith.index_cast %get3A_1610 : i32 to index
    %get3A_1612 = arith.constant 112 : index
    %get3A_1613 = tpu.vector_load %arg7[%get3A_1611, %get3A_1612] {strides = array<i32>} : memref<3x128xi32, #tpu.memory_space<vmem>>, vector<1x16xi32>,
    %get3A_1614 = vector.shape_cast %get3A_1613 : vector<1x16xi32> to vector<16xi32>
    %and3A_1615 = arith.constant 127 : i32
    %and3A_1616 = vector.broadcast %and3A_1615 : i32 to vector<16xi32>
    %and3A_1617 = arith.andi %get3A_1614, %and3A_1616 : vector<16xi32>
    %convert_element_type3A_1618 = arith.sitofp %and3A_1617 : vector<16xi32> to vector<16xf32>
    %shift_right_logical3A_1619 = arith.constant 7 : i32
    %shift_right_logical3A_1620 = vector.broadcast %shift_right_logical3A_1619 : i32 to vector<16xi32>
    %shift_right_logical3A_1621 = arith.shrui %get3A_1614, %shift_right_logical3A_1620 : vector<16xi32>
    %convert_element_type3A_1622 = arith.sitofp %shift_right_logical3A_1621 : vector<16xi32> to vector<16xf32>
    %get3A_1623 = arith.constant 0 : i32
    %get3A_1624 = arith.index_cast %get3A_1623 : i32 to index
    %get3A_1625 = arith.constant 112 : index
    %get3A_1626 = tpu.vector_load %arg9[%get3A_1624, %get3A_1625] {strides = array<i32>} : memref<6x128xf32, #tpu.memory_space<vmem>>, vector<1x16xf32>,
    %get3A_1627 = vector.shape_cast %get3A_1626 : vector<1x16xf32> to vector<16xf32>
    %add3A_1628 = arith.addf %convert_element_type3A_1592, %get3A_1627 : vector<16xf32>
    %get3A_1629 = arith.constant 1 : i32
    %get3A_1630 = arith.index_cast %get3A_1629 : i32 to index
    %get3A_1631 = arith.constant 112 : index
    %get3A_1632 = tpu.vector_load %arg9[%get3A_1630, %get3A_1631] {strides = array<i32>} : memref<6x128xf32, #tpu.memory_space<vmem>>, vector<1x16xf32>,
    %get3A_1633 = vector.shape_cast %get3A_1632 : vector<1x16xf32> to vector<16xf32>
    %add3A_1634 = arith.addf %convert_element_type3A_1596, %get3A_1633 : vector<16xf32>
    %get3A_1635 = arith.constant 2 : i32
    %get3A_1636 = arith.index_cast %get3A_1635 : i32 to index
    %get3A_1637 = arith.constant 112 : index
    %get3A_1638 = tpu.vector_load %arg9[%get3A_1636, %get3A_1637] {strides = array<i32>} : memref<6x128xf32, #tpu.memory_space<vmem>>, vector<1x16xf32>,
    %get3A_1639 = vector.shape_cast %get3A_1638 : vector<1x16xf32> to vector<16xf32>
    %add3A_1640 = arith.addf %convert_element_type3A_1605, %get3A_1639 : vector<16xf32>
    %get3A_1641 = arith.constant 3 : i32
    %get3A_1642 = arith.index_cast %get3A_1641 : i32 to index
    %get3A_1643 = arith.constant 112 : index
    %get3A_1644 = tpu.vector_load %arg9[%get3A_1642, %get3A_1643] {strides = array<i32>} : memref<6x128xf32, #tpu.memory_space<vmem>>, vector<1x16xf32>,
    %get3A_1645 = vector.shape_cast %get3A_1644 : vector<1x16xf32> to vector<16xf32>
    %add3A_1646 = arith.addf %convert_element_type3A_1609, %get3A_1645 : vector<16xf32>
    %get3A_1647 = arith.constant 4 : i32
    %get3A_1648 = arith.index_cast %get3A_1647 : i32 to index
    %get3A_1649 = arith.constant 112 : index
    %get3A_1650 = tpu.vector_load %arg9[%get3A_1648, %get3A_1649] {strides = array<i32>} : memref<6x128xf32, #tpu.memory_space<vmem>>, vector<1x16xf32>,
    %get3A_1651 = vector.shape_cast %get3A_1650 : vector<1x16xf32> to vector<16xf32>
    %add3A_1652 = arith.addf %convert_element_type3A_1618, %get3A_1651 : vector<16xf32>
    %get3A_1653 = arith.constant 5 : i32
    %get3A_1654 = arith.index_cast %get3A_1653 : i32 to index
    %get3A_1655 = arith.constant 112 : index
    %get3A_1656 = tpu.vector_load %arg9[%get3A_1654, %get3A_1655] {strides = array<i32>} : memref<6x128xf32, #tpu.memory_space<vmem>>, vector<1x16xf32>,
    %get3A_1657 = vector.shape_cast %get3A_1656 : vector<1x16xf32> to vector<16xf32>
    %add3A_1658 = arith.addf %convert_element_type3A_1622, %get3A_1657 : vector<16xf32>
    %sub3A_1659 = arith.subf %add3A_1640, %add3A_1628 : vector<16xf32>
    %sub3A_1660 = arith.subf %add3A_1646, %add3A_1634 : vector<16xf32>
    %sub3A_1661 = arith.subf %add3A_1640, %add3A_1652 : vector<16xf32>
    %sub3A_1662 = arith.subf %add3A_1646, %add3A_1658 : vector<16xf32>
    %mul3A_1663 = arith.mulf %sub3A_1661, %sub3A_1661 : vector<16xf32>
    %mul3A_1664 = arith.mulf %sub3A_1662, %sub3A_1662 : vector<16xf32>
    %add3A_1665 = arith.addf %mul3A_1663, %mul3A_1664 : vector<16xf32>
    %mul3A_1666 = arith.mulf %sub3A_1659, %sub3A_1659 : vector<16xf32>
    %mul3A_1667 = arith.mulf %sub3A_1660, %sub3A_1660 : vector<16xf32>
    %add3A_1668 = arith.addf %mul3A_1666, %mul3A_1667 : vector<16xf32>
    %mul3A_1669 = arith.mulf %sub3A_1659, %sub3A_1661 : vector<16xf32>
    %mul3A_1670 = arith.mulf %sub3A_1660, %sub3A_1662 : vector<16xf32>
    %add3A_1671 = arith.addf %mul3A_1669, %mul3A_1670 : vector<16xf32>
    %mul3A_1672 = arith.mulf %add3A_1665, %add3A_1668 : vector<16xf32>
    %bitcast_convert_type3A_1673 = tpu.bitcast %mul3A_1672 : vector<16xf32> -> vector<16xi32>
    %shift_right_logical3A_1674 = arith.constant 1 : i32
    %shift_right_logical3A_1675 = vector.broadcast %shift_right_logical3A_1674 : i32 to vector<16xi32>
    %shift_right_logical3A_1676 = arith.shrui %bitcast_convert_type3A_1673, %shift_right_logical3A_1675 : vector<16xi32>
    %sub3A_1677 = arith.constant 1597463007 : i32
    %sub3A_1678 = vector.broadcast %sub3A_1677 : i32 to vector<16xi32>
    %sub3A_1679 = arith.subi %sub3A_1678, %shift_right_logical3A_1676 : vector<16xi32>
    %bitcast_convert_type3A_1680 = tpu.bitcast %sub3A_1679 : vector<16xi32> -> vector<16xf32>
    %mul3A_1681 = arith.constant 5.000000e-01 : f32
    %mul3A_1682 = vector.broadcast %mul3A_1681 : f32 to vector<16xf32>
    %mul3A_1683 = arith.mulf %mul3A_1682, %mul3A_1672 : vector<16xf32>
    %mul3A_1684 = arith.mulf %mul3A_1683, %bitcast_convert_type3A_1680 : vector<16xf32>
    %mul3A_1685 = arith.mulf %mul3A_1684, %bitcast_convert_type3A_1680 : vector<16xf32>
    %sub3A_1686 = arith.constant 1.500000e+00 : f32
    %sub3A_1687 = vector.broadcast %sub3A_1686 : f32 to vector<16xf32>
    %sub3A_1688 = arith.subf %sub3A_1687, %mul3A_1685 : vector<16xf32>
    %mul3A_1689 = arith.mulf %bitcast_convert_type3A_1680, %sub3A_1688 : vector<16xf32>
    %mul3A_1690 = arith.mulf %mul3A_1683, %mul3A_1689 : vector<16xf32>
    %mul3A_1691 = arith.mulf %mul3A_1690, %mul3A_1689 : vector<16xf32>
    %sub3A_1692 = arith.constant 1.500000e+00 : f32
    %sub3A_1693 = vector.broadcast %sub3A_1692 : f32 to vector<16xf32>
    %sub3A_1694 = arith.subf %sub3A_1693, %mul3A_1691 : vector<16xf32>
    %mul3A_1695 = arith.mulf %mul3A_1689, %sub3A_1694 : vector<16xf32>
    %mul3A_1696 = arith.mulf %mul3A_1683, %mul3A_1695 : vector<16xf32>
    %mul3A_1697 = arith.mulf %mul3A_1696, %mul3A_1695 : vector<16xf32>
    %sub3A_1698 = arith.constant 1.500000e+00 : f32
    %sub3A_1699 = vector.broadcast %sub3A_1698 : f32 to vector<16xf32>
    %sub3A_1700 = arith.subf %sub3A_1699, %mul3A_1697 : vector<16xf32>
    %mul3A_1701 = arith.mulf %mul3A_1695, %sub3A_1700 : vector<16xf32>
    %mul3A_1702 = arith.mulf %add3A_1671, %mul3A_1701 : vector<16xf32>
    %abs3A_1703 = math.absf %mul3A_1702 : vector<16xf32>
    %mul3A_1704 = arith.mulf %abs3A_1703, %convert_element_type3A_1585 : vector<16xf32>
    %add3A_1705 = arith.addf %add3A_1575, %mul3A_1704 : vector<16xf32>
    %add3A_1706 = arith.addf %add3A_1576, %convert_element_type3A_1585 : vector<16xf32>
    %broadcast_in_dim3A_1707 = arith.constant 0.000000e+00 : f32
    %broadcast_in_dim3A_1708 = vector.broadcast %broadcast_in_dim3A_1707 : f32 to vector<16xf32>
    %swap3A_1709 = arith.constant 0 : index
    %swap3A_1710 = tpu.vector_load %arg10[%swap3A_1709] {strides = array<i32>} : memref<160xf32, #tpu.memory_space<vmem>>, vector<16xf32>,
    %swap3A_1711 = vector.shape_cast %swap3A_1710 : vector<16xf32> to vector<16xf32>
    %swap3A_1712 = vector.shape_cast %add3A_1705 : vector<16xf32> to vector<16xf32>
    tpu.vector_store %arg10[%swap3A_1709], %swap3A_1712 {strides = array<i32>} : memref<160xf32, #tpu.memory_space<vmem>>, vector<16xf32>,
    %swap3A_1713 = arith.constant 16 : index
    %swap3A_1714 = tpu.vector_load %arg10[%swap3A_1713] {strides = array<i32>} : memref<160xf32, #tpu.memory_space<vmem>>, vector<16xf32>,
    %swap3A_1715 = vector.shape_cast %swap3A_1714 : vector<16xf32> to vector<16xf32>
    %swap3A_1716 = vector.shape_cast %add3A_1706 : vector<16xf32> to vector<16xf32>
    tpu.vector_store %arg10[%swap3A_1713], %swap3A_1716 {strides = array<i32>} : memref<160xf32, #tpu.memory_space<vmem>>, vector<16xf32>,
    %swap3A_1717 = arith.constant 48 : index
    %swap3A_1718 = tpu.vector_load %arg10[%swap3A_1717] {strides = array<i32>} : memref<160xf32, #tpu.memory_space<vmem>>, vector<16xf32>,
    %swap3A_1719 = vector.shape_cast %swap3A_1718 : vector<16xf32> to vector<16xf32>
    %swap3A_1720 = vector.shape_cast %broadcast_in_dim3A_1708 : vector<16xf32> to vector<16xf32>
    tpu.vector_store %arg10[%swap3A_1717], %swap3A_1720 {strides = array<i32>} : memref<160xf32, #tpu.memory_space<vmem>>, vector<16xf32>,
    %swap3A_1721 = arith.constant 64 : index
    %swap3A_1722 = tpu.vector_load %arg10[%swap3A_1721] {strides = array<i32>} : memref<160xf32, #tpu.memory_space<vmem>>, vector<16xf32>,
    %swap3A_1723 = vector.shape_cast %swap3A_1722 : vector<16xf32> to vector<16xf32>
    %swap3A_1724 = vector.shape_cast %broadcast_in_dim3A_1708 : vector<16xf32> to vector<16xf32>
    tpu.vector_store %arg10[%swap3A_1721], %swap3A_1724 {strides = array<i32>} : memref<160xf32, #tpu.memory_space<vmem>>, vector<16xf32>,
    %swap3A_1725 = arith.constant 80 : index
    %swap3A_1726 = tpu.vector_load %arg10[%swap3A_1725] {strides = array<i32>} : memref<160xf32, #tpu.memory_space<vmem>>, vector<16xf32>,
    %swap3A_1727 = vector.shape_cast %swap3A_1726 : vector<16xf32> to vector<16xf32>
    %swap3A_1728 = vector.shape_cast %broadcast_in_dim3A_1708 : vector<16xf32> to vector<16xf32>
    tpu.vector_store %arg10[%swap3A_1725], %swap3A_1728 {strides = array<i32>} : memref<160xf32, #tpu.memory_space<vmem>>, vector<16xf32>,
    %broadcast_in_dim3A_1729 = vector.broadcast %arg1 : i32 to vector<16xi32>
    %swap3A_1730 = arith.constant 0 : index
    %swap3A_1731 = tpu.vector_load %arg11[%swap3A_1730] {strides = array<i32>} : memref<32xi32, #tpu.memory_space<vmem>>, vector<16xi32>,
    %swap3A_1732 = vector.shape_cast %swap3A_1731 : vector<16xi32> to vector<16xi32>
    %swap3A_1733 = vector.shape_cast %broadcast_in_dim3A_1729 : vector<16xi32> to vector<16xi32>
    tpu.vector_store %arg11[%swap3A_1730], %swap3A_1733 {strides = array<i32>} : memref<32xi32, #tpu.memory_space<vmem>>, vector<16xi32>,
    %add3A_1734 = arith.constant 16 : i32
    %add3A_1735 = arith.addi %add3A_1734, %arg1 : i32
    %broadcast_in_dim3A_1736 = vector.broadcast %add3A_1735 : i32 to vector<16xi32>
    %swap3A_1737 = arith.constant 16 : index
    %swap3A_1738 = tpu.vector_load %arg11[%swap3A_1737] {strides = array<i32>} : memref<32xi32, #tpu.memory_space<vmem>>, vector<16xi32>,
    %swap3A_1739 = vector.shape_cast %swap3A_1738 : vector<16xi32> to vector<16xi32>
    %swap3A_1740 = vector.shape_cast %broadcast_in_dim3A_1736 : vector<16xi32> to vector<16xi32>
    tpu.vector_store %arg11[%swap3A_1737], %swap3A_1740 {strides = array<i32>} : memref<32xi32, #tpu.memory_space<vmem>>, vector<16xi32>,
    %eq3A = arith.constant 0 : i32
    %eq3A_1741 = arith.cmpi eq, %arg1, %eq3A : i32
    %convert_element_type3A_1742 = arith.extui %eq3A_1741 : i1 to i32
    %cond3A = arith.constant 0 : i32
    %cond3A_1743 = arith.cmpi ne, %convert_element_type3A_1742, %cond3A : i32
    scf.if %cond3A_1743 {
      "tpu.region"() ({
        %run_scoped3A = tpu.sem_alloc : memref<!tpu.dma_semaphore, #tpu.memory_space<semaphore_mem>>
        %dma_start3A_1750 = arith.constant 48 : i32
        %dma_start3A_1751 = tpu.memref_slice %arg10[%dma_start3A_1750] : memref<160xf32, #tpu.memory_space<vmem>> -> memref<48xf32, #tpu.memory_space<vmem>>
        %dma_start3A_1752 = arith.constant 48 : i32
        %dma_start3A_1753 = tpu.memref_slice %arg10[%dma_start3A_1752] : memref<160xf32, #tpu.memory_space<vmem>> -> memref<48xf32, #tpu.memory_space<vmem>>
        tpu.enqueue_dma source(%dma_start3A_1753 : memref<48xf32, #tpu.memory_space<vmem>>) target(%arg13 : memref<48xf32, #tpu.memory_space<vmem_shared>>) target_semaphore(%run_scoped3A : memref<!tpu.dma_semaphore, #tpu.memory_space<semaphore_mem>>)
        %dma_wait3A_1754 = arith.constant 48 : i32
        %dma_wait3A_1755 = tpu.memref_slice %arg10[%dma_wait3A_1754] : memref<160xf32, #tpu.memory_space<vmem>> -> memref<48xf32, #tpu.memory_space<vmem>>
        %dma_wait3A_1756 = arith.constant 48 : i32
        %dma_wait3A_1757 = tpu.memref_slice %arg10[%dma_wait3A_1756] : memref<160xf32, #tpu.memory_space<vmem>> -> memref<48xf32, #tpu.memory_space<vmem>>
        tpu.wait_dma2 semaphore(%run_scoped3A : memref<!tpu.dma_semaphore, #tpu.memory_space<semaphore_mem>>) src(%dma_wait3A_1757 : memref<48xf32, #tpu.memory_space<vmem>>) dst(%arg13 : memref<48xf32, #tpu.memory_space<vmem_shared>>)
        tpu.yield
      }) : () -> ()
    } else {
    }
    %barrier3A = arith.constant 0 : index
    tpu.barrier barrier_id(%barrier3A)
    "tpu.region"() ({
      %run_scoped3A = tpu.sem_alloc : memref<!tpu.dma_semaphore, #tpu.memory_space<semaphore_mem>>
      %dma_start3A_1750 = arith.constant 0 : i32
      %dma_start3A_1751 = tpu.memref_slice %arg10[%dma_start3A_1750] : memref<160xf32, #tpu.memory_space<vmem>> -> memref<32xf32, #tpu.memory_space<vmem>>
      %dma_start3A_1752 = arith.constant 0 : i32
      %dma_start3A_1753 = tpu.memref_slice %arg13[%dma_start3A_1752] : memref<48xf32, #tpu.memory_space<vmem_shared>> -> memref<48xf32, #tpu.memory_space<vmem_shared>>
      tpu.enqueue_indirect_dma source(%dma_start3A_1751 : memref<32xf32, #tpu.memory_space<vmem>>) target(%dma_start3A_1753 : memref<48xf32, #tpu.memory_space<vmem_shared>>) offsets(%arg11 : memref<32xi32, #tpu.memory_space<vmem>>) semaphore(%run_scoped3A : memref<!tpu.dma_semaphore, #tpu.memory_space<semaphore_mem>>) {add = true}
      %dma_wait3A_1754 = arith.constant 0 : i32
      %dma_wait3A_1755 = tpu.memref_slice %arg10[%dma_wait3A_1754] : memref<160xf32, #tpu.memory_space<vmem>> -> memref<32xf32, #tpu.memory_space<vmem>>
      %dma_wait3A_1756 = arith.constant 0 : i32
      %dma_wait3A_1757 = tpu.memref_slice %arg13[%dma_wait3A_1756] : memref<48xf32, #tpu.memory_space<vmem_shared>> -> memref<48xf32, #tpu.memory_space<vmem_shared>>
      tpu.wait_indirect_dma semaphore(%run_scoped3A : memref<!tpu.dma_semaphore, #tpu.memory_space<semaphore_mem>>) src(%dma_wait3A_1755 : memref<32xf32, #tpu.memory_space<vmem>>) dst(%dma_wait3A_1757 : memref<48xf32, #tpu.memory_space<vmem_shared>>)
      tpu.yield
    }) : () -> ()
    %barrier3A_1744 = arith.constant 0 : index
    tpu.barrier barrier_id(%barrier3A_1744)
    %eq3A_1745 = arith.constant 0 : i32
    %eq3A_1746 = arith.cmpi eq, %arg1, %eq3A_1745 : i32
    %convert_element_type3A_1747 = arith.extui %eq3A_1746 : i1 to i32
    %cond3A_1748 = arith.constant 0 : i32
    %cond3A_1749 = arith.cmpi ne, %convert_element_type3A_1747, %cond3A_1748 : i32
    scf.if %cond3A_1749 {
      "tpu.region"() ({
        %run_scoped3A = tpu.sem_alloc : memref<!tpu.dma_semaphore, #tpu.memory_space<semaphore_mem>>
        %dma_start3A_1775 = arith.constant 96 : i32
        %dma_start3A_1776 = tpu.memref_slice %arg10[%dma_start3A_1775] : memref<160xf32, #tpu.memory_space<vmem>> -> memref<48xf32, #tpu.memory_space<vmem>>
        %dma_start3A_1777 = arith.constant 96 : i32
        %dma_start3A_1778 = tpu.memref_slice %arg10[%dma_start3A_1777] : memref<160xf32, #tpu.memory_space<vmem>> -> memref<48xf32, #tpu.memory_space<vmem>>
        tpu.enqueue_dma source(%arg13 : memref<48xf32, #tpu.memory_space<vmem_shared>>) target(%dma_start3A_1778 : memref<48xf32, #tpu.memory_space<vmem>>) target_semaphore(%run_scoped3A : memref<!tpu.dma_semaphore, #tpu.memory_space<semaphore_mem>>)
        %dma_wait3A_1779 = arith.constant 96 : i32
        %dma_wait3A_1780 = tpu.memref_slice %arg10[%dma_wait3A_1779] : memref<160xf32, #tpu.memory_space<vmem>> -> memref<48xf32, #tpu.memory_space<vmem>>
        %dma_wait3A_1781 = arith.constant 96 : i32
        %dma_wait3A_1782 = tpu.memref_slice %arg10[%dma_wait3A_1781] : memref<160xf32, #tpu.memory_space<vmem>> -> memref<48xf32, #tpu.memory_space<vmem>>
        tpu.wait_dma2 semaphore(%run_scoped3A : memref<!tpu.dma_semaphore, #tpu.memory_space<semaphore_mem>>) src(%arg13 : memref<48xf32, #tpu.memory_space<vmem_shared>>) dst(%dma_wait3A_1782 : memref<48xf32, #tpu.memory_space<vmem>>)
        tpu.yield
      }) : () -> ()
      %get3A_1750 = arith.constant 96 : index
      %get3A_1751 = tpu.vector_load %arg10[%get3A_1750] {strides = array<i32>} : memref<160xf32, #tpu.memory_space<vmem>>, vector<16xf32>,
      %get3A_1752 = vector.shape_cast %get3A_1751 : vector<16xf32> to vector<16xf32>
      %get3A_1753 = arith.constant 112 : index
      %get3A_1754 = tpu.vector_load %arg10[%get3A_1753] {strides = array<i32>} : memref<160xf32, #tpu.memory_space<vmem>>, vector<16xf32>,
      %get3A_1755 = vector.shape_cast %get3A_1754 : vector<16xf32> to vector<16xf32>
      %add3A_1756 = arith.constant 9.99999974E-5 : f32
      %add3A_1757 = vector.broadcast %add3A_1756 : f32 to vector<16xf32>
      %add3A_1758 = arith.addf %get3A_1755, %add3A_1757 : vector<16xf32>
      %div3A = arith.divf %get3A_1752, %add3A_1758 : vector<16xf32>
      %swap3A_1759 = arith.constant 32 : index
      %swap3A_1760 = tpu.vector_load %arg10[%swap3A_1759] {strides = array<i32>} : memref<160xf32, #tpu.memory_space<vmem>>, vector<16xf32>,
      %swap3A_1761 = vector.shape_cast %swap3A_1760 : vector<16xf32> to vector<16xf32>
      %swap3A_1762 = vector.shape_cast %div3A : vector<16xf32> to vector<16xf32>
      tpu.vector_store %arg10[%swap3A_1759], %swap3A_1762 {strides = array<i32>} : memref<160xf32, #tpu.memory_space<vmem>>, vector<16xf32>,
      %broadcast_in_dim3A_1763 = arith.constant 32 : i32
      %broadcast_in_dim3A_1764 = vector.broadcast %broadcast_in_dim3A_1763 : i32 to vector<16xi32>
      %swap3A_1765 = arith.constant 0 : index
      %swap3A_1766 = tpu.vector_load %arg12[%swap3A_1765] {strides = array<i32>} : memref<32xi32, #tpu.memory_space<vmem>>, vector<16xi32>,
      %swap3A_1767 = vector.shape_cast %swap3A_1766 : vector<16xi32> to vector<16xi32>
      %swap3A_1768 = vector.shape_cast %broadcast_in_dim3A_1764 : vector<16xi32> to vector<16xi32>
      tpu.vector_store %arg12[%swap3A_1765], %swap3A_1768 {strides = array<i32>} : memref<32xi32, #tpu.memory_space<vmem>>, vector<16xi32>,
      %broadcast_in_dim3A_1769 = arith.constant 40 : i32
      %broadcast_in_dim3A_1770 = vector.broadcast %broadcast_in_dim3A_1769 : i32 to vector<16xi32>
      %swap3A_1771 = arith.constant 16 : index
      %swap3A_1772 = tpu.vector_load %arg12[%swap3A_1771] {strides = array<i32>} : memref<32xi32, #tpu.memory_space<vmem>>, vector<16xi32>,
      %swap3A_1773 = vector.shape_cast %swap3A_1772 : vector<16xi32> to vector<16xi32>
      %swap3A_1774 = vector.shape_cast %broadcast_in_dim3A_1770 : vector<16xi32> to vector<16xi32>
      tpu.vector_store %arg12[%swap3A_1771], %swap3A_1774 {strides = array<i32>} : memref<32xi32, #tpu.memory_space<vmem>>, vector<16xi32>,
      "tpu.region"() ({
        %run_scoped3A = tpu.sem_alloc : memref<!tpu.dma_semaphore, #tpu.memory_space<semaphore_mem>>
        %dma_start3A_1775 = arith.constant 32 : i32
        %dma_start3A_1776 = tpu.memref_slice %arg10[%dma_start3A_1775] : memref<160xf32, #tpu.memory_space<vmem>> -> memref<32xf32, #tpu.memory_space<vmem>>
        %dma_start3A_1777 = arith.constant 0 : i32
        %dma_start3A_1778 = tpu.memref_slice %arg13[%dma_start3A_1777] : memref<48xf32, #tpu.memory_space<vmem_shared>> -> memref<48xf32, #tpu.memory_space<vmem_shared>>
        tpu.enqueue_indirect_dma source(%dma_start3A_1776 : memref<32xf32, #tpu.memory_space<vmem>>) target(%dma_start3A_1778 : memref<48xf32, #tpu.memory_space<vmem_shared>>) offsets(%arg12 : memref<32xi32, #tpu.memory_space<vmem>>) semaphore(%run_scoped3A : memref<!tpu.dma_semaphore, #tpu.memory_space<semaphore_mem>>) {add = true}
        %dma_wait3A_1779 = arith.constant 32 : i32
        %dma_wait3A_1780 = tpu.memref_slice %arg10[%dma_wait3A_1779] : memref<160xf32, #tpu.memory_space<vmem>> -> memref<32xf32, #tpu.memory_space<vmem>>
        %dma_wait3A_1781 = arith.constant 0 : i32
        %dma_wait3A_1782 = tpu.memref_slice %arg13[%dma_wait3A_1781] : memref<48xf32, #tpu.memory_space<vmem_shared>> -> memref<48xf32, #tpu.memory_space<vmem_shared>>
        tpu.wait_indirect_dma semaphore(%run_scoped3A : memref<!tpu.dma_semaphore, #tpu.memory_space<semaphore_mem>>) src(%dma_wait3A_1780 : memref<32xf32, #tpu.memory_space<vmem>>) dst(%dma_wait3A_1782 : memref<48xf32, #tpu.memory_space<vmem_shared>>)
        tpu.yield
      }) : () -> ()
      "tpu.region"() ({
        %run_scoped3A = tpu.sem_alloc : memref<!tpu.dma_semaphore, #tpu.memory_space<semaphore_mem>>
        %dma_start3A_1775 = arith.constant 144 : i32
        %dma_start3A_1776 = tpu.memref_slice %arg10[%dma_start3A_1775] : memref<160xf32, #tpu.memory_space<vmem>> -> memref<16xf32, #tpu.memory_space<vmem>>
        %dma_start3A_1777 = arith.constant 32 : i32
        %dma_start3A_1778 = tpu.memref_slice %arg13[%dma_start3A_1777] : memref<48xf32, #tpu.memory_space<vmem_shared>> -> memref<16xf32, #tpu.memory_space<vmem_shared>>
        %dma_start3A_1779 = arith.constant 144 : i32
        %dma_start3A_1780 = tpu.memref_slice %arg10[%dma_start3A_1779] : memref<160xf32, #tpu.memory_space<vmem>> -> memref<16xf32, #tpu.memory_space<vmem>>
        %dma_start3A_1781 = arith.constant 32 : i32
        %dma_start3A_1782 = tpu.memref_slice %arg13[%dma_start3A_1781] : memref<48xf32, #tpu.memory_space<vmem_shared>> -> memref<16xf32, #tpu.memory_space<vmem_shared>>
        tpu.enqueue_dma source(%dma_start3A_1782 : memref<16xf32, #tpu.memory_space<vmem_shared>>) target(%dma_start3A_1780 : memref<16xf32, #tpu.memory_space<vmem>>) target_semaphore(%run_scoped3A : memref<!tpu.dma_semaphore, #tpu.memory_space<semaphore_mem>>)
        %dma_wait3A_1783 = arith.constant 144 : i32
        %dma_wait3A_1784 = tpu.memref_slice %arg10[%dma_wait3A_1783] : memref<160xf32, #tpu.memory_space<vmem>> -> memref<16xf32, #tpu.memory_space<vmem>>
        %dma_wait3A_1785 = arith.constant 32 : i32
        %dma_wait3A_1786 = tpu.memref_slice %arg13[%dma_wait3A_1785] : memref<48xf32, #tpu.memory_space<vmem_shared>> -> memref<16xf32, #tpu.memory_space<vmem_shared>>
        %dma_wait3A_1787 = arith.constant 144 : i32
        %dma_wait3A_1788 = tpu.memref_slice %arg10[%dma_wait3A_1787] : memref<160xf32, #tpu.memory_space<vmem>> -> memref<16xf32, #tpu.memory_space<vmem>>
        %dma_wait3A_1789 = arith.constant 32 : i32
        %dma_wait3A_1790 = tpu.memref_slice %arg13[%dma_wait3A_1789] : memref<48xf32, #tpu.memory_space<vmem_shared>> -> memref<16xf32, #tpu.memory_space<vmem_shared>>
        tpu.wait_dma2 semaphore(%run_scoped3A : memref<!tpu.dma_semaphore, #tpu.memory_space<semaphore_mem>>) src(%dma_wait3A_1790 : memref<16xf32, #tpu.memory_space<vmem_shared>>) dst(%dma_wait3A_1788 : memref<16xf32, #tpu.memory_space<vmem>>)
        tpu.yield
      }) : () -> ()
      "tpu.region"() ({
        %run_scoped3A = tpu.sem_alloc : memref<!tpu.dma_semaphore, #tpu.memory_space<semaphore_mem>>
        %dma_start3A_1775 = arith.constant 144 : i32
        %dma_start3A_1776 = tpu.memref_slice %arg10[%dma_start3A_1775] : memref<160xf32, #tpu.memory_space<vmem>> -> memref<1xf32, #tpu.memory_space<vmem>>
        %dma_start3A_1777 = arith.constant 144 : i32
        %dma_start3A_1778 = tpu.memref_slice %arg10[%dma_start3A_1777] : memref<160xf32, #tpu.memory_space<vmem>> -> memref<1xf32, #tpu.memory_space<vmem>>
        tpu.enqueue_dma source(%dma_start3A_1778 : memref<1xf32, #tpu.memory_space<vmem>>) target(%arg6 : memref<1xf32, #tpu.memory_space<hbm>>) target_semaphore(%run_scoped3A : memref<!tpu.dma_semaphore, #tpu.memory_space<semaphore_mem>>)
        %dma_wait3A_1779 = arith.constant 144 : i32
        %dma_wait3A_1780 = tpu.memref_slice %arg10[%dma_wait3A_1779] : memref<160xf32, #tpu.memory_space<vmem>> -> memref<1xf32, #tpu.memory_space<vmem>>
        %dma_wait3A_1781 = arith.constant 144 : i32
        %dma_wait3A_1782 = tpu.memref_slice %arg10[%dma_wait3A_1781] : memref<160xf32, #tpu.memory_space<vmem>> -> memref<1xf32, #tpu.memory_space<vmem>>
        tpu.wait_dma2 semaphore(%run_scoped3A : memref<!tpu.dma_semaphore, #tpu.memory_space<semaphore_mem>>) src(%dma_wait3A_1782 : memref<1xf32, #tpu.memory_space<vmem>>) dst(%arg6 : memref<1xf32, #tpu.memory_space<hbm>>)
        tpu.yield
      }) : () -> ()
    } else {
    }
    return
  }
}

</mosaic_0001>

<sc_bundles>
// kernel: kernel.3.cloned.1.call-start
scs
__scs_entry_jumppad:
0x0: {  	(pc) =	sbr.rel $0x88, $3  }
0x1: {  	(tag) =	ssettag $0x0;
	lr =	simm.s32 $0x1  }
0x2: {  	[smem:$0x3F9A] =	sst lr;
	_ =	strace $0xD0000000  }
0x3: {  	_ = 	snop  }
0x4: {  	_ = 	snop  }
0x5: {  	_ = 	snop  }
0x6: {  	_ = 	snop  }
0x7: {  	_ = 	snop  }
__scs_overlays_trampoline_lowered:
0x8: {  	[smem:$0x3FA9] =	sst s0  }
0x9: {  	[smem:$0x3FAA] =	sst s1  }
0xa: {  	[smem:$0x3FAB] =	sst s2  }
0xb: {  	[smem:$0x3FAC] =	sst s3  }
0xc: {  	[smem:$0x3FAD] =	sst s4  }
0xd: {  	[smem:$0x3FAE] =	sst s5  }
0xe: {  	[smem:$0x3FAF] =	sst s6  }
0xf: {  	[smem:$0x3FB0] =	sst s7  }
0x10: {  	[smem:$0x3FB1] =	sst s8  }
0x11: {  	[smem:$0x3FB2] =	sst s9;
	s0 =	simm.s32 @!p0 $0x0  }
0x12: {  	s1 =	sld [smem:$0x3F98];
	s0 =	simm.s32 @p0 $0x1  }
0x13: {  	[smem:$0x3FB3] =	sst s0;
	s0 =	simm.s32 @!p1 $0x0  }
0x14: {  	s2 =	sld [smem:$0x3F97];
	s0 =	simm.s32 @p1 $0x1  }
0x15: {  	[smem:$0x3FB4] =	sst s0;
	s0 =	simm.s32 @!p2 $0x0  }
0x16: {  	s3 =	sld [smem:$0x3FDB];
	s0 =	simm.s32 @p2 $0x1  }
0x17: {  	s4 =	simm.s32 $0x1BF5;
	[smem:$0x3FB6] =	sst s0  }
0x18: {  	s0 =	sld [smem:$0x3F99];
	_ =	swait.ge [sflag:s4], $0x0  }
0x19: {  	s7 =	sld [smem:$0x3F9A]  }
0x1a: {  	s8 =	sadd.s32 $0xFFFFE003, lr  }
0x1b: {  	s9 =	sadd.s32 $0xFFFFFEF7, lr;
	s5 =	simm.s32 $0xFFFFFFFF;
	p2 =	slt.u32 s8, $0xFFFFF086  }
0x1c: {  	p1 =	slt.u32 s9, $0xF7A;
	s5 =	simm.s32 @!p2 $0x0  }
0x1d: {  	s5 =	simm.s32 @p1 $0x1;
	p0 =	seq.s32 s7, s2  }
0x1e: {  	s7 =	smul.u32 @!p0 $0xF7A, s2;
	p2 =	seq.s32 @!p0 s5, $0x0  }
0x1f: {  	s9 =	smul.u32 $0xF7A, s1;
	s8 =	simm.s32 @!p0 $0x1BF5;
	p2 =	por !p2, p0  }
0x20: {  	[sflag:s8] =	ssyncset.s32 @!p0 $0xFFFFF086;
	s6 =	sadd.s32 @!p0 s3, s7;
	s7 =	simm.s32 @!p0 $0x108  }
0x21: {  	s3 =	sadd.s32 s3, s9;
	s6 =	sadd.s32 @!p0 $0x88, s6;
	s7 =	simm.s32 @p2 $0x1082  }
0x22: {  	[simem:s7], [sflag:s8] =	dma.local @!p0 [hbm:s6], $0xF7A  }
0x23: {  	s9 =	sor.u32 $0xD0000000, s2;
	s6 =	simm.s32 $0x108;
	_ =	swait.ge @!p0 [sflag:s8], $0x0  }
0x24: {  	s3 =	sadd.s32 $0x88, s3;
	s6 =	simm.s32 @!p1 $0x1082;
	[sflag:s4] =	ssyncset.s32 $0xFFFFF086  }
0x25: {  	[simem:s6], [sflag:s4] =	dma.local [hbm:s3], $0xF7A  }
0x26: {  	[smem:$0x3F9A] =	sst s1;
	(tag) =	ssettag s2;
	_ =	strace s9  }
0x27: {  	s1 =	sld [smem:$0x3FAA]  }
0x28: {  	s2 =	sld [smem:$0x3FAB]  }
0x29: {  	s4 =	sld [smem:$0x3FAD]  }
0x2a: {  	p0 =	seq.s32 s5, $0x0;
	s5 =	sld [smem:$0x3FAE]  }
0x2b: {  	s6 =	sld [smem:$0x3FAF]  }
0x2c: {  	s7 =	sld [smem:$0x3FB0]  }
0x2d: {  	s3 =	simm.s32 $0x108;
	s8 =	sld [smem:$0x3FB1]  }
0x2e: {  	s3 =	simm.s32 @!p0 $0x1082;
	s9 =	sld [smem:$0x3FB2]  }
0x2f: {  	lr =	sadd.s32 s0, s3;
	s0 =	sld [smem:$0x3FA9]  }
0x30: {  	s3 =	sld [smem:$0x3FAC]  }
0x31: {  	[smem:$0x3FB5] =	sst s10  }
0x32: {  	s10 =	sld [smem:$0x3FB3];
	_ =	sdelay $0x3  }
0x33: {  	p0 =	seq.s32 s10, $0x1;
	s10 =	sld [smem:$0x3FB5];
	_ =	sdelay $0x3  }
0x34: {  	[smem:$0x3FB5] =	sst s10  }
0x35: {  	s10 =	sld [smem:$0x3FB4];
	_ =	sdelay $0x3  }
0x36: {  	p1 =	seq.s32 s10, $0x1;
	s10 =	sld [smem:$0x3FB5];
	_ =	sdelay $0x3  }
0x37: {  	[smem:$0x3FB5] =	sst s10  }
0x38: {  	s10 =	sld [smem:$0x3FB6]  }
0x39: {  	_ = 	snop;
	(pc) =	sbr.ind lr, $3  }
0x3a: {  	_ = 	snop  }
0x3b: {  	_ = 	snop  }
0x3c: {  	p2 =	seq.s32 s10, $0x1;
	s10 =	sld [smem:$0x3FB5]  }
0x3d: {  	_ =	shalt  }
0x3e: {  	_ =	shalt  }
0x3f: {  	_ =	shalt  }
0x40: {  	_ =	shalt  }
0x41: {  	_ =	shalt  }
0x42: {  	_ =	shalt  }
0x43: {  	_ =	shalt  }
0x44: {  	_ =	shalt  }
0x45: {  	_ =	shalt  }
0x46: {  	_ =	shalt  }
0x47: {  	_ =	shalt  }
0x48: {  	_ =	shalt  }
0x49: {  	_ =	shalt  }
0x4a: {  	_ =	shalt  }
0x4b: {  	_ =	shalt  }
0x4c: {  	_ =	shalt  }
0x4d: {  	_ =	shalt  }
0x4e: {  	_ =	shalt  }
0x4f: {  	_ =	shalt  }
0x50: {  	_ =	shalt  }
0x51: {  	_ =	shalt  }
0x52: {  	_ =	shalt  }
0x53: {  	_ =	shalt  }
0x54: {  	_ =	shalt  }
0x55: {  	_ =	shalt  }
0x56: {  	_ =	shalt  }
0x57: {  	_ =	shalt  }
0x58: {  	_ =	shalt  }
0x59: {  	_ =	shalt  }
0x5a: {  	_ =	shalt  }
0x5b: {  	_ =	shalt  }
0x5c: {  	_ =	shalt  }
0x5d: {  	_ =	shalt  }
0x5e: {  	_ =	shalt  }
0x5f: {  	_ =	shalt  }
0x60: {  	_ =	shalt  }
0x61: {  	_ =	shalt  }
0x62: {  	_ =	shalt  }
0x63: {  	_ =	shalt  }
0x64: {  	_ =	shalt  }
0x65: {  	_ =	shalt  }
0x66: {  	_ =	shalt  }
0x67: {  	_ =	shalt  }
0x68: {  	_ =	shalt  }
0x69: {  	_ =	shalt  }
0x6a: {  	_ =	shalt  }
0x6b: {  	_ =	shalt  }
0x6c: {  	_ =	shalt  }
0x6d: {  	_ =	shalt  }
0x6e: {  	_ =	shalt  }
0x6f: {  	_ =	shalt  }
0x70: {  	_ =	shalt  }
0x71: {  	_ =	shalt  }
0x72: {  	_ =	shalt  }
0x73: {  	_ =	shalt  }
0x74: {  	_ =	shalt  }
0x75: {  	_ =	shalt  }
0x76: {  	_ =	shalt  }
0x77: {  	_ =	shalt  }
0x78: {  	_ =	shalt  }
0x79: {  	_ =	shalt  }
0x7a: {  	_ =	shalt  }
0x7b: {  	_ =	shalt  }
0x7c: {  	_ =	shalt  }
0x7d: {  	_ =	shalt  }
0x7e: {  	_ =	shalt  }
0x7f: {  	_ =	shalt  }
0x80: {  	_ =	shalt  }
0x81: {  	_ =	shalt  }
0x82: {  	_ =	shalt  }
0x83: {  	_ =	shalt  }
0x84: {  	_ =	shalt  }
0x85: {  	_ =	shalt  }
0x86: {  	_ =	shalt  }
0x87: {  	_ =	shalt  }
.Lfunc_end0:
.L_simem_size_0:
called_computation_lowered:
.L_overlay_start_0:
0x88: {  	s0 =	sld [smem:$0x3FD9]  }
0x89: {  	s1 =	sld [smem:$0x3FFE];
	_ =	sdelay $0x3  }
0x8a: {  	s0 =	sadd.s32 s1, s0  }
0x8b: {  	[smem:$0x3FC1] =	sst s0  }
0x8c: {  	_ = 	snop  }
0x8d: {  	s0 =	sld [smem:$0x3FC9]  }
0x8e: {  	s16 =	sld [smem:$0x3FC8]  }
0x8f: {  	s2 =	sld [smem:$0x3FC7]  }
0x90: {  	s3 =	sld [smem:$0x3FD0];
	(tm) =	ssettm $0x1  }
0x91: {  	s4 =	sld [smem:$0x3FFB];
	_ =	sdelay $0x3  }
0x92: {  	_ =	strace s4  }
0x93: {  	s4 =	sld [smem:$0x3FFC];
	_ =	sdelay $0x3  }
0x94: {  	_ =	strace s4  }
0x95: {  	s4 =	sld [smem:$0x3FFD];
	_ =	sdelay $0x3  }
0x96: {  	_ =	strace s4  }
0x97: {  	_ =	strace $0x8FFFFFFF  }
0x98: {  	s17 =	sld [smem:$0x3FDB];
	_ =	sdelay $0x1  }
0x99: {  	s5 =	simm.s32 $_scs_section_size  }
0x9a: {  	s6 =	simm.s32 $_size__tile_overlayer_lowered;
	s7 =	simm.s32 $_tile_overlayer_lowered  }
0x9b: {  	s20 =	simm.s32 $0x1BFF;
	s19 =	sshll.u32 s7, $0x1;
	s4 =	sadd.s32 s5, s17  }
0x9c: {  	s8 =	simm.s32 $0x0;
	s18 =	sshll.u32 s6, $0x1;
	s6 =	sadd.s32 s19, s4  }
0x9d: {  	[timem:s8], [sflag:s20] =	dma.local [hbm:s6], s18  }
0x9e: {  	_ =	swait.ge [sflag:s20], s18  }
0x9f: {  	s5 =	ssub.s32 $0x0, s18;
	[sflag:s20] =	ssyncset.done $0x0  }
0xa0: {  	[sflag:s20] =	ssyncadd.s32 s5;
	_ =	sdelay $0x1  }
0xa1: {  	s21 =	simm.s32 $0x1B8B  }
0xa2: {  	_ =	swait.ge [sflag:s21], $0x1  }
0xa3: {  	[sflag:s21] =	ssyncset.done $0x0  }
0xa4: {  	s23 =	simm.s32 $0x1B8E;
	s22 =	sld [smem:$0x3FFE];
	[sflag:s21] =	ssyncadd.s32 $0xFFFFFFFF  }
0xa5: {  	s24 =	simm.s32 $execute0_lowered;
	[smem:$0x3FD2] =	sst s23  }
0xa6: {  	s6 =	sshll.u32 s24, $0x1;
	_ =	strace $0x80000046;
	[dreg:$0x1] =	wrdreg $0xFFFFFFFF  }
0xa7: {  	s25 =	simm.s32 $_size_execute0_lowered;
	s4 =	sadd.s32 s4, s6;
	[dreg:$0x0] =	wrdreg $0x0  }
0xa8: {  	s6 =	sshll.u32 s25, $0x1;
	[dreg:$0x2] =	wrdreg s4  }
0xa9: {  	[dreg:$0x3] =	wrdreg s6  }
0xaa: {  	[dreg:$0x4] =	wrdreg $0xC0  }
0xab: {  	_ =	task [dreg:s8], $0x5FFFF  }
0xac: {  	[dreg:$0x1] =	wrdreg $0xFFFFFFFF  }
0xad: {  	[dreg:$0x0] =	wrdreg $0x60  }
0xae: {  	[dreg:$0x2] =	wrdreg s0  }
0xaf: {  	[dreg:$0x3] =	wrdreg s16  }
0xb0: {  	[dreg:$0x4] =	wrdreg s2  }
0xb1: {  	[dreg:$0x5] =	wrdreg s22  }
0xb2: {  	[dreg:$0x6] =	wrdreg s3  }
0xb3: {  	[dreg:$0x7] =	wrdreg $0xC000  }
0xb4: {  	[dreg:$0x8] =	wrdreg $0x9  }
0xb5: {  	_ =	task.clear_ibuf [dreg:s8], $0x9FFFF;
	_ =	strace $0x90000046  }
0xb6: {  	s26 =	simm.s32 $0x9;
	_ =	strace $0x80000048  }
0xb7: {  	_ =	swait.ge [sflag:s26], $0x1  }
0xb8: {  	[sflag:s26] =	ssyncadd.s32 $0xFFFFFFFF  }
0xb9: {  	_ =	strace $0x90000048  }
0xba: {  	_ =	sfence  }
0xbb: {  	s28 =	sld [smem:$0x0];
	_ =	sdelay $0x1  }
0xbc: {  	s29 =	srdreg.scid  }
0xbd: {  	s30 =	sshll.u32 s29, $0xD;
	s31 =	sshrl.u32 s29, $0x2  }
0xbe: {  	s1 =	sand.u32 $0x1, s29;
	s2 =	sand.u32 $0x4000, s30;
	s0 =	sadd.s32 s31, s28  }
0xbf: {  	s1 =	sor.u32 s2, s1;
	s0 =	sshll.u32 s0, $0x11  }
0xc0: {  	s0 =	sor.u32 s0, s1  }
0xc1: {  	s0 =	sadd.s32 $0x8F2B, s0  }
0xc2: {  	[sflag:s0] =	ssyncadd.remote.s32 $0x1  }
0xc3: {  	_ =	sfence.sel $0xFFFF  }
0xc4: {  	[dreg:$0x0] =	wrdreg $0xFFFFFFFF;
	(pc) =	sbr.abs _section_cstart, $3  }
0xc5: {  	[dreg:$0x1] =	wrdreg $0xFFFFFFFF  }
0xc6: {  	_ =	task.clear_ibuf [dreg:s8], $0x2FFFF;
	_ =	strace $0x9FFFFFFF  }
0xc7: {  	(tm) =	ssettm $0x7FFFFFFF  }
tec
execute0_lowered:
.L_overlay_start_1:
0x0: {  	(tag) =	ssettag $0x1  }
0x1: {  	s8 =	rddreg [dreg:$0x0]  }
0x2: {  	s6 =	rddreg [dreg:$0x1]  }
0x3: {  	s4 =	rddreg [dreg:$0x2]  }
0x4: {  	s5 =	rddreg [dreg:$0x3]  }
0x5: {  	s1 =	rddreg [dreg:$0x4]  }
0x6: {  	s2 =	rddreg [dreg:$0x5];
	s3 =	stileid.u32  }
0x7: {  	s0 =	rddreg [dreg:$0x6];
	s7 =	simm.s32 $0x0;
	s9 =	sshll.u32 s3, $0x6  }
0x8: {  	s14 =	simm.s32 $0x200;
	[smem:$0x7FF] =	sst s7;
	s5 =	sadd.s32 s9, s5  }
0x9: {  	s10 =	simm.s32 $0x2000;
	_ =	strace $0x80000047;
	s5 =	sadd.s32 $0x400, s5  }
0xa: {  	[tilespmem:s7], [sflag:$0x2] =	stream.strided.gather [hbm4b:s5+s14], $0x0, s10, s14, $0x38;
	[tilespmem:$0xC08] =	vst v63  }
0xb: {  	s15 =	simm.s32 $0x2  }
0xc: {  	[tilespmem:s7], [sflag:$0x2] =	stream.linear.gather [hbm4b:s5+s7], $0x180, $0x38;
	[tilespmem:$0xC08] =	vst v63  }
0xd: {  	_ =	swait.ge [sflag:s15], $0x180  }
0xe: {  	[sflag:s15] =	ssyncset.done $0x0  }
0xf: {  	[sflag:s15] =	ssyncadd.s32 $0xFFFFFE80  }
0x10: {  	v0 =	vld [tilespmem:$0x0]  }
0x11: {  	v1 =	vld [tilespmem:$0x10]  }
0x12: {  	v2 =	vld [tilespmem:$0x20]  }
0x13: {  	v3 =	vld [tilespmem:$0x30]  }
0x14: {  	v40 =	vld [tilespmem:$0x60]  }
0x15: {  	s16 =	sshll.u32 s3, $0xF;
	v0 =	vand.u32 $0x7FFF, v0  }
0x16: {  	v36 =	vld [tilespmem:$0x40];
	v1 =	vand.u32 $0x7FFF, v1;
	v0 =	vor.u32 s16, v0  }
0x17: {  	v38 =	vld [tilespmem:$0x50];
	v2 =	vand.u32 $0x7FFF, v2;
	v35 =	vor.u32 s16, v1;
	[tilespmem:$0x200] =	vst v0  }
0x18: {  	v3 =	vand.u32 $0x7FFF, v3;
	v37 =	vor.u32 s16, v2;
	[tilespmem:$0x210] =	vst v35  }
0x19: {  	v42 =	vld [tilespmem:$0x70];
	v44 =	vand.u32 $0x7FFF, v40;
	v39 =	vor.u32 s16, v3;
	[tilespmem:$0x220] =	vst v37  }
0x1a: {  	v45 =	vor.u32 s16, v44;
	[tilespmem:$0x230] =	vst v39  }
0x1b: {  	v1 =	vand.u32 $0x7FFF, v36;
	v0 =	vadd.s32 $0x4000, v0;
	[tilespmem:$0x260] =	vst v45  }
0x1c: {  	v2 =	vand.u32 $0x7FFF, v38;
	v41 =	vor.u32 s16, v1;
	[tilespmem:$0x280] =	vst v0  }
0x1d: {  	v43 =	vor.u32 s16, v2;
	[tilespmem:$0x240] =	vst v41  }
0x1e: {  	v1 =	vand.u32 $0x7FFF, v42;
	v0 =	vadd.s32 $0x4000, v35;
	[tilespmem:$0x250] =	vst v43  }
0x1f: {  	v46 =	vor.u32 s16, v1;
	[tilespmem:$0x290] =	vst v0  }
0x20: {  	v0 =	vadd.s32 $0x4000, v37;
	[tilespmem:$0x270] =	vst v46  }
0x21: {  	[tilespmem:$0x2A0] =	vst v0;
	v0 =	vadd.s32 $0x4000, v39  }
0x22: {  	[tilespmem:$0x2B0] =	vst v0;
	v0 =	vadd.s32 $0x4000, v41  }
0x23: {  	[tilespmem:$0x2C0] =	vst v0;
	v0 =	vadd.s32 $0x4000, v43  }
0x24: {  	[tilespmem:$0x2D0] =	vst v0;
	v0 =	vadd.s32 $0x4000, v45  }
0x25: {  	[tilespmem:$0x2E0] =	vst v0;
	v0 =	vadd.s32 $0x4000, v46  }
0x26: {  	s17 =	simm.s32 $0x80;
	s18 =	simm.s32 $0x600;
	[tilespmem:$0x2F0] =	vst v0  }
0x27: {  	[tilespmem:s18], [sflag:$0x1] =	stream.indirect.gather [hbm4b:s8+s17], $0x1, s14, s17, $0xb8;
	[tilespmem:$0xC08] =	vst v63  }
0x28: {  	s19 =	simm.s32 $0x280;
	s20 =	simm.s32 $0x680  }
0x29: {  	[tilespmem:s20], [sflag:$0x1] =	stream.indirect.gather [hbm4b:s8+s17], $0x1, s19, s17, $0xb8;
	[tilespmem:$0xC08] =	vst v63  }
0x2a: {  	v47 =	vld [tilespmem:$0x80];
	_ =	sdelay $0x1  }
0x2b: {  	v48 =	vld [tilespmem:$0x90];
	_ =	sdelay $0x1  }
0x2c: {  	v49 =	vmov s16;
	v50 =	vld [tilespmem:$0xA0]  }
0x2d: {  	v2 =	vor.u32 $0x4000, v49;
	v4 =	vadd.s32 s16, v47  }
0x2e: {  	v51 =	vld [tilespmem:$0xB0];
	v0 =	vadd.s32 v2, v47;
	[tilespmem:$0x300] =	vst v4  }
0x2f: {  	v52 =	vadd.s32 s16, v48;
	[tilespmem:$0x380] =	vst v0  }
0x30: {  	v54 =	vld [tilespmem:$0xC0];
	v53 =	vadd.s32 v2, v48;
	[tilespmem:$0x310] =	vst v52  }
0x31: {  	v55 =	vadd.s32 s16, v50;
	[tilespmem:$0x390] =	vst v53  }
0x32: {  	v57 =	vld [tilespmem:$0xD0];
	v56 =	vadd.s32 v2, v50;
	[tilespmem:$0x320] =	vst v55  }
0x33: {  	v58 =	vadd.s32 s16, v51;
	[tilespmem:$0x3A0] =	vst v56  }
0x34: {  	v60 =	vld [tilespmem:$0xE0];
	v59 =	vadd.s32 v2, v51;
	[tilespmem:$0x330] =	vst v58  }
0x35: {  	v61 =	vadd.s32 s16, v54;
	[tilespmem:$0x3B0] =	vst v59  }
0x36: {  	v63 =	vld [tilespmem:$0xF0];
	v62 =	vadd.s32 v2, v54;
	[tilespmem:$0x340] =	vst v61  }
0x37: {  	v5 =	vadd.s32 s16, v57;
	[tilespmem:$0x3C0] =	vst v62  }
0x38: {  	v6 =	vadd.s32 v2, v57;
	[tilespmem:$0x350] =	vst v5  }
0x39: {  	v7 =	vadd.s32 s16, v60;
	[tilespmem:$0x3D0] =	vst v6  }
0x3a: {  	v8 =	vadd.s32 v2, v60;
	[tilespmem:$0x360] =	vst v7  }
0x3b: {  	v9 =	vadd.s32 s16, v63;
	[tilespmem:$0x3E0] =	vst v8  }
0x3c: {  	v10 =	vadd.s32 v2, v63;
	[tilespmem:$0x370] =	vst v9  }
0x3d: {  	s21 =	simm.s32 $0x300;
	s22 =	simm.s32 $0x700;
	[tilespmem:$0x3F0] =	vst v10  }
0x3e: {  	[tilespmem:s22], [sflag:$0x1] =	stream.indirect.gather [hbm4b:s6+s17], $0x1, s21, s17, $0xb8;
	[tilespmem:$0xC08] =	vst v63  }
0x3f: {  	s23 =	simm.s32 $0x380;
	s24 =	simm.s32 $0x780  }
0x40: {  	[tilespmem:s24], [sflag:$0x1] =	stream.indirect.gather [hbm4b:s6+s17], $0x1, s23, s17, $0xb8;
	[tilespmem:$0xC08] =	vst v63  }
0x41: {  	v11 =	vld [tilespmem:$0x100];
	_ =	sdelay $0x1  }
0x42: {  	v12 =	vld [tilespmem:$0x110];
	_ =	sdelay $0x1  }
0x43: {  	v13 =	vld [tilespmem:$0x120]  }
0x44: {  	v14 =	vadd.s32 s16, v11  }
0x45: {  	v15 =	vld [tilespmem:$0x130];
	v0 =	vadd.s32 v2, v11;
	[tilespmem:$0x400] =	vst v14  }
0x46: {  	v16 =	vadd.s32 s16, v12;
	[tilespmem:$0x480] =	vst v0  }
0x47: {  	v18 =	vld [tilespmem:$0x140];
	v17 =	vadd.s32 v2, v12;
	[tilespmem:$0x410] =	vst v16  }
0x48: {  	v19 =	vadd.s32 s16, v13;
	[tilespmem:$0x490] =	vst v17  }
0x49: {  	v21 =	vld [tilespmem:$0x150];
	v20 =	vadd.s32 v2, v13;
	[tilespmem:$0x420] =	vst v19  }
0x4a: {  	v22 =	vadd.s32 s16, v15;
	[tilespmem:$0x4A0] =	vst v20  }
0x4b: {  	v24 =	vld [tilespmem:$0x160];
	v23 =	vadd.s32 v2, v15;
	[tilespmem:$0x430] =	vst v22  }
0x4c: {  	v25 =	vadd.s32 s16, v18;
	[tilespmem:$0x4B0] =	vst v23  }
0x4d: {  	v27 =	vld [tilespmem:$0x170];
	v26 =	vadd.s32 v2, v18;
	[tilespmem:$0x440] =	vst v25  }
0x4e: {  	v28 =	vadd.s32 s16, v21;
	[tilespmem:$0x4C0] =	vst v26  }
0x4f: {  	v29 =	vadd.s32 v2, v21;
	[tilespmem:$0x450] =	vst v28  }
0x50: {  	v30 =	vadd.s32 s16, v24;
	[tilespmem:$0x4D0] =	vst v29  }
0x51: {  	v31 =	vadd.s32 v2, v24;
	[tilespmem:$0x460] =	vst v30  }
0x52: {  	v32 =	vadd.s32 s16, v27;
	[tilespmem:$0x4E0] =	vst v31  }
0x53: {  	v33 =	vadd.s32 v2, v27;
	[tilespmem:$0x470] =	vst v32  }
0x54: {  	s25 =	simm.s32 $0x400;
	s26 =	simm.s32 $0x800;
	[tilespmem:$0x4F0] =	vst v33  }
0x55: {  	[tilespmem:s26], [sflag:$0x1] =	stream.indirect.gather [hbm4b:s4+s17], $0x1, s25, s17, $0xb8;
	[tilespmem:$0xC08] =	vst v63  }
0x56: {  	s28 =	simm.s32 $0x480;
	s29 =	simm.s32 $0x880;
	s30 =	simm.s32 $0x1  }
0x57: {  	[tilespmem:s29], [sflag:$0x1] =	stream.indirect.gather [hbm4b:s4+s17], $0x1, s28, s17, $0xb8;
	[tilespmem:$0xC08] =	vst v63  }
0x58: {  	_ =	swait.ge [sflag:s30], $0x80  }
0x59: {  	[sflag:s30] =	ssyncset.done $0x0  }
0x5a: {  	[sflag:s30] =	ssyncadd.s32 $0xFFFFFF80  }
0x5b: {  	_ =	swait.ge [sflag:s30], $0x80  }
0x5c: {  	[sflag:s30] =	ssyncset.done $0x0  }
0x5d: {  	[sflag:s30] =	ssyncadd.s32 $0xFFFFFF80  }
0x5e: {  	_ =	swait.ge [sflag:s30], $0x80  }
0x5f: {  	[sflag:s30] =	ssyncset.done $0x0  }
0x60: {  	[sflag:s30] =	ssyncadd.s32 $0xFFFFFF80  }
0x61: {  	_ =	swait.ge [sflag:s30], $0x80  }
0x62: {  	[sflag:s30] =	ssyncset.done $0x0  }
0x63: {  	[sflag:s30] =	ssyncadd.s32 $0xFFFFFF80  }
0x64: {  	_ =	swait.ge [sflag:s30], $0x80  }
0x65: {  	[sflag:s30] =	ssyncset.done $0x0  }
0x66: {  	[sflag:s30] =	ssyncadd.s32 $0xFFFFFF80  }
0x67: {  	_ =	swait.ge [sflag:s30], $0x80  }
0x68: {  	[sflag:s30] =	ssyncset.done $0x0  }
0x69: {  	[sflag:s30] =	ssyncadd.s32 $0xFFFFFF80  }
0x6a: {  	v34 =	vld [tilespmem:$0x0]  }
0x6b: {  	v35 =	vld [tilespmem:$0x80]  }
0x6c: {  	v36 =	vld [tilespmem:$0x100]  }
0x6d: {  	v37 =	vld [tilespmem:$0x600]  }
0x6e: {  	v4 =	vld [tilespmem:$0x10]  }
0x6f: {  	v42 =	vld [tilespmem:$0x90]  }
0x70: {  	v43 =	vld [tilespmem:$0x110]  }
0x71: {  	v60 =	vld [tilespmem:$0xA0]  }
0x72: {  	v62 =	vld [tilespmem:$0x120]  }
0x73: {  	v38 =	vld [tilespmem:$0x700];
	v6 =	vand.u32 $0x7F, v34  }
0x74: {  	v5 =	vld [tilespmem:$0x780];
	v8 =	vand.u32 $0x7F, v35;
	v10 =	vshrl.u32 v34, $0x7;
	v0 =	vshrl.u32 v35, $0x7  }
0x75: {  	v7 =	vld [tilespmem:$0x800];
	v12 =	vand.u32 $0x7F, v36;
	v2 =	vshrl.u32 v36, $0x7;
	v49 =	vand.u32 $0x7F, v4  }
0x76: {  	v9 =	vld [tilespmem:$0x880];
	v51 =	vand.u32 $0x7F, v42;
	v17 =	vshrl.u32 v4, $0x7;
	v19 =	vand.u32 $0x7F, v43  }
0x77: {  	v11 =	vld [tilespmem:$0x680];
	v1 =	vshrl.u32 v34, $0xF;
	v28 =	vand.u32 $0x7F, v60;
	v29 =	vand.u32 $0x7F, v62  }
0x78: {  	v50 =	vld [tilespmem:$0x810];
	v4 =	vshrl.u32 v4, $0xF;
	v6 =	vcvt.s32.f32 v6;
	v8 =	vcvt.s32.f32 v8  }
0x79: {  	v18 =	vld [tilespmem:$0x690];
	v0 =	vcvt.s32.f32 v0;
	v10 =	vand.u32 $0xFF, v10;
	v12 =	vcvt.s32.f32 v12  }
0x7a: {  	v2 =	vcvt.s32.f32 v2;
	v17 =	vand.u32 $0xFF, v17;
	v19 =	vcvt.s32.f32 v19  }
0x7b: {  	v10 =	vcvt.s32.f32 v10;
	v8 =	vadd.f32 v8, v38;
	v0 =	vadd.f32 v0, v5  }
0x7c: {  	v44 =	vld [tilespmem:$0x610];
	v17 =	vcvt.s32.f32 v17;
	v39 =	vadd.f32 v12, v7;
	v2 =	vadd.f32 v2, v9  }
0x7d: {  	v25 =	vld [tilespmem:$0x820];
	v28 =	vcvt.s32.f32 v28;
	v40 =	vadd.f32 v6, v37;
	v9 =	vadd.f32 v19, v50  }
0x7e: {  	v14 =	vld [tilespmem:$0x790];
	v29 =	vcvt.s32.f32 v29;
	v41 =	vadd.f32 v10, v11;
	v52 =	vadd.f32 v17, v18  }
0x7f: {  	v16 =	vld [tilespmem:$0x890];
	v10 =	vshrl.u32 v42, $0x7;
	v6 =	vsub.f32 v8, v39;
	v3 =	vsub.f32 v0, v2  }
0x80: {  	v7 =	vsub.f32 v8, v40;
	v8 =	vcvt.s32.f32 v49;
	v2 =	vshrl.u32 v43, $0x7  }
0x81: {  	v10 =	vcvt.s32.f32 v10;
	v39 =	vld [tilespmem:$0x130];
	v5 =	vsub.f32 v0, v41;
	v2 =	vcvt.s32.f32 v2  }
0x82: {  	v41 =	vadd.f32 v29, v25;
	v45 =	vmul.f32 v6, v6;
	v46 =	vmul.f32 v3, v3  }
0x83: {  	v47 =	vld [tilespmem:$0x710];
	v48 =	vmul.f32 v7, v7;
	v10 =	vadd.f32 v10, v14;
	v13 =	vmul.f32 v5, v5  }
0x84: {  	v30 =	vld [tilespmem:$0xB0];
	v0 =	vadd.f32 v8, v44;
	v6 =	vmul.f32 v6, v7;
	v2 =	vadd.f32 v2, v16  }
0x85: {  	v3 =	vmul.f32 v3, v5;
	v15 =	vadd.f32 v46, v45;
	v12 =	vadd.f32 v13, v48  }
0x86: {  	v13 =	vcvt.s32.f32 v51;
	v8 =	vsub.f32 v10, v2;
	v32 =	vand.u32 $0x7F, v39  }
0x87: {  	v10 =	vsub.f32 v10, v52;
	v2 =	vcvt.s32.f32 v1;
	v1 =	vld [tilespmem:$0x30];
	v32 =	vcvt.s32.f32 v32  }
0x88: {  	v11 =	vadd.f32 v13, v47;
	v53 =	vmul.f32 v15, v12;
	v55 =	vmul.f32 v8, v8  }
0x89: {  	v43 =	vld [tilespmem:$0x7B0];
	v14 =	vmul.f32 v10, v10;
	v47 =	vand.u32 $0x7F, v30;
	v30 =	vshrl.u32 v30, $0x7  }
0x8a: {  	v6 =	vadd.f32 v3, v6;
	v8 =	vmul.f32 v8, v10;
	v30 =	vcvt.s32.f32 v30  }
0x8b: {  	v9 =	vsub.f32 v11, v9;
	v13 =	vsub.f32 v11, v0;
	v15 =	vshrl.u32 v53, $0x1  }
0x8c: {  	v16 =	vmul.f32 $5.000000000e-01, v53;
	v57 =	vsub.s32 $0x5F3759DF, v15;
	v44 =	vand.u32 $0x7F, v1  }
0x8d: {  	v31 =	vld [tilespmem:$0x6B0];
	v49 =	vshrl.u32 v1, $0x7;
	v54 =	vmul.f32 v9, v9;
	v56 =	vmul.f32 v13, v13  }
0x8e: {  	v36 =	vld [tilespmem:$0x7A0];
	v50 =	vadd.f32 v30, v43;
	v59 =	vmul.f32 v57, v16;
	v46 =	vcvt.s32.f32 v44  }
0x8f: {  	v29 =	vand.u32 $0xFF, v49;
	v9 =	vmul.f32 v9, v13;
	v0 =	vadd.f32 v55, v54  }
0x90: {  	v34 =	vld [tilespmem:$0x720];
	v58 =	vadd.f32 v14, v56;
	v12 =	vmul.f32 v57, v59;
	v14 =	vshrl.u32 v60, $0x7  }
0x91: {  	v45 =	vld [tilespmem:$0x830];
	v1 =	vshrl.u32 v1, $0xF;
	v29 =	vcvt.s32.f32 v29;
	v14 =	vcvt.s32.f32 v14  }
0x92: {  	v8 =	vadd.f32 v8, v9;
	v11 =	vmul.f32 v0, v58;
	v0 =	vld [tilespmem:$0x20];
	v12 =	vsub.f32 $1.500000000e+00, v12  }
0x93: {  	v1 =	vcvt.s32.f32 v1;
	v53 =	vadd.f32 v29, v31;
	v14 =	vadd.f32 v14, v36  }
0x94: {  	v61 =	vshrl.u32 v11, $0x1;
	v17 =	vmul.f32 $5.000000000e-01, v11;
	v21 =	vmul.f32 v57, v12  }
0x95: {  	v38 =	vld [tilespmem:$0x8A0];
	v11 =	vshrl.u32 v62, $0x7;
	v12 =	vadd.f32 v28, v34;
	v15 =	vsub.s32 $0x5F3759DF, v61  }
0x96: {  	v63 =	vld [tilespmem:$0x620];
	v28 =	vadd.f32 v32, v45;
	v11 =	vcvt.s32.f32 v11;
	v33 =	vmul.f32 v15, v17  }
0x97: {  	v20 =	vld [tilespmem:$0x6A0];
	v22 =	vmul.f32 v21, v16;
	v19 =	vsub.f32 v12, v41;
	v23 =	vand.u32 $0x7F, v0  }
0x98: {  	v24 =	vshrl.u32 v0, $0x7;
	v0 =	vshrl.u32 v0, $0xF;
	v35 =	vmul.f32 v15, v33  }
0x99: {  	v23 =	vcvt.s32.f32 v23;
	v37 =	vand.u32 $0xFF, v24;
	v22 =	vmul.f32 v22, v21  }
0x9a: {  	v48 =	vld [tilespmem:$0x8B0];
	v24 =	vadd.f32 v11, v38;
	v51 =	vmul.f32 v19, v19;
	v27 =	vcvt.s32.f32 v37  }
0x9b: {  	v40 =	vld [tilespmem:$0x630];
	v0 =	vcvt.s32.f32 v0;
	v26 =	vsub.f32 $1.500000000e+00, v35;
	v18 =	vadd.f32 v23, v63  }
0x9c: {  	v42 =	vld [tilespmem:$0x730];
	v23 =	vshrl.u32 v39, $0x7;
	v22 =	vsub.f32 $1.500000000e+00, v22;
	v20 =	vadd.f32 v27, v20  }
0x9d: {  	v23 =	vcvt.s32.f32 v23;
	v18 =	vsub.f32 v12, v18;
	v12 =	vsub.f32 v14, v24  }
0x9e: {  	v15 =	vmul.f32 v15, v26;
	v21 =	vmul.f32 v22, v21;
	v11 =	vsub.f32 v14, v20  }
0x9f: {  	v3 =	vld [tilespmem:$0x40];
	v20 =	vcvt.s32.f32 v47;
	v23 =	vadd.f32 v23, v48;
	v52 =	vmul.f32 v12, v12  }
0xa0: {  	v14 =	vadd.f32 v46, v40;
	v54 =	vmul.f32 v18, v18;
	v33 =	vmul.f32 v15, v17  }
0xa1: {  	v16 =	vmul.f32 v21, v16;
	v18 =	vmul.f32 v19, v18;
	v20 =	vadd.f32 v20, v42  }
0xa2: {  	v23 =	vsub.f32 v50, v23;
	v55 =	vmul.f32 v11, v11;
	v24 =	vadd.f32 v52, v51  }
0xa3: {  	v63 =	vmul.f32 v33, v15;
	v16 =	vmul.f32 v16, v21;
	v28 =	vsub.f32 v20, v28  }
0xa4: {  	v51 =	vand.u32 $0x7F, v3;
	v14 =	vsub.f32 v20, v14;
	v20 =	vsub.f32 v50, v53  }
0xa5: {  	v57 =	vmul.f32 v23, v23;
	v60 =	vadd.f32 v55, v54;
	v53 =	vcvt.s32.f32 v51  }
0xa6: {  	v44 =	vld [tilespmem:$0x140];
	v30 =	vsub.f32 $1.500000000e+00, v63;
	v56 =	vmul.f32 v28, v28;
	v58 =	vmul.f32 v14, v14  }
0xa7: {  	v16 =	vsub.f32 $1.500000000e+00, v16;
	v59 =	vmul.f32 v20, v20;
	v24 =	vmul.f32 v24, v60  }
0xa8: {  	v20 =	vmul.f32 v23, v20;
	v34 =	vmul.f32 v30, v15;
	v61 =	vadd.f32 v57, v56  }
0xa9: {  	v62 =	vadd.f32 v59, v58;
	v31 =	vshrl.u32 v24, $0x1;
	v24 =	vmul.f32 $5.000000000e-01, v24  }
0xaa: {  	v40 =	vmul.f32 v16, v21;
	v25 =	vsub.s32 $0x5F3759DF, v31;
	v17 =	vmul.f32 v34, v17  }
0xab: {  	v43 =	vld [tilespmem:$0xC0];
	v16 =	vshrl.u32 v44, $0x7;
	v7 =	vmul.f32 v61, v62;
	v35 =	vmul.f32 v25, v24  }
0xac: {  	v58 =	vand.u32 $0x7F, v44;
	v16 =	vcvt.s32.f32 v16;
	v37 =	vmul.f32 v17, v34  }
0xad: {  	v55 =	vld [tilespmem:$0x8C0];
	v32 =	vshrl.u32 v7, $0x1;
	v33 =	vmul.f32 $5.000000000e-01, v7;
	v15 =	vmul.f32 v25, v35  }
0xae: {  	v44 =	vmul.f32 v28, v14;
	v36 =	vsub.s32 $0x5F3759DF, v32;
	v5 =	vsub.f32 $1.500000000e+00, v37  }
0xaf: {  	v52 =	vld [tilespmem:$0x840];
	v6 =	vmul.f32 v40, v6;
	v26 =	vmul.f32 v36, v33;
	v15 =	vsub.f32 $1.500000000e+00, v15  }
0xb0: {  	v54 =	vand.u32 $0x7F, v43;
	v29 =	vcvt.s32.f32 v58;
	v5 =	vmul.f32 v5, v34  }
0xb1: {  	v49 =	vld [tilespmem:$0x7C0];
	v56 =	vshrl.u32 v3, $0x7;
	v26 =	vmul.f32 v36, v26;
	v39 =	vmul.f32 v25, v15  }
0xb2: {  	v46 =	vld [tilespmem:$0x640];
	v60 =	vadd.f32 v16, v55;
	v6 =	vand.u32 $0x7FFFFFFF, v6;
	v15 =	vshrl.u32 v43, $0x7  }
0xb3: {  	v48 =	vld [tilespmem:$0x740];
	v8 =	vmul.f32 v5, v8;
	v38 =	vsub.f32 $1.500000000e+00, v26;
	v41 =	vmul.f32 v39, v24  }
0xb4: {  	v57 =	vld [tilespmem:$0x6C0];
	v10 =	vadd.f32 v29, v52;
	v5 =	vcvt.s32.f32 v4;
	v15 =	vcvt.s32.f32 v15  }
0xb5: {  	v8 =	vand.u32 $0x7FFFFFFF, v8;
	v13 =	vmul.f32 v36, v38;
	v7 =	vmul.f32 v41, v39  }
0xb6: {  	v25 =	vand.u32 $0xFF, v56;
	v9 =	vmul.f32 v5, v8;
	v8 =	vcvt.s32.f32 v54  }
0xb7: {  	v25 =	vcvt.s32.f32 v25;
	v42 =	vmul.f32 v13, v33;
	v47 =	vsub.f32 $1.500000000e+00, v7  }
0xb8: {  	v7 =	vmul.f32 v2, v6;
	v22 =	vadd.f32 v8, v48;
	v6 =	vadd.f32 v15, v49  }
0xb9: {  	v17 =	vadd.f32 v53, v46;
	v37 =	vld [tilespmem:$0x150];
	v62 =	vadd.f32 v25, v57;
	v50 =	vmul.f32 v47, v39  }
0xba: {  	v45 =	vmul.f32 v42, v13;
	v25 =	vsub.f32 v22, v10;
	v8 =	vsub.f32 v6, v60  }
0xbb: {  	v17 =	vsub.f32 v22, v17;
	v10 =	vsub.f32 v6, v62;
	v59 =	vmul.f32 v50, v24  }
0xbc: {  	v4 =	vsub.f32 $1.500000000e+00, v45;
	v35 =	vmul.f32 v25, v25;
	v36 =	vmul.f32 v8, v8  }
0xbd: {  	v38 =	vmul.f32 v17, v17;
	v39 =	vmul.f32 v10, v10  }
0xbe: {  	v52 =	vld [tilespmem:$0x8D0];
	v55 =	vand.u32 $0x7F, v37;
	v41 =	vmul.f32 v12, v11;
	v13 =	vmul.f32 v4, v13  }
0xbf: {  	v24 =	vmul.f32 v59, v50;
	v4 =	vld [tilespmem:$0x50];
	v45 =	vadd.f32 v36, v35;
	v46 =	vadd.f32 v39, v38  }
0xc0: {  	v43 =	vld [tilespmem:$0x750];
	v28 =	vcvt.s32.f32 v55;
	v18 =	vadd.f32 v41, v18;
	v61 =	vmul.f32 v13, v33  }
0xc1: {  	v33 =	vld [tilespmem:$0xD0];
	v34 =	vsub.f32 $1.500000000e+00, v24;
	v14 =	vmul.f32 v45, v46;
	v24 =	vshrl.u32 v37, $0x7  }
0xc2: {  	v54 =	vld [tilespmem:$0x6D0];
	v15 =	vadd.f32 v20, v44;
	v17 =	vmul.f32 v25, v17;
	v24 =	vcvt.s32.f32 v24  }
0xc3: {  	v63 =	vmul.f32 v61, v13;
	v19 =	vmul.f32 v34, v50;
	v50 =	vld [tilespmem:$0x850];
	v57 =	vshrl.u32 v14, $0x1  }
0xc4: {  	v36 =	vld [tilespmem:$0x160];
	v49 =	vand.u32 $0x7F, v4;
	v53 =	vshrl.u32 v4, $0x7;
	v59 =	vadd.f32 v24, v52  }
0xc5: {  	v47 =	vld [tilespmem:$0x7D0];
	v62 =	vsub.s32 $0x5F3759DF, v57;
	v42 =	vsub.f32 $1.500000000e+00, v63;
	v11 =	vcvt.s32.f32 v49  }
0xc6: {  	v52 =	vld [tilespmem:$0xF0];
	v26 =	vand.u32 $0xFF, v53;
	v18 =	vmul.f32 v19, v18;
	v51 =	vand.u32 $0x7F, v33  }
0xc7: {  	v40 =	vld [tilespmem:$0x650];
	v6 =	vshrl.u32 v33, $0x7;
	v26 =	vcvt.s32.f32 v26;
	v16 =	vcvt.s32.f32 v51  }
0xc8: {  	v48 =	vmul.f32 v42, v13;
	v6 =	vcvt.s32.f32 v6;
	v58 =	vadd.f32 v28, v50  }
0xc9: {  	v33 =	vld [tilespmem:$0xE0];
	v61 =	vadd.f32 v26, v54;
	v28 =	vshrl.u32 v36, $0x7;
	v56 =	vadd.f32 v16, v43  }
0xca: {  	v41 =	vld [tilespmem:$0x7E0];
	v21 =	vadd.f32 v6, v47;
	v16 =	vmul.f32 $5.000000000e-01, v14;
	v22 =	vmul.f32 v48, v15  }
0xcb: {  	v39 =	vld [tilespmem:$0x760];
	v47 =	vand.u32 $0x7F, v36;
	v28 =	vcvt.s32.f32 v28;
	v26 =	vshrl.u32 v52, $0x7  }
0xcc: {  	v45 =	vld [tilespmem:$0x8E0];
	v60 =	vadd.f32 v11, v40;
	v25 =	vcvt.s32.f32 v47;
	v26 =	vcvt.s32.f32 v26  }
0xcd: {  	v6 =	vld [tilespmem:$0x60];
	v11 =	vsub.f32 v56, v58;
	v12 =	vsub.f32 v21, v59;
	v63 =	vmul.f32 v62, v16  }
0xce: {  	v43 =	vld [tilespmem:$0x860];
	v14 =	vsub.f32 v21, v61;
	v44 =	vand.u32 $0x7F, v33;
	v21 =	vshrl.u32 v33, $0x7  }
0xcf: {  	v15 =	vld [tilespmem:$0x70];
	v13 =	vsub.f32 v56, v60;
	v46 =	vcvt.s32.f32 v44;
	v21 =	vcvt.s32.f32 v21  }
0xd0: {  	v34 =	vmul.f32 v11, v11;
	v35 =	vmul.f32 v12, v12  }
0xd1: {  	v53 =	vadd.f32 v28, v45;
	v37 =	vmul.f32 v13, v13;
	v38 =	vmul.f32 v14, v14  }
0xd2: {  	v56 =	vld [tilespmem:$0x170];
	v40 =	vmul.f32 v62, v63;
	v49 =	vand.u32 $0x7F, v6;
	v30 =	vadd.f32 v46, v39  }
0xd3: {  	v59 =	vld [tilespmem:$0x7F0];
	v51 =	vshrl.u32 v6, $0x7;
	v21 =	vadd.f32 v21, v41;
	v23 =	vadd.f32 v25, v43  }
0xd4: {  	v57 =	vld [tilespmem:$0x770];
	v41 =	vand.u32 $0x7F, v15;
	v42 =	vadd.f32 v35, v34;
	v20 =	vadd.f32 v38, v37  }
0xd5: {  	v48 =	vld [tilespmem:$0x660];
	v19 =	vsub.f32 $1.500000000e+00, v40;
	v33 =	vand.u32 $0xFF, v51;
	v54 =	vcvt.s32.f32 v49  }
0xd6: {  	v50 =	vld [tilespmem:$0x6E0];
	v35 =	vand.u32 $0x7F, v52;
	v37 =	vshrl.u32 v15, $0x7;
	v55 =	vcvt.s32.f32 v33  }
0xd7: {  	v36 =	vld [tilespmem:$0x670];
	v23 =	vsub.f32 v30, v23;
	v24 =	vsub.f32 v21, v53;
	v61 =	vcvt.s32.f32 v35  }
0xd8: {  	v40 =	vld [tilespmem:$0x8F0];
	v26 =	vadd.f32 v26, v59;
	v43 =	vand.u32 $0x7F, v56;
	v31 =	vshrl.u32 v56, $0x7  }
0xd9: {  	v37 =	vand.u32 $0xFF, v37;
	v20 =	vmul.f32 v42, v20;
	v19 =	vmul.f32 v62, v19;
	v62 =	vld [tilespmem:$0x870]  }
0xda: {  	v27 =	vadd.f32 v54, v48;
	v42 =	vld [tilespmem:$0x6F0];
	v29 =	vcvt.s32.f32 v43;
	v31 =	vcvt.s32.f32 v31  }
0xdb: {  	v28 =	vadd.f32 v55, v50;
	v60 =	vmul.f32 v23, v23;
	v34 =	vmul.f32 v24, v24  }
0xdc: {  	v37 =	vcvt.s32.f32 v37;
	v25 =	vadd.f32 v61, v57;
	v27 =	vsub.f32 v30, v27  }
0xdd: {  	v21 =	vsub.f32 v21, v28;
	v63 =	vadd.f32 v34, v60;
	v34 =	vcvt.s32.f32 v41  }
0xde: {  	v58 =	vshrl.u32 v20, $0x1;
	v31 =	vadd.f32 v31, v40;
	v29 =	vadd.f32 v29, v62  }
0xdf: {  	v20 =	vmul.f32 $5.000000000e-01, v20;
	v34 =	vadd.f32 v34, v36;
	v30 =	vadd.f32 v37, v42  }
0xe0: {  	v44 =	vmul.f32 v27, v27;
	v31 =	vsub.f32 v26, v31;
	v29 =	vsub.f32 v25, v29  }
0xe1: {  	v45 =	vmul.f32 v21, v21;
	v25 =	vsub.f32 v25, v34;
	v26 =	vsub.f32 v26, v30  }
0xe2: {  	v33 =	vsub.s32 $0x5F3759DF, v58;
	v49 =	vmul.f32 v31, v31;
	v48 =	vmul.f32 v29, v29  }
0xe3: {  	v47 =	vadd.f32 v45, v44;
	v50 =	vmul.f32 v25, v25;
	v51 =	vmul.f32 v26, v26  }
0xe4: {  	v8 =	vmul.f32 v8, v10;
	v46 =	vmul.f32 v33, v20  }
0xe5: {  	v52 =	vmul.f32 v63, v47;
	v54 =	vadd.f32 v49, v48;
	v56 =	vadd.f32 v51, v50  }
0xe6: {  	v7 =	vadd.f32 v9, v7;
	v55 =	vmul.f32 v19, v16;
	v53 =	vmul.f32 v33, v46  }
0xe7: {  	v57 =	vshrl.u32 v52, $0x1;
	v9 =	vmul.f32 $5.000000000e-01, v52;
	v30 =	vmul.f32 v54, v56  }
0xe8: {  	v32 =	vmul.f32 v55, v19;
	v28 =	vsub.f32 $1.500000000e+00, v53;
	v35 =	vsub.s32 $0x5F3759DF, v57  }
0xe9: {  	v59 =	vmul.f32 v35, v9;
	v60 =	vshrl.u32 v30, $0x1;
	v30 =	vmul.f32 $5.000000000e-01, v30  }
0xea: {  	v32 =	vsub.f32 $1.500000000e+00, v32;
	v58 =	vmul.f32 v33, v28;
	v33 =	vsub.s32 $0x5F3759DF, v60  }
0xeb: {  	v3 =	vshrl.u32 v3, $0xF;
	v28 =	vmul.f32 v35, v59;
	v62 =	vmul.f32 v33, v30  }
0xec: {  	v3 =	vcvt.s32.f32 v3;
	v2 =	vadd.f32 v5, v2;
	v19 =	vmul.f32 v32, v19  }
0xed: {  	v8 =	vadd.f32 v8, v17;
	v28 =	vsub.f32 $1.500000000e+00, v28;
	v32 =	vmul.f32 v33, v62  }
0xee: {  	v18 =	vand.u32 $0x7FFFFFFF, v18;
	v16 =	vmul.f32 v19, v16;
	v61 =	vmul.f32 v58, v20  }
0xef: {  	v18 =	vmul.f32 v0, v18;
	v28 =	vmul.f32 v35, v28;
	v32 =	vsub.f32 $1.500000000e+00, v32  }
0xf0: {  	v4 =	vshrl.u32 v4, $0xF;
	v63 =	vmul.f32 v16, v19;
	v34 =	vmul.f32 v61, v58  }
0xf1: {  	v0 =	vadd.f32 v0, v2;
	v35 =	vmul.f32 v28, v9;
	v16 =	vmul.f32 v33, v32  }
0xf2: {  	v4 =	vcvt.s32.f32 v4;
	v7 =	vadd.f32 v18, v7;
	v34 =	vsub.f32 $1.500000000e+00, v34  }
0xf3: {  	v10 =	vsub.f32 $1.500000000e+00, v63;
	v36 =	vmul.f32 v35, v28;
	v38 =	vmul.f32 v16, v30  }
0xf4: {  	v0 =	vadd.f32 v1, v0;
	v11 =	vmul.f32 v11, v13;
	v5 =	vmul.f32 v34, v58  }
0xf5: {  	v10 =	vmul.f32 v10, v19;
	v17 =	vsub.f32 $1.500000000e+00, v36;
	v40 =	vmul.f32 v38, v16  }
0xf6: {  	v12 =	vmul.f32 v12, v14;
	v37 =	vand.u32 $0x7FFFFFFF, v22;
	v20 =	vmul.f32 v5, v20  }
0xf7: {  	v39 =	vmul.f32 v10, v8;
	v41 =	vmul.f32 v17, v28;
	v8 =	vsub.f32 $1.500000000e+00, v40  }
0xf8: {  	v0 =	vadd.f32 v3, v0;
	v18 =	vmul.f32 v1, v37;
	v42 =	vmul.f32 v20, v5  }
0xf9: {  	v46 =	vadd.f32 v12, v11;
	v9 =	vmul.f32 v41, v9;
	v44 =	vmul.f32 v8, v16  }
0xfa: {  	v53 =	vmul.f32 v31, v26;
	v48 =	vmul.f32 v23, v27;
	v2 =	vand.u32 $0x7FFFFFFF, v39  }
0xfb: {  	v43 =	vsub.f32 $1.500000000e+00, v42;
	v45 =	vmul.f32 v9, v41;
	v47 =	vmul.f32 v44, v30  }
0xfc: {  	v7 =	vadd.f32 v18, v7;
	v49 =	vmul.f32 v24, v21;
	v2 =	vmul.f32 v3, v2  }
0xfd: {  	v5 =	vmul.f32 v43, v5;
	v8 =	vsub.f32 $1.500000000e+00, v45;
	v50 =	vmul.f32 v47, v44  }
0xfe: {  	v52 =	vmul.f32 v29, v25;
	v51 =	vadd.f32 v49, v48;
	v2 =	vadd.f32 v2, v7  }
0xff: {  	v5 =	vmul.f32 v5, v46;
	v8 =	vmul.f32 v8, v41;
	v7 =	vsub.f32 $1.500000000e+00, v50  }
0x100: {  	v6 =	vshrl.u32 v6, $0xF;
	v0 =	vadd.f32 v4, v0;
	v54 =	vadd.f32 v53, v52  }
0x101: {  	v5 =	vand.u32 $0x7FFFFFFF, v5;
	v8 =	vmul.f32 v8, v51;
	v1 =	vmul.f32 v7, v44  }
0x102: {  	v56 =	vcvt.s32.f32 v6;
	v61 =	vimm.f32 $0.0e+00;
	v55 =	vmul.f32 v4, v5  }
0x103: {  	v58 =	vshrl.u32 v15, $0xF;
	v57 =	vand.u32 $0x7FFFFFFF, v8;
	v1 =	vmul.f32 v1, v54  }
0x104: {  	[tilespmem:$0xA30] =	vst v61;
	v60 =	vcvt.s32.f32 v58;
	v2 =	vadd.f32 v55, v2;
	v59 =	vmul.f32 v56, v57  }
0x105: {  	s31 =	sor.u32 $0x10, s3;
	v0 =	vadd.f32 v56, v0;
	[tilespmem:$0xA40] =	vst v61;
	v1 =	vand.u32 $0x7FFFFFFF, v1  }
0x106: {  	v63 =	vmov s31;
	[tilespmem:$0xA50] =	vst v61;
	v2 =	vadd.f32 v59, v2;
	v1 =	vmul.f32 v60, v1  }
0x107: {  	[tilespmem:$0xB10] =	vst v63;
	v62 =	vmov s3;
	v0 =	vadd.f32 v60, v0  }
0x108: {  	[tilespmem:$0xB00] =	vst v62;
	v1 =	vadd.f32 v1, v2  }
0x109: {  	p0 =	sne.s32 s3, $0x0;
	[tilespmem:$0xA10] =	vst v0  }
0x10a: {  	s5 =	simm.s32 @p0 $0xA00;
	[tilespmem:$0xA00] =	vst v1  }
0x10b: {  	s4 =	simm.s32 @p0 $0xB00;
	s3 =	simm.s32 @p0 $0x20;
	[bflag:$0x0] =	sbarrier.arrive @p0 $0xFFFF  }
0x10c: {  	[spmem:s2] =	stream.indirect.scatter.add.f32 @p0 [tilespmem:s5], [sflag:$0x2], $0x1, s4, s3, $0xb8;
	[tilespmem:$0xC08] =	vst v63  }
0x10d: {  	s3 =	simm.s32 @p0 $0x2  }
0x10e: {  	_ =	swait.ge @p0 [sflag:s3], $0x20  }
0x10f: {  	[sflag:s3] =	ssyncset.done @p0 $0x0  }
0x110: {  	[sflag:s3] =	ssyncadd.s32 @p0 $0xFFFFFFE0  }
0x111: {  	s3 =	simm.s32 @!p0 $0xA30;
	[bflag:$0x0] =	sbarrier.arrive @p0 $0xFFFF  }
0x112: {  	[spmem:s2] =	stream.linear.scatter @!p0 [tilespmem:s3], [sflag:$0x2], $0x30, $0x38;
	[tilespmem:$0xC08] =	vst v63  }
0x113: {  	s3 =	simm.s32 @!p0 $0x2  }
0x114: {  	_ =	swait.ge @!p0 [sflag:s3], $0x30  }
0x115: {  	[sflag:s3] =	ssyncset.done @!p0 $0x0  }
0x116: {  	s6 =	simm.s32 @!p0 $0xA00;
	[sflag:s3] =	ssyncadd.s32 @!p0 $0xFFFFFFD0  }
0x117: {  	s4 =	simm.s32 @!p0 $0x20;
	s5 =	simm.s32 @!p0 $0xB00;
	[bflag:$0x0] =	sbarrier.arrive @!p0 $0xFFFF  }
0x118: {  	[spmem:s2] =	stream.indirect.scatter.add.f32 @!p0 [tilespmem:s6], [sflag:$0x2], $0x1, s5, s4, $0xb8;
	[tilespmem:$0xC08] =	vst v63  }
0x119: {  	_ =	swait.ge @!p0 [sflag:s3], $0x20  }
0x11a: {  	[sflag:s3] =	ssyncset.done @!p0 $0x0  }
0x11b: {  	[sflag:s3] =	ssyncadd.s32 @!p0 $0xFFFFFFE0  }
0x11c: {  	s5 =	simm.s32 @!p0 $0xA60;
	[bflag:$0x0] =	sbarrier.arrive @!p0 $0xFFFF  }
0x11d: {  	[tilespmem:s5], [sflag:$0x2] =	stream.linear.gather @!p0 [spmem:s2], $0x30, $0x38;
	[tilespmem:$0xC08] =	vst v63  }
0x11e: {  	_ =	swait.ge @!p0 [sflag:s3], $0x30  }
0x11f: {  	[sflag:s3] =	ssyncset.done @!p0 $0x0  }
0x120: {  	[sflag:s3] =	ssyncadd.s32 @!p0 $0xFFFFFFD0  }
0x121: {  	v0 =	vld @!p0 [tilespmem:$0xA70];
	_ =	sdelay $0x4  }
0x122: {  	v0 =	vadd.f32 @!p0 $9.999999740e-05, v0;
	_ =	sdelay $0x1  }
0x123: {  	(erf) = vrcp.f32 @!p0 v0;
	_ =	sdelay $0x4  }
0x124: {  	v0 =	vld @!p0 [tilespmem:$0xA60];
	_ =	sdelay $0x3  }
0x125: {  	v1 =	vpop @!p0 (erf)  }
0x126: {  	v0 =	vmul.f32 @!p0 v1, v0;
	_ =	sdelay $0x1  }
0x127: {  	[tilespmem:$0xA20] =	vst @!p0 v0;
	v0 =	vimm.s32 @!p0 $0x20  }
0x128: {  	[tilespmem:$0xB80] =	vst @!p0 v0;
	v0 =	vimm.s32 @!p0 $0x28  }
0x129: {  	s6 =	simm.s32 @!p0 $0xA20;
	s5 =	simm.s32 @!p0 $0xB80;
	[tilespmem:$0xB90] =	vst @!p0 v0  }
0x12a: {  	[spmem:s2] =	stream.indirect.scatter.add.f32 @!p0 [tilespmem:s6], [sflag:$0x2], $0x1, s5, s4, $0xb8;
	[tilespmem:$0xC08] =	vst v63  }
0x12b: {  	_ =	swait.ge @!p0 [sflag:s3], $0x20  }
0x12c: {  	[sflag:s3] =	ssyncset.done @!p0 $0x0  }
0x12d: {  	s2 =	sadd.s32 @!p0 $0x20, s2;
	s4 =	simm.s32 @!p0 $0xA90;
	[sflag:s3] =	ssyncadd.s32 @!p0 $0xFFFFFFE0  }
0x12e: {  	[tilespmem:s4], [sflag:$0x2] =	stream.linear.gather @!p0 [spmem:s2], $0x10, $0x38;
	[tilespmem:$0xC08] =	vst v63  }
0x12f: {  	_ =	swait.ge @!p0 [sflag:s3], $0x10  }
0x130: {  	[sflag:s3] =	ssyncset.done @!p0 $0x0  }
0x131: {  	s2 =	simm.s32 @!p0 $0x0;
	[sflag:s3] =	ssyncadd.s32 @!p0 $0xFFFFFFF0  }
0x132: {  	[hbm4b:s1+s2] =	stream.linear.scatter @!p0 [tilespmem:s4], [sflag:$0x2], $0x1, $0x38;
	[tilespmem:$0xC08] =	vst v63  }
0x133: {  	_ =	swait.ge @!p0 [sflag:s3], $0x1  }
0x134: {  	[sflag:s3] =	ssyncset.done @!p0 $0x0  }
0x135: {  	[sflag:s3] =	ssyncadd.s32 @!p0 $0xFFFFFFFF  }
0x136: {  	_ =	sfence.sel $0x180000  }
0x137: {  	[bflag:$0x0] =	sbarrier.arrive $0xFFFF  }
0x138: {  	_ =	strace $0x90000047  }
0x139: {  	s0 =	sadd.s32 @!p0 $0x100000, s0;
	[bflag:$0x2] =	sbarrier.arrive $0xFFFF  }
0x13a: {  	[sflag:s0] =	ssyncadd.tile.s32 @!p0 $0x1;
	_ =	shalt  }
.Lfunc_end2:
_tile_overlayer_lowered:
.L_overlay_start_2:
0x13b: {  	(tag) =	ssettag $0x2  }
0x13c: {  	s0 =	rddreg [dreg:$0x0];
	s2 =	stileid.u32  }
0x13d: {  	s1 =	rddreg [dreg:$0x1];
	p0 =	sne.s32 s2, $0x0  }
0x13e: {  	s3 =	rddreg [dreg:$0x2];
	[bflag:$0x3] =	sbarrier.arrive $0xFFFF;
	s2 =	simm.s32 @!p0 $0x1C02  }
0x13f: {  	[timem:s3], [sflag:s2] =	dma.local @!p0 [hbm:s0], s1  }
0x140: {  	s0 =	simm.s32 @!p0 $0x2  }
0x141: {  	_ =	swait.ge @!p0 [sflag:s0], s1  }
0x142: {  	s1 =	ssub.s32 @!p0 $0x0, s1;
	[sflag:s0] =	ssyncset.done @!p0 $0x0  }
0x143: {  	[sflag:s0] =	ssyncadd.s32 @!p0 s1  }
0x144: {  	[bflag:$0x3] =	sbarrier.arrive $0xFFFF  }
0x145: {  	_ =	shalt  }

</sc_bundles>
